<compile_context>
chip_gen: v7x
topology: tpu7x:2x2x1
jax: 0.10.2.dev20260603
libtpu: 0.0.44.dev20260713+nightly
codegen_flags: <defaults>
</compile_context>

<pallas_src>
import functools

import jax
import jax.numpy as jnp
from jax import lax
from jax.experimental import pallas as pl
from jax.experimental.pallas import tpu as pltpu
from jax.experimental.pallas import tpu_sc as plsc

S = 2048
D = 1024
F = 2048
E = 8
K = 2
EP = 128
BLK = 256
NB = 24
ROWS = NB * BLK
NBT = 16
P = S * K

NC, NS = 2, 16
NW = NC * NS
TPW = S // NW
CHUNK = 32

_NEG = -1e30



RB = 1024


def _router_body(x_ref, rw_ref, rb_ref, probs_ref, meta_ref):
    lT = lax.dot_general(rw_ref[...], x_ref[...], (((0,), (1,)), ((), ())),
                         preferred_element_type=jnp.float32) + rb_ref[...]
    l8 = lT[:E, :]
    row = lax.broadcasted_iota(jnp.int32, (E, RB), 0)
    rowf = row.astype(jnp.float32)

    m = jnp.max(l8, axis=0, keepdims=True)
    ex = jnp.exp(l8 - m)
    probs_ref[...] = ex / jnp.sum(ex, axis=0, keepdims=True)

    m1 = jnp.max(l8, axis=0, keepdims=True)
    i1 = jnp.min(jnp.where(l8 == m1, rowf, EP), axis=0, keepdims=True)
    l2 = jnp.where(rowf == i1, _NEG, l8)
    m2 = jnp.max(l2, axis=0, keepdims=True)
    i2 = jnp.min(jnp.where(l2 == m2, rowf, EP), axis=0, keepdims=True)

    a = jnp.exp(m2 - m1)
    w1 = 1.0 / (1.0 + a)
    w2 = 1.0 - w1
    meta_ref[...] = jnp.where(row == 0, i1,
                    jnp.where(row == 1, i2,
                    jnp.where(row == 2, w1,
                    jnp.where(row == 3, w2, 0.0))))


def _router(flat_x, rw_pad, rb_padT, *, interpret=False):
    return pl.pallas_call(
        _router_body,
        grid=(S // RB,),
        in_specs=[
            pl.BlockSpec((RB, D), lambda i: (i, 0)),
            pl.BlockSpec((D, EP), lambda i: (0, 0)),
            pl.BlockSpec((EP, 1), lambda i: (0, 0)),
        ],
        out_specs=[
            pl.BlockSpec((E, RB), lambda i: (0, i)),
            pl.BlockSpec((E, RB), lambda i: (0, i)),
        ],
        out_shape=[
            jax.ShapeDtypeStruct((E, S), jnp.float32),
            jax.ShapeDtypeStruct((E, S), jnp.float32),
        ],
        interpret=interpret,
    )(flat_x, rw_pad, rb_padT)



def _dispatch_body(e_ref, dest_ref, be_ref):
    jp0 = lax.broadcasted_iota(jnp.int32, (EP, EP), 0)
    jp1 = lax.broadcasted_iota(jnp.int32, (EP, EP), 1)
    e_of = (lax.broadcasted_iota(jnp.int32, (BLK, EP), 1) % E).astype(jnp.float32)

    rr = lax.broadcasted_iota(jnp.int32, (NBT, EP), 0)
    rc = lax.broadcasted_iota(jnp.int32, (NBT, EP), 1)
    rep = (rr == rc // E).astype(jnp.float32)
    e_rep = jnp.dot(e_ref[...], rep, preferred_element_type=jnp.float32)
    oh = (e_rep == e_of).astype(jnp.float32)

    t0 = lax.broadcasted_iota(jnp.int32, (BLK, BLK), 0)
    t1 = lax.broadcasted_iota(jnp.int32, (BLK, BLK), 1)
    tri = (t1 < t0).astype(jnp.float32)
    r_in = jnp.dot(tri, oh, preferred_element_type=jnp.float32)
    ctot = r_in[BLK - 1:BLK, :] + oh[BLK - 1:BLK, :]

    same_e = (jp0 % E == jp1 % E)
    m_bef = (same_e & (jp0 // E < jp1 // E)).astype(jnp.float32)
    before = jnp.dot(ctot, m_bef, preferred_element_type=jnp.float32)
    m_tot = same_e.astype(jnp.float32)
    tot = jnp.dot(ctot, m_tot, preferred_element_type=jnp.float32)
    nblk = jnp.ceil(tot / BLK)
    m_off = ((jp0 // E == 0) & (jp0 % E < jp1 % E)).astype(jnp.float32)
    offb = jnp.dot(nblk, m_off, preferred_element_type=jnp.float32)

    destw = oh * (offb * BLK + before + r_in)
    sg0 = lax.broadcasted_iota(jnp.int32, (EP, NBT), 0)
    sg1 = lax.broadcasted_iota(jnp.int32, (EP, NBT), 1)
    m_sum = (sg0 // E == sg1).astype(jnp.float32)
    dest = jnp.dot(destw, m_sum, preferred_element_type=jnp.float32,
                   precision=lax.Precision.HIGHEST)
    dest_ref[...] = dest.astype(jnp.int32)

    b0 = lax.broadcasted_iota(jnp.int32, (NB + 8, EP), 0).astype(jnp.float32)
    lj = lax.broadcasted_iota(jnp.int32, (NB + 8, EP), 1)
    inb = (b0 >= offb) & (b0 < offb + nblk) & (lj < E)
    ef = (lj % E).astype(jnp.float32)
    vld = jnp.sum(inb.astype(jnp.float32), axis=1, keepdims=True)
    ecol = jnp.sum(jnp.where(inb, ef, 0.0), axis=1, keepdims=True) \
        + (E - 1.0) * (1.0 - vld)
    lz = lax.broadcasted_iota(jnp.int32, (NB + 8, 8), 1)
    be_ref[...] = jnp.where(lz == 0, ecol,
                            jnp.where(lz == 1, vld, 0.0)).astype(jnp.int32)


def _dispatch(e_cm, *, interpret=False):
    return pl.pallas_call(
        _dispatch_body,
        grid=(1,),
        in_specs=[pl.BlockSpec((BLK, NBT), lambda g: (0, 0))],
        out_specs=[
            pl.BlockSpec((BLK, NBT), lambda g: (0, 0)),
            pl.BlockSpec((NB + 8, 8), lambda g: (0, 0)),
        ],
        out_shape=[
            jax.ShapeDtypeStruct((BLK, NBT), jnp.int32),
            jax.ShapeDtypeStruct((NB + 8, 8), jnp.int32),
        ],
        interpret=interpret,
    )(e_cm)



def _scatter_sc(flat_x, dest, wpair):
    mesh = plsc.VectorSubcoreMesh(core_axis_name="c", subcore_axis_name="s")

    H = TPW // 2

    @functools.partial(
        pl.kernel,
        out_type=(jax.ShapeDtypeStruct((ROWS, D), jnp.float32),
                  jax.ShapeDtypeStruct((ROWS,), jnp.float32)),
        mesh=mesh,
        scratch_types=[
            pltpu.VMEM((H,), jnp.int32),
            pltpu.VMEM((H,), jnp.int32),
            pltpu.VMEM((H,), jnp.int32),
            pltpu.VMEM((H,), jnp.int32),
            pltpu.VMEM((TPW,), jnp.float32),
            pltpu.VMEM((TPW,), jnp.float32),
            pltpu.VMEM((H, D), jnp.float32),
            pltpu.VMEM((H, D), jnp.float32),
            pltpu.SemaphoreType.DMA,
            pltpu.SemaphoreType.DMA,
            pltpu.SemaphoreType.DMA,
        ],
    )
    def k(x_hbm, dest_hbm, w_hbm, xs_hbm, wrow_hbm,
          i0a, i0b, i1a, i1b, w0_v, w1_v, ra, rb, semA, semB, semS):
        wid = lax.axis_index("s") * NC + lax.axis_index("c")
        base = wid * TPW
        la = [pltpu.async_copy(dest_hbm.at[pl.ds(base, H)], i0a, semA),
              pltpu.async_copy(dest_hbm.at[pl.ds(S + base, H)], i1a, semA),
              pltpu.async_copy(w_hbm.at[pl.ds(base, TPW)], w0_v, semA),
              pltpu.async_copy(w_hbm.at[pl.ds(S + base, TPW)], w1_v, semA),
              pltpu.async_copy(x_hbm.at[pl.ds(base, H)], ra, semA)]
        lb = [pltpu.async_copy(dest_hbm.at[pl.ds(base + H, H)], i0b, semB),
              pltpu.async_copy(dest_hbm.at[pl.ds(S + base + H, H)], i1b, semB),
              pltpu.async_copy(x_hbm.at[pl.ds(base + H, H)], rb, semB)]
        for c in la:
            c.wait()
        sa = [pltpu.async_copy(ra, xs_hbm.at[i0a], semS),
              pltpu.async_copy(ra, xs_hbm.at[i1a], semS),
              pltpu.async_copy(w0_v.at[pl.ds(0, H)], wrow_hbm.at[i0a], semS),
              pltpu.async_copy(w1_v.at[pl.ds(0, H)], wrow_hbm.at[i1a], semS)]
        for c in lb:
            c.wait()
        sb = [pltpu.async_copy(rb, xs_hbm.at[i0b], semS),
              pltpu.async_copy(rb, xs_hbm.at[i1b], semS),
              pltpu.async_copy(w0_v.at[pl.ds(H, H)], wrow_hbm.at[i0b], semS),
              pltpu.async_copy(w1_v.at[pl.ds(H, H)], wrow_hbm.at[i1b], semS)]
        for c in sa + sb:
            c.wait()

    return k(flat_x, dest, wpair)



def _ffn_body(be_ref, vld_ref, xs_ref, wg_ref, bg_ref, wu_ref, bu_ref,
              wd_ref, bd_ref, wrow_ref, ys_ref):
    b = pl.program_id(0)

    @pl.when(vld_ref[b] == 1)
    def _compute():
        x = xs_ref[...]
        g = jnp.dot(x, wg_ref[0], preferred_element_type=jnp.float32) + bg_ref[0]
        u = jnp.dot(x, wu_ref[0], preferred_element_type=jnp.float32) + bu_ref[0]
        h = g * jax.nn.sigmoid(g) * u
        y = jnp.dot(h, wd_ref[0], preferred_element_type=jnp.float32) + bd_ref[0]
        ys_ref[...] = y * wrow_ref[0]


def _ffn(xs, wg, bg, wu, bu, wd, bd, wrow3, be, vld, *, interpret=False):
    grid_spec = pltpu.PrefetchScalarGridSpec(
        num_scalar_prefetch=2,
        grid=(NB,),
        in_specs=[
            pl.BlockSpec((BLK, D), lambda b, be, vld: (b, 0)),
            pl.BlockSpec((1, D, F), lambda b, be, vld: (be[b], 0, 0)),
            pl.BlockSpec((1, 1, F), lambda b, be, vld: (be[b], 0, 0)),
            pl.BlockSpec((1, D, F), lambda b, be, vld: (be[b], 0, 0)),
            pl.BlockSpec((1, 1, F), lambda b, be, vld: (be[b], 0, 0)),
            pl.BlockSpec((1, F, D), lambda b, be, vld: (be[b], 0, 0)),
            pl.BlockSpec((1, 1, D), lambda b, be, vld: (be[b], 0, 0)),
            pl.BlockSpec((1, BLK, 1), lambda b, be, vld: (b, 0, 0)),
        ],
        out_specs=pl.BlockSpec((BLK, D), lambda b, be, vld: (b, 0)),
    )
    return pl.pallas_call(
        _ffn_body,
        grid_spec=grid_spec,
        out_shape=jax.ShapeDtypeStruct((ROWS, D), jnp.float32),
        compiler_params=pltpu.CompilerParams(
            vmem_limit_bytes=120 * 1024 * 1024),
        interpret=interpret,
    )(be, vld, xs, wg, bg, wu, bu, wd, bd, wrow3)



def _combine_sc(ys, dest):
    mesh = plsc.VectorSubcoreMesh(core_axis_name="c", subcore_axis_name="s")
    nch = TPW // CHUNK

    @functools.partial(
        pl.kernel,
        out_type=jax.ShapeDtypeStruct((S, D), jnp.float32),
        mesh=mesh,
        scratch_types=[
            pltpu.VMEM((CHUNK,), jnp.int32),
            pltpu.VMEM((CHUNK,), jnp.int32),
            pltpu.VMEM((CHUNK, D), jnp.float32),
            pltpu.VMEM((CHUNK, D), jnp.float32),
            pltpu.VMEM((CHUNK, D), jnp.float32),
            pltpu.SemaphoreType.DMA,
        ],
    )
    def k(ys_hbm, dest_hbm, out_hbm, i0_v, i1_v, a_v, b_v, o_v, sem):
        wid = lax.axis_index("s") * NC + lax.axis_index("c")
        base = wid * TPW

        def chunk(c, _):
            cb = base + c * CHUNK
            pltpu.sync_copy(dest_hbm.at[pl.ds(cb, CHUNK)], i0_v)
            pltpu.sync_copy(dest_hbm.at[pl.ds(S + cb, CHUNK)], i1_v)
            g0 = pltpu.async_copy(ys_hbm.at[i0_v], a_v, sem)
            g1 = pltpu.async_copy(ys_hbm.at[i1_v], b_v, sem)
            g0.wait()
            g1.wait()

            def tok(i, _):
                for v in range(D // 16):
                    sl = pl.ds(v * 16, 16)
                    o_v[i, sl] = a_v[i, sl] + b_v[i, sl]
                return 0

            lax.fori_loop(0, CHUNK, tok, 0)
            pltpu.sync_copy(o_v, out_hbm.at[pl.ds(cb, CHUNK)])
            return 0

        lax.fori_loop(0, nch, chunk, 0)

    return k(ys, dest)



def kernel(x, router_w, router_b, wg, bg, wu, bu, wd, bd):
    bsz, seq, _ = x.shape
    flat_x = x.reshape(S, D)
    rw_pad = jnp.zeros((D, EP), jnp.float32).at[:, :E].set(router_w)
    rb_padT = jnp.zeros((EP, 1), jnp.float32).at[:E, 0].set(router_b)

    probsT, meta = _router(flat_x, rw_pad, rb_padT)
    i1 = meta[0].astype(jnp.int32)
    i2 = meta[1].astype(jnp.int32)

    e_cm = jnp.concatenate([meta[0].reshape(E, BLK).T,
                            meta[1].reshape(E, BLK).T], axis=1)
    dest2d, bev = _dispatch(e_cm)
    dest = dest2d.T.reshape(P)
    be = bev[:NB, 0]
    vld = bev[:NB, 1]

    wpair = jnp.concatenate([meta[2], meta[3]])
    xs, wrow = _scatter_sc(flat_x, dest, wpair)
    ys = _ffn(xs, wg, bg.reshape(E, 1, F), wu, bu.reshape(E, 1, F),
              wd, bd.reshape(E, 1, D), wrow.reshape(NB, BLK, 1), be, vld)
    out = _combine_sc(ys, dest)

    return (out.reshape(bsz, seq, D),
            probsT.T.reshape(bsz, seq, E),
            jnp.stack([i1, i2], axis=1).reshape(bsz, seq, K))

# --- scband reference (transcript-rebuilt; emitter-appended) ---
"""Pipeline reference for scband-mo-efeed-forward-85633057948178 (READ-ONLY COPY).

The authoritative reference and input builder live on the scoring server;
editing this copy changes nothing except your own understanding.
"""

import jax, jax.numpy as jnp
import numpy as np

B, S, D_MODEL = 1, 2048, 1024
D_FF = 2048
E = 8
K = 2


def setup_inputs(seed: int = 0) -> dict:
    key = jax.random.key(seed)
    ks = jax.random.split(key, 8)

    def init_w(k, shape, fan_in):
        return (jax.random.normal(k, shape, dtype=jnp.float32) * (1.0 / np.sqrt(fan_in))).astype(jnp.float32)

    x = jax.random.normal(ks[0], (B, S, D_MODEL), dtype=jnp.float32)
    router_w = init_w(ks[1], (D_MODEL, E), D_MODEL)
    router_b = jnp.zeros((E,), dtype=jnp.float32)
    wg = init_w(ks[2], (E, D_MODEL, D_FF), D_MODEL)
    bg = jnp.zeros((E, D_FF), dtype=jnp.float32)
    wu = init_w(ks[3], (E, D_MODEL, D_FF), D_MODEL)
    bu = jnp.zeros((E, D_FF), dtype=jnp.float32)
    wd = init_w(ks[4], (E, D_FF, D_MODEL), D_FF)
    bd = jnp.zeros((E, D_MODEL), dtype=jnp.float32)
    return {"x": x, "router_w": router_w, "router_b": router_b,
            "wg": wg, "bg": bg, "wu": wu, "bu": bu, "wd": wd, "bd": bd}


def reference(x, router_w, router_b, wg, bg, wu, bu, wd, bd):
    bsz, seq_len, d_model = x.shape
    flat_x = x.reshape(-1, d_model)
    logits = flat_x @ router_w + router_b
    router_probs = jax.nn.softmax(logits, axis=-1)
    topk_vals, topk_idx = jax.lax.top_k(logits, K)
    topk_probs = jax.nn.softmax(topk_vals, axis=-1)
    out = jnp.zeros_like(flat_x)
    for expert_id in range(E):
        gated = jax.nn.silu(flat_x @ wg[expert_id] + bg[expert_id]) * (flat_x @ wu[expert_id] + bu[expert_id])
        expert_out = gated @ wd[expert_id] + bd[expert_id]
        for slot in range(K):
            mask = (topk_idx[:, slot] == expert_id).astype(flat_x.dtype)[:, None]
            weights = topk_probs[:, slot:slot + 1]
            out = out + expert_out * weights * mask
    return (out.reshape(bsz, seq_len, d_model),
            router_probs.reshape(bsz, seq_len, E),
            topk_idx.reshape(bsz, seq_len, K))

if __name__ == "__main__":
    import jax
    _d = setup_inputs()
    print(jax.jit(kernel)(*tuple(_d.values())))

</pallas_src>

<mosaic_0001>
#map = affine_map<(d0, d1) -> (0, 0)>
#map1 = affine_map<(d0, d1) -> (0)>
module attributes {stable_mosaic.version = 14 : i64} {
  func.func @k(%arg0: i32, %arg1: i32, %arg2: memref<2048x1024xf32, #tpu.memory_space<hbm>>, %arg3: memref<4096xi32, #tpu.memory_space<hbm>>, %arg4: memref<4096xf32, #tpu.memory_space<hbm>>, %arg5: memref<6144x1024xf32, #tpu.memory_space<hbm>>, %arg6: memref<6144xf32, #tpu.memory_space<hbm>>, %arg7: memref<32xi32, #tpu.memory_space<vmem>>, %arg8: memref<32xi32, #tpu.memory_space<vmem>>, %arg9: memref<32xi32, #tpu.memory_space<vmem>>, %arg10: memref<32xi32, #tpu.memory_space<vmem>>, %arg11: memref<64xf32, #tpu.memory_space<vmem>>, %arg12: memref<64xf32, #tpu.memory_space<vmem>>, %arg13: memref<32x1024xf32, #tpu.memory_space<vmem>>, %arg14: memref<32x1024xf32, #tpu.memory_space<vmem>>, %arg15: memref<!tpu.dma_semaphore, #tpu.memory_space<semaphore_mem>>, %arg16: memref<!tpu.dma_semaphore, #tpu.memory_space<semaphore_mem>>, %arg17: memref<!tpu.dma_semaphore, #tpu.memory_space<semaphore_mem>>) attributes {dimension_semantics = [#tpu.dimension_semantics<core_parallel>, #tpu.dimension_semantics<subcore_parallel>], iteration_bounds = array<i64: 2, 16>, scalar_prefetch = 0 : i64, scratch_operands = 11 : i64, tpu.core_type = #tpu.core_type<sc_vector_subcore>, window_params = [{transform_indices = #map}, {transform_indices = #map1}, {transform_indices = #map1}, {transform_indices = #map}, {transform_indices = #map1}]} {
    %mul3A = arith.constant 2 : i32
    %mul3A_0 = arith.muli %arg1, %mul3A : i32
    %add3A = arith.addi %mul3A_0, %arg0 : i32
    %mul3A_1 = arith.constant 64 : i32
    %mul3A_2 = arith.muli %add3A, %mul3A_1 : i32
    %dma_start3A = tpu.memref_slice %arg3[%mul3A_2] : memref<4096xi32, #tpu.memory_space<hbm>> -> memref<32xi32, #tpu.memory_space<hbm>>
    %dma_start3A_3 = tpu.memref_slice %arg3[%mul3A_2] : memref<4096xi32, #tpu.memory_space<hbm>> -> memref<32xi32, #tpu.memory_space<hbm>>
    tpu.enqueue_dma source(%dma_start3A_3 : memref<32xi32, #tpu.memory_space<hbm>>) target(%arg7 : memref<32xi32, #tpu.memory_space<vmem>>) target_semaphore(%arg15 : memref<!tpu.dma_semaphore, #tpu.memory_space<semaphore_mem>>)
    %add3A_4 = arith.constant 2048 : i32
    %add3A_5 = arith.addi %add3A_4, %mul3A_2 : i32
    %dma_start3A_6 = tpu.memref_slice %arg3[%add3A_5] : memref<4096xi32, #tpu.memory_space<hbm>> -> memref<32xi32, #tpu.memory_space<hbm>>
    %dma_start3A_7 = tpu.memref_slice %arg3[%add3A_5] : memref<4096xi32, #tpu.memory_space<hbm>> -> memref<32xi32, #tpu.memory_space<hbm>>
    tpu.enqueue_dma source(%dma_start3A_7 : memref<32xi32, #tpu.memory_space<hbm>>) target(%arg9 : memref<32xi32, #tpu.memory_space<vmem>>) target_semaphore(%arg15 : memref<!tpu.dma_semaphore, #tpu.memory_space<semaphore_mem>>)
    %dma_start3A_8 = tpu.memref_slice %arg4[%mul3A_2] : memref<4096xf32, #tpu.memory_space<hbm>> -> memref<64xf32, #tpu.memory_space<hbm>>
    %dma_start3A_9 = tpu.memref_slice %arg4[%mul3A_2] : memref<4096xf32, #tpu.memory_space<hbm>> -> memref<64xf32, #tpu.memory_space<hbm>>
    tpu.enqueue_dma source(%dma_start3A_9 : memref<64xf32, #tpu.memory_space<hbm>>) target(%arg11 : memref<64xf32, #tpu.memory_space<vmem>>) target_semaphore(%arg15 : memref<!tpu.dma_semaphore, #tpu.memory_space<semaphore_mem>>)
    %add3A_10 = arith.constant 2048 : i32
    %add3A_11 = arith.addi %add3A_10, %mul3A_2 : i32
    %dma_start3A_12 = tpu.memref_slice %arg4[%add3A_11] : memref<4096xf32, #tpu.memory_space<hbm>> -> memref<64xf32, #tpu.memory_space<hbm>>
    %dma_start3A_13 = tpu.memref_slice %arg4[%add3A_11] : memref<4096xf32, #tpu.memory_space<hbm>> -> memref<64xf32, #tpu.memory_space<hbm>>
    tpu.enqueue_dma source(%dma_start3A_13 : memref<64xf32, #tpu.memory_space<hbm>>) target(%arg12 : memref<64xf32, #tpu.memory_space<vmem>>) target_semaphore(%arg15 : memref<!tpu.dma_semaphore, #tpu.memory_space<semaphore_mem>>)
    %dma_start3A_14 = arith.constant 0 : i32
    %dma_start3A_15 = tpu.memref_slice %arg2[%mul3A_2, %dma_start3A_14] : memref<2048x1024xf32, #tpu.memory_space<hbm>> -> memref<32x1024xf32, #tpu.memory_space<hbm>>
    %dma_start3A_16 = arith.constant 0 : i32
    %dma_start3A_17 = tpu.memref_slice %arg2[%mul3A_2, %dma_start3A_16] : memref<2048x1024xf32, #tpu.memory_space<hbm>> -> memref<32x1024xf32, #tpu.memory_space<hbm>>
    tpu.enqueue_dma source(%dma_start3A_17 : memref<32x1024xf32, #tpu.memory_space<hbm>>) target(%arg13 : memref<32x1024xf32, #tpu.memory_space<vmem>>) target_semaphore(%arg15 : memref<!tpu.dma_semaphore, #tpu.memory_space<semaphore_mem>>)
    %add3A_18 = arith.constant 32 : i32
    %add3A_19 = arith.addi %mul3A_2, %add3A_18 : i32
    %dma_start3A_20 = tpu.memref_slice %arg3[%add3A_19] : memref<4096xi32, #tpu.memory_space<hbm>> -> memref<32xi32, #tpu.memory_space<hbm>>
    %dma_start3A_21 = tpu.memref_slice %arg3[%add3A_19] : memref<4096xi32, #tpu.memory_space<hbm>> -> memref<32xi32, #tpu.memory_space<hbm>>
    tpu.enqueue_dma source(%dma_start3A_21 : memref<32xi32, #tpu.memory_space<hbm>>) target(%arg8 : memref<32xi32, #tpu.memory_space<vmem>>) target_semaphore(%arg16 : memref<!tpu.dma_semaphore, #tpu.memory_space<semaphore_mem>>)
    %add3A_22 = arith.constant 2048 : i32
    %add3A_23 = arith.addi %add3A_22, %mul3A_2 : i32
    %add3A_24 = arith.constant 32 : i32
    %add3A_25 = arith.addi %add3A_23, %add3A_24 : i32
    %dma_start3A_26 = tpu.memref_slice %arg3[%add3A_25] : memref<4096xi32, #tpu.memory_space<hbm>> -> memref<32xi32, #tpu.memory_space<hbm>>
    %dma_start3A_27 = tpu.memref_slice %arg3[%add3A_25] : memref<4096xi32, #tpu.memory_space<hbm>> -> memref<32xi32, #tpu.memory_space<hbm>>
    tpu.enqueue_dma source(%dma_start3A_27 : memref<32xi32, #tpu.memory_space<hbm>>) target(%arg10 : memref<32xi32, #tpu.memory_space<vmem>>) target_semaphore(%arg16 : memref<!tpu.dma_semaphore, #tpu.memory_space<semaphore_mem>>)
    %add3A_28 = arith.constant 32 : i32
    %add3A_29 = arith.addi %mul3A_2, %add3A_28 : i32
    %dma_start3A_30 = arith.constant 0 : i32
    %dma_start3A_31 = tpu.memref_slice %arg2[%add3A_29, %dma_start3A_30] : memref<2048x1024xf32, #tpu.memory_space<hbm>> -> memref<32x1024xf32, #tpu.memory_space<hbm>>
    %dma_start3A_32 = arith.constant 0 : i32
    %dma_start3A_33 = tpu.memref_slice %arg2[%add3A_29, %dma_start3A_32] : memref<2048x1024xf32, #tpu.memory_space<hbm>> -> memref<32x1024xf32, #tpu.memory_space<hbm>>
    tpu.enqueue_dma source(%dma_start3A_33 : memref<32x1024xf32, #tpu.memory_space<hbm>>) target(%arg14 : memref<32x1024xf32, #tpu.memory_space<vmem>>) target_semaphore(%arg16 : memref<!tpu.dma_semaphore, #tpu.memory_space<semaphore_mem>>)
    %dma_wait3A = tpu.memref_slice %arg3[%mul3A_2] : memref<4096xi32, #tpu.memory_space<hbm>> -> memref<32xi32, #tpu.memory_space<hbm>>
    %dma_wait3A_34 = tpu.memref_slice %arg3[%mul3A_2] : memref<4096xi32, #tpu.memory_space<hbm>> -> memref<32xi32, #tpu.memory_space<hbm>>
    tpu.wait_dma2 semaphore(%arg15 : memref<!tpu.dma_semaphore, #tpu.memory_space<semaphore_mem>>) src(%dma_wait3A_34 : memref<32xi32, #tpu.memory_space<hbm>>) dst(%arg7 : memref<32xi32, #tpu.memory_space<vmem>>)
    %dma_wait3A_35 = tpu.memref_slice %arg3[%add3A_5] : memref<4096xi32, #tpu.memory_space<hbm>> -> memref<32xi32, #tpu.memory_space<hbm>>
    %dma_wait3A_36 = tpu.memref_slice %arg3[%add3A_5] : memref<4096xi32, #tpu.memory_space<hbm>> -> memref<32xi32, #tpu.memory_space<hbm>>
    tpu.wait_dma2 semaphore(%arg15 : memref<!tpu.dma_semaphore, #tpu.memory_space<semaphore_mem>>) src(%dma_wait3A_36 : memref<32xi32, #tpu.memory_space<hbm>>) dst(%arg9 : memref<32xi32, #tpu.memory_space<vmem>>)
    %dma_wait3A_37 = tpu.memref_slice %arg4[%mul3A_2] : memref<4096xf32, #tpu.memory_space<hbm>> -> memref<64xf32, #tpu.memory_space<hbm>>
    %dma_wait3A_38 = tpu.memref_slice %arg4[%mul3A_2] : memref<4096xf32, #tpu.memory_space<hbm>> -> memref<64xf32, #tpu.memory_space<hbm>>
    tpu.wait_dma2 semaphore(%arg15 : memref<!tpu.dma_semaphore, #tpu.memory_space<semaphore_mem>>) src(%dma_wait3A_38 : memref<64xf32, #tpu.memory_space<hbm>>) dst(%arg11 : memref<64xf32, #tpu.memory_space<vmem>>)
    %dma_wait3A_39 = tpu.memref_slice %arg4[%add3A_11] : memref<4096xf32, #tpu.memory_space<hbm>> -> memref<64xf32, #tpu.memory_space<hbm>>
    %dma_wait3A_40 = tpu.memref_slice %arg4[%add3A_11] : memref<4096xf32, #tpu.memory_space<hbm>> -> memref<64xf32, #tpu.memory_space<hbm>>
    tpu.wait_dma2 semaphore(%arg15 : memref<!tpu.dma_semaphore, #tpu.memory_space<semaphore_mem>>) src(%dma_wait3A_40 : memref<64xf32, #tpu.memory_space<hbm>>) dst(%arg12 : memref<64xf32, #tpu.memory_space<vmem>>)
    %dma_wait3A_41 = arith.constant 0 : i32
    %dma_wait3A_42 = tpu.memref_slice %arg2[%mul3A_2, %dma_wait3A_41] : memref<2048x1024xf32, #tpu.memory_space<hbm>> -> memref<32x1024xf32, #tpu.memory_space<hbm>>
    %dma_wait3A_43 = arith.constant 0 : i32
    %dma_wait3A_44 = tpu.memref_slice %arg2[%mul3A_2, %dma_wait3A_43] : memref<2048x1024xf32, #tpu.memory_space<hbm>> -> memref<32x1024xf32, #tpu.memory_space<hbm>>
    tpu.wait_dma2 semaphore(%arg15 : memref<!tpu.dma_semaphore, #tpu.memory_space<semaphore_mem>>) src(%dma_wait3A_44 : memref<32x1024xf32, #tpu.memory_space<hbm>>) dst(%arg13 : memref<32x1024xf32, #tpu.memory_space<vmem>>)
    %dma_start3A_45 = arith.constant 0 : i32
    %dma_start3A_46 = arith.constant 0 : i32
    %dma_start3A_47 = tpu.memref_slice %arg5[%dma_start3A_45, %dma_start3A_46] : memref<6144x1024xf32, #tpu.memory_space<hbm>> -> memref<6144x1024xf32, #tpu.memory_space<hbm>>
    tpu.enqueue_indirect_dma source(%arg13 : memref<32x1024xf32, #tpu.memory_space<vmem>>) target(%dma_start3A_47 : memref<6144x1024xf32, #tpu.memory_space<hbm>>) offsets(%arg7 : memref<32xi32, #tpu.memory_space<vmem>>) semaphore(%arg17 : memref<!tpu.dma_semaphore, #tpu.memory_space<semaphore_mem>>)
    %dma_start3A_48 = arith.constant 0 : i32
    %dma_start3A_49 = arith.constant 0 : i32
    %dma_start3A_50 = tpu.memref_slice %arg5[%dma_start3A_48, %dma_start3A_49] : memref<6144x1024xf32, #tpu.memory_space<hbm>> -> memref<6144x1024xf32, #tpu.memory_space<hbm>>
    tpu.enqueue_indirect_dma source(%arg13 : memref<32x1024xf32, #tpu.memory_space<vmem>>) target(%dma_start3A_50 : memref<6144x1024xf32, #tpu.memory_space<hbm>>) offsets(%arg9 : memref<32xi32, #tpu.memory_space<vmem>>) semaphore(%arg17 : memref<!tpu.dma_semaphore, #tpu.memory_space<semaphore_mem>>)
    %dma_start3A_51 = arith.constant 0 : i32
    %dma_start3A_52 = tpu.memref_slice %arg11[%dma_start3A_51] : memref<64xf32, #tpu.memory_space<vmem>> -> memref<32xf32, #tpu.memory_space<vmem>>
    %dma_start3A_53 = arith.constant 0 : i32
    %dma_start3A_54 = tpu.memref_slice %arg6[%dma_start3A_53] : memref<6144xf32, #tpu.memory_space<hbm>> -> memref<6144xf32, #tpu.memory_space<hbm>>
    tpu.enqueue_indirect_dma source(%dma_start3A_52 : memref<32xf32, #tpu.memory_space<vmem>>) target(%dma_start3A_54 : memref<6144xf32, #tpu.memory_space<hbm>>) offsets(%arg7 : memref<32xi32, #tpu.memory_space<vmem>>) semaphore(%arg17 : memref<!tpu.dma_semaphore, #tpu.memory_space<semaphore_mem>>)
    %dma_start3A_55 = arith.constant 0 : i32
    %dma_start3A_56 = tpu.memref_slice %arg12[%dma_start3A_55] : memref<64xf32, #tpu.memory_space<vmem>> -> memref<32xf32, #tpu.memory_space<vmem>>
    %dma_start3A_57 = arith.constant 0 : i32
    %dma_start3A_58 = tpu.memref_slice %arg6[%dma_start3A_57] : memref<6144xf32, #tpu.memory_space<hbm>> -> memref<6144xf32, #tpu.memory_space<hbm>>
    tpu.enqueue_indirect_dma source(%dma_start3A_56 : memref<32xf32, #tpu.memory_space<vmem>>) target(%dma_start3A_58 : memref<6144xf32, #tpu.memory_space<hbm>>) offsets(%arg9 : memref<32xi32, #tpu.memory_space<vmem>>) semaphore(%arg17 : memref<!tpu.dma_semaphore, #tpu.memory_space<semaphore_mem>>)
    %dma_wait3A_59 = tpu.memref_slice %arg3[%add3A_19] : memref<4096xi32, #tpu.memory_space<hbm>> -> memref<32xi32, #tpu.memory_space<hbm>>
    %dma_wait3A_60 = tpu.memref_slice %arg3[%add3A_19] : memref<4096xi32, #tpu.memory_space<hbm>> -> memref<32xi32, #tpu.memory_space<hbm>>
    tpu.wait_dma2 semaphore(%arg16 : memref<!tpu.dma_semaphore, #tpu.memory_space<semaphore_mem>>) src(%dma_wait3A_60 : memref<32xi32, #tpu.memory_space<hbm>>) dst(%arg8 : memref<32xi32, #tpu.memory_space<vmem>>)
    %dma_wait3A_61 = tpu.memref_slice %arg3[%add3A_25] : memref<4096xi32, #tpu.memory_space<hbm>> -> memref<32xi32, #tpu.memory_space<hbm>>
    %dma_wait3A_62 = tpu.memref_slice %arg3[%add3A_25] : memref<4096xi32, #tpu.memory_space<hbm>> -> memref<32xi32, #tpu.memory_space<hbm>>
    tpu.wait_dma2 semaphore(%arg16 : memref<!tpu.dma_semaphore, #tpu.memory_space<semaphore_mem>>) src(%dma_wait3A_62 : memref<32xi32, #tpu.memory_space<hbm>>) dst(%arg10 : memref<32xi32, #tpu.memory_space<vmem>>)
    %dma_wait3A_63 = arith.constant 0 : i32
    %dma_wait3A_64 = tpu.memref_slice %arg2[%add3A_29, %dma_wait3A_63] : memref<2048x1024xf32, #tpu.memory_space<hbm>> -> memref<32x1024xf32, #tpu.memory_space<hbm>>
    %dma_wait3A_65 = arith.constant 0 : i32
    %dma_wait3A_66 = tpu.memref_slice %arg2[%add3A_29, %dma_wait3A_65] : memref<2048x1024xf32, #tpu.memory_space<hbm>> -> memref<32x1024xf32, #tpu.memory_space<hbm>>
    tpu.wait_dma2 semaphore(%arg16 : memref<!tpu.dma_semaphore, #tpu.memory_space<semaphore_mem>>) src(%dma_wait3A_66 : memref<32x1024xf32, #tpu.memory_space<hbm>>) dst(%arg14 : memref<32x1024xf32, #tpu.memory_space<vmem>>)
    %dma_start3A_67 = arith.constant 0 : i32
    %dma_start3A_68 = arith.constant 0 : i32
    %dma_start3A_69 = tpu.memref_slice %arg5[%dma_start3A_67, %dma_start3A_68] : memref<6144x1024xf32, #tpu.memory_space<hbm>> -> memref<6144x1024xf32, #tpu.memory_space<hbm>>
    tpu.enqueue_indirect_dma source(%arg14 : memref<32x1024xf32, #tpu.memory_space<vmem>>) target(%dma_start3A_69 : memref<6144x1024xf32, #tpu.memory_space<hbm>>) offsets(%arg8 : memref<32xi32, #tpu.memory_space<vmem>>) semaphore(%arg17 : memref<!tpu.dma_semaphore, #tpu.memory_space<semaphore_mem>>)
    %dma_start3A_70 = arith.constant 0 : i32
    %dma_start3A_71 = arith.constant 0 : i32
    %dma_start3A_72 = tpu.memref_slice %arg5[%dma_start3A_70, %dma_start3A_71] : memref<6144x1024xf32, #tpu.memory_space<hbm>> -> memref<6144x1024xf32, #tpu.memory_space<hbm>>
    tpu.enqueue_indirect_dma source(%arg14 : memref<32x1024xf32, #tpu.memory_space<vmem>>) target(%dma_start3A_72 : memref<6144x1024xf32, #tpu.memory_space<hbm>>) offsets(%arg10 : memref<32xi32, #tpu.memory_space<vmem>>) semaphore(%arg17 : memref<!tpu.dma_semaphore, #tpu.memory_space<semaphore_mem>>)
    %dma_start3A_73 = arith.constant 32 : i32
    %dma_start3A_74 = tpu.memref_slice %arg11[%dma_start3A_73] : memref<64xf32, #tpu.memory_space<vmem>> -> memref<32xf32, #tpu.memory_space<vmem>>
    %dma_start3A_75 = arith.constant 0 : i32
    %dma_start3A_76 = tpu.memref_slice %arg6[%dma_start3A_75] : memref<6144xf32, #tpu.memory_space<hbm>> -> memref<6144xf32, #tpu.memory_space<hbm>>
    tpu.enqueue_indirect_dma source(%dma_start3A_74 : memref<32xf32, #tpu.memory_space<vmem>>) target(%dma_start3A_76 : memref<6144xf32, #tpu.memory_space<hbm>>) offsets(%arg8 : memref<32xi32, #tpu.memory_space<vmem>>) semaphore(%arg17 : memref<!tpu.dma_semaphore, #tpu.memory_space<semaphore_mem>>)
    %dma_start3A_77 = arith.constant 32 : i32
    %dma_start3A_78 = tpu.memref_slice %arg12[%dma_start3A_77] : memref<64xf32, #tpu.memory_space<vmem>> -> memref<32xf32, #tpu.memory_space<vmem>>
    %dma_start3A_79 = arith.constant 0 : i32
    %dma_start3A_80 = tpu.memref_slice %arg6[%dma_start3A_79] : memref<6144xf32, #tpu.memory_space<hbm>> -> memref<6144xf32, #tpu.memory_space<hbm>>
    tpu.enqueue_indirect_dma source(%dma_start3A_78 : memref<32xf32, #tpu.memory_space<vmem>>) target(%dma_start3A_80 : memref<6144xf32, #tpu.memory_space<hbm>>) offsets(%arg10 : memref<32xi32, #tpu.memory_space<vmem>>) semaphore(%arg17 : memref<!tpu.dma_semaphore, #tpu.memory_space<semaphore_mem>>)
    %dma_wait3A_81 = arith.constant 0 : i32
    %dma_wait3A_82 = arith.constant 0 : i32
    %dma_wait3A_83 = tpu.memref_slice %arg5[%dma_wait3A_81, %dma_wait3A_82] : memref<6144x1024xf32, #tpu.memory_space<hbm>> -> memref<6144x1024xf32, #tpu.memory_space<hbm>>
    tpu.wait_indirect_dma semaphore(%arg17 : memref<!tpu.dma_semaphore, #tpu.memory_space<semaphore_mem>>) src(%arg13 : memref<32x1024xf32, #tpu.memory_space<vmem>>) dst(%dma_wait3A_83 : memref<6144x1024xf32, #tpu.memory_space<hbm>>)
    %dma_wait3A_84 = arith.constant 0 : i32
    %dma_wait3A_85 = arith.constant 0 : i32
    %dma_wait3A_86 = tpu.memref_slice %arg5[%dma_wait3A_84, %dma_wait3A_85] : memref<6144x1024xf32, #tpu.memory_space<hbm>> -> memref<6144x1024xf32, #tpu.memory_space<hbm>>
    tpu.wait_indirect_dma semaphore(%arg17 : memref<!tpu.dma_semaphore, #tpu.memory_space<semaphore_mem>>) src(%arg13 : memref<32x1024xf32, #tpu.memory_space<vmem>>) dst(%dma_wait3A_86 : memref<6144x1024xf32, #tpu.memory_space<hbm>>)
    %dma_wait3A_87 = arith.constant 0 : i32
    %dma_wait3A_88 = tpu.memref_slice %arg11[%dma_wait3A_87] : memref<64xf32, #tpu.memory_space<vmem>> -> memref<32xf32, #tpu.memory_space<vmem>>
    %dma_wait3A_89 = arith.constant 0 : i32
    %dma_wait3A_90 = tpu.memref_slice %arg6[%dma_wait3A_89] : memref<6144xf32, #tpu.memory_space<hbm>> -> memref<6144xf32, #tpu.memory_space<hbm>>
    tpu.wait_indirect_dma semaphore(%arg17 : memref<!tpu.dma_semaphore, #tpu.memory_space<semaphore_mem>>) src(%dma_wait3A_88 : memref<32xf32, #tpu.memory_space<vmem>>) dst(%dma_wait3A_90 : memref<6144xf32, #tpu.memory_space<hbm>>)
    %dma_wait3A_91 = arith.constant 0 : i32
    %dma_wait3A_92 = tpu.memref_slice %arg12[%dma_wait3A_91] : memref<64xf32, #tpu.memory_space<vmem>> -> memref<32xf32, #tpu.memory_space<vmem>>
    %dma_wait3A_93 = arith.constant 0 : i32
    %dma_wait3A_94 = tpu.memref_slice %arg6[%dma_wait3A_93] : memref<6144xf32, #tpu.memory_space<hbm>> -> memref<6144xf32, #tpu.memory_space<hbm>>
    tpu.wait_indirect_dma semaphore(%arg17 : memref<!tpu.dma_semaphore, #tpu.memory_space<semaphore_mem>>) src(%dma_wait3A_92 : memref<32xf32, #tpu.memory_space<vmem>>) dst(%dma_wait3A_94 : memref<6144xf32, #tpu.memory_space<hbm>>)
    %dma_wait3A_95 = arith.constant 0 : i32
    %dma_wait3A_96 = arith.constant 0 : i32
    %dma_wait3A_97 = tpu.memref_slice %arg5[%dma_wait3A_95, %dma_wait3A_96] : memref<6144x1024xf32, #tpu.memory_space<hbm>> -> memref<6144x1024xf32, #tpu.memory_space<hbm>>
    tpu.wait_indirect_dma semaphore(%arg17 : memref<!tpu.dma_semaphore, #tpu.memory_space<semaphore_mem>>) src(%arg14 : memref<32x1024xf32, #tpu.memory_space<vmem>>) dst(%dma_wait3A_97 : memref<6144x1024xf32, #tpu.memory_space<hbm>>)
    %dma_wait3A_98 = arith.constant 0 : i32
    %dma_wait3A_99 = arith.constant 0 : i32
    %dma_wait3A_100 = tpu.memref_slice %arg5[%dma_wait3A_98, %dma_wait3A_99] : memref<6144x1024xf32, #tpu.memory_space<hbm>> -> memref<6144x1024xf32, #tpu.memory_space<hbm>>
    tpu.wait_indirect_dma semaphore(%arg17 : memref<!tpu.dma_semaphore, #tpu.memory_space<semaphore_mem>>) src(%arg14 : memref<32x1024xf32, #tpu.memory_space<vmem>>) dst(%dma_wait3A_100 : memref<6144x1024xf32, #tpu.memory_space<hbm>>)
    %dma_wait3A_101 = arith.constant 32 : i32
    %dma_wait3A_102 = tpu.memref_slice %arg11[%dma_wait3A_101] : memref<64xf32, #tpu.memory_space<vmem>> -> memref<32xf32, #tpu.memory_space<vmem>>
    %dma_wait3A_103 = arith.constant 0 : i32
    %dma_wait3A_104 = tpu.memref_slice %arg6[%dma_wait3A_103] : memref<6144xf32, #tpu.memory_space<hbm>> -> memref<6144xf32, #tpu.memory_space<hbm>>
    tpu.wait_indirect_dma semaphore(%arg17 : memref<!tpu.dma_semaphore, #tpu.memory_space<semaphore_mem>>) src(%dma_wait3A_102 : memref<32xf32, #tpu.memory_space<vmem>>) dst(%dma_wait3A_104 : memref<6144xf32, #tpu.memory_space<hbm>>)
    %dma_wait3A_105 = arith.constant 32 : i32
    %dma_wait3A_106 = tpu.memref_slice %arg12[%dma_wait3A_105] : memref<64xf32, #tpu.memory_space<vmem>> -> memref<32xf32, #tpu.memory_space<vmem>>
    %dma_wait3A_107 = arith.constant 0 : i32
    %dma_wait3A_108 = tpu.memref_slice %arg6[%dma_wait3A_107] : memref<6144xf32, #tpu.memory_space<hbm>> -> memref<6144xf32, #tpu.memory_space<hbm>>
    tpu.wait_indirect_dma semaphore(%arg17 : memref<!tpu.dma_semaphore, #tpu.memory_space<semaphore_mem>>) src(%dma_wait3A_106 : memref<32xf32, #tpu.memory_space<vmem>>) dst(%dma_wait3A_108 : memref<6144xf32, #tpu.memory_space<hbm>>)
    return
  }
}

#map = affine_map<(d0, d1) -> (0, 0)>
#map1 = affine_map<(d0, d1) -> (0)>
module attributes {stable_mosaic.version = 14 : i64} {
  func.func @k(%arg0: i32, %arg1: i32, %arg2: memref<6144x1024xf32, #tpu.memory_space<hbm>>, %arg3: memref<4096xi32, #tpu.memory_space<hbm>>, %arg4: memref<2048x1024xf32, #tpu.memory_space<hbm>>, %arg5: memref<32xi32, #tpu.memory_space<vmem>>, %arg6: memref<32xi32, #tpu.memory_space<vmem>>, %arg7: memref<32x1024xf32, #tpu.memory_space<vmem>>, %arg8: memref<32x1024xf32, #tpu.memory_space<vmem>>, %arg9: memref<32x1024xf32, #tpu.memory_space<vmem>>, %arg10: memref<!tpu.dma_semaphore, #tpu.memory_space<semaphore_mem>>) attributes {dimension_semantics = [#tpu.dimension_semantics<core_parallel>, #tpu.dimension_semantics<subcore_parallel>], iteration_bounds = array<i64: 2, 16>, scalar_prefetch = 0 : i64, scratch_operands = 6 : i64, tpu.core_type = #tpu.core_type<sc_vector_subcore>, window_params = [{transform_indices = #map}, {transform_indices = #map1}, {transform_indices = #map}]} {
    %mul3A = arith.constant 2 : i32
    %mul3A_0 = arith.muli %arg1, %mul3A : i32
    %add3A = arith.addi %mul3A_0, %arg0 : i32
    %mul3A_1 = arith.constant 64 : i32
    %mul3A_2 = arith.muli %add3A, %mul3A_1 : i32
    %scan3A = arith.constant 0 : i32
    %scan3A_3 = arith.constant 0 : i32
    %scan3A_4 = arith.constant 2 : i32
    %scan3A_5 = arith.addi %scan3A_3, %scan3A_4 : i32
    %scan3A_6 = arith.constant 1 : i32
    %scan3A_7 = scf.for %scan3A_9 = %scan3A_3 to %scan3A_5 step %scan3A_6 iter_args(%scan3A_10 = %scan3A) -> (i32)  : i32 {
      %mul3A_11 = arith.constant 32 : i32
      %mul3A_12 = arith.muli %scan3A_9, %mul3A_11 : i32
      %add3A_13 = arith.addi %mul3A_2, %mul3A_12 : i32
      "tpu.region"() ({
        %run_scoped3A = tpu.sem_alloc : memref<!tpu.dma_semaphore, #tpu.memory_space<semaphore_mem>>
        %dma_start3A_34 = tpu.memref_slice %arg3[%add3A_13] : memref<4096xi32, #tpu.memory_space<hbm>> -> memref<32xi32, #tpu.memory_space<hbm>>
        %dma_start3A_35 = tpu.memref_slice %arg3[%add3A_13] : memref<4096xi32, #tpu.memory_space<hbm>> -> memref<32xi32, #tpu.memory_space<hbm>>
        tpu.enqueue_dma source(%dma_start3A_35 : memref<32xi32, #tpu.memory_space<hbm>>) target(%arg5 : memref<32xi32, #tpu.memory_space<vmem>>) target_semaphore(%run_scoped3A : memref<!tpu.dma_semaphore, #tpu.memory_space<semaphore_mem>>)
        %dma_wait3A_36 = tpu.memref_slice %arg3[%add3A_13] : memref<4096xi32, #tpu.memory_space<hbm>> -> memref<32xi32, #tpu.memory_space<hbm>>
        %dma_wait3A_37 = tpu.memref_slice %arg3[%add3A_13] : memref<4096xi32, #tpu.memory_space<hbm>> -> memref<32xi32, #tpu.memory_space<hbm>>
        tpu.wait_dma2 semaphore(%run_scoped3A : memref<!tpu.dma_semaphore, #tpu.memory_space<semaphore_mem>>) src(%dma_wait3A_37 : memref<32xi32, #tpu.memory_space<hbm>>) dst(%arg5 : memref<32xi32, #tpu.memory_space<vmem>>)
        tpu.yield
      }) : () -> ()
      %add3A_14 = arith.constant 2048 : i32
      %add3A_15 = arith.addi %add3A_14, %add3A_13 : i32
      "tpu.region"() ({
        %run_scoped3A = tpu.sem_alloc : memref<!tpu.dma_semaphore, #tpu.memory_space<semaphore_mem>>
        %dma_start3A_34 = tpu.memref_slice %arg3[%add3A_15] : memref<4096xi32, #tpu.memory_space<hbm>> -> memref<32xi32, #tpu.memory_space<hbm>>
        %dma_start3A_35 = tpu.memref_slice %arg3[%add3A_15] : memref<4096xi32, #tpu.memory_space<hbm>> -> memref<32xi32, #tpu.memory_space<hbm>>
        tpu.enqueue_dma source(%dma_start3A_35 : memref<32xi32, #tpu.memory_space<hbm>>) target(%arg6 : memref<32xi32, #tpu.memory_space<vmem>>) target_semaphore(%run_scoped3A : memref<!tpu.dma_semaphore, #tpu.memory_space<semaphore_mem>>)
        %dma_wait3A_36 = tpu.memref_slice %arg3[%add3A_15] : memref<4096xi32, #tpu.memory_space<hbm>> -> memref<32xi32, #tpu.memory_space<hbm>>
        %dma_wait3A_37 = tpu.memref_slice %arg3[%add3A_15] : memref<4096xi32, #tpu.memory_space<hbm>> -> memref<32xi32, #tpu.memory_space<hbm>>
        tpu.wait_dma2 semaphore(%run_scoped3A : memref<!tpu.dma_semaphore, #tpu.memory_space<semaphore_mem>>) src(%dma_wait3A_37 : memref<32xi32, #tpu.memory_space<hbm>>) dst(%arg6 : memref<32xi32, #tpu.memory_space<vmem>>)
        tpu.yield
      }) : () -> ()
      %dma_start3A = arith.constant 0 : i32
      %dma_start3A_16 = arith.constant 0 : i32
      %dma_start3A_17 = tpu.memref_slice %arg2[%dma_start3A, %dma_start3A_16] : memref<6144x1024xf32, #tpu.memory_space<hbm>> -> memref<6144x1024xf32, #tpu.memory_space<hbm>>
      tpu.enqueue_indirect_dma source(%dma_start3A_17 : memref<6144x1024xf32, #tpu.memory_space<hbm>>) target(%arg7 : memref<32x1024xf32, #tpu.memory_space<vmem>>) offsets(%arg5 : memref<32xi32, #tpu.memory_space<vmem>>) semaphore(%arg10 : memref<!tpu.dma_semaphore, #tpu.memory_space<semaphore_mem>>)
      %dma_start3A_18 = arith.constant 0 : i32
      %dma_start3A_19 = arith.constant 0 : i32
      %dma_start3A_20 = tpu.memref_slice %arg2[%dma_start3A_18, %dma_start3A_19] : memref<6144x1024xf32, #tpu.memory_space<hbm>> -> memref<6144x1024xf32, #tpu.memory_space<hbm>>
      tpu.enqueue_indirect_dma source(%dma_start3A_20 : memref<6144x1024xf32, #tpu.memory_space<hbm>>) target(%arg8 : memref<32x1024xf32, #tpu.memory_space<vmem>>) offsets(%arg6 : memref<32xi32, #tpu.memory_space<vmem>>) semaphore(%arg10 : memref<!tpu.dma_semaphore, #tpu.memory_space<semaphore_mem>>)
      %dma_wait3A = arith.constant 0 : i32
      %dma_wait3A_21 = arith.constant 0 : i32
      %dma_wait3A_22 = tpu.memref_slice %arg2[%dma_wait3A, %dma_wait3A_21] : memref<6144x1024xf32, #tpu.memory_space<hbm>> -> memref<6144x1024xf32, #tpu.memory_space<hbm>>
      tpu.wait_indirect_dma semaphore(%arg10 : memref<!tpu.dma_semaphore, #tpu.memory_space<semaphore_mem>>) src(%dma_wait3A_22 : memref<6144x1024xf32, #tpu.memory_space<hbm>>) dst(%arg7 : memref<32x1024xf32, #tpu.memory_space<vmem>>)
      %dma_wait3A_23 = arith.constant 0 : i32
      %dma_wait3A_24 = arith.constant 0 : i32
      %dma_wait3A_25 = tpu.memref_slice %arg2[%dma_wait3A_23, %dma_wait3A_24] : memref<6144x1024xf32, #tpu.memory_space<hbm>> -> memref<6144x1024xf32, #tpu.memory_space<hbm>>
      tpu.wait_indirect_dma semaphore(%arg10 : memref<!tpu.dma_semaphore, #tpu.memory_space<semaphore_mem>>) src(%dma_wait3A_25 : memref<6144x1024xf32, #tpu.memory_space<hbm>>) dst(%arg8 : memref<32x1024xf32, #tpu.memory_space<vmem>>)
      %scan3A_26 = arith.constant 0 : i32
      %scan3A_27 = arith.constant 0 : i32
      %scan3A_28 = arith.constant 32 : i32
      %scan3A_29 = arith.addi %scan3A_27, %scan3A_28 : i32
      %scan3A_30 = arith.constant 1 : i32
      %scan3A_31 = scf.for %scan3A_34 = %scan3A_27 to %scan3A_29 step %scan3A_30 iter_args(%scan3A_35 = %scan3A_26) -> (i32)  : i32 {
        %get3A = arith.index_cast %scan3A_34 : i32 to index
        %get3A_36 = arith.constant 0 : index
        %get3A_37 = tpu.vector_load %arg7[%get3A, %get3A_36] {strides = array<i32>} : memref<32x1024xf32, #tpu.memory_space<vmem>>, vector<1x16xf32>,
        %get3A_38 = vector.shape_cast %get3A_37 : vector<1x16xf32> to vector<16xf32>
        %get3A_39 = arith.index_cast %scan3A_34 : i32 to index
        %get3A_40 = arith.constant 0 : index
        %get3A_41 = tpu.vector_load %arg8[%get3A_39, %get3A_40] {strides = array<i32>} : memref<32x1024xf32, #tpu.memory_space<vmem>>, vector<1x16xf32>,
        %get3A_42 = vector.shape_cast %get3A_41 : vector<1x16xf32> to vector<16xf32>
        %add3A_43 = arith.addf %get3A_38, %get3A_42 : vector<16xf32>
        %swap3A = arith.index_cast %scan3A_34 : i32 to index
        %swap3A_44 = arith.constant 0 : index
        %swap3A_45 = tpu.vector_load %arg9[%swap3A, %swap3A_44] {strides = array<i32>} : memref<32x1024xf32, #tpu.memory_space<vmem>>, vector<1x16xf32>,
        %swap3A_46 = vector.shape_cast %swap3A_45 : vector<1x16xf32> to vector<16xf32>
        %swap3A_47 = vector.shape_cast %add3A_43 : vector<16xf32> to vector<1x16xf32>
        tpu.vector_store %arg9[%swap3A, %swap3A_44], %swap3A_47 {strides = array<i32>} : memref<32x1024xf32, #tpu.memory_space<vmem>>, vector<1x16xf32>,
        %get3A_48 = arith.index_cast %scan3A_34 : i32 to index
        %get3A_49 = arith.constant 16 : index
        %get3A_50 = tpu.vector_load %arg7[%get3A_48, %get3A_49] {strides = array<i32>} : memref<32x1024xf32, #tpu.memory_space<vmem>>, vector<1x16xf32>,
        %get3A_51 = vector.shape_cast %get3A_50 : vector<1x16xf32> to vector<16xf32>
        %get3A_52 = arith.index_cast %scan3A_34 : i32 to index
        %get3A_53 = arith.constant 16 : index
        %get3A_54 = tpu.vector_load %arg8[%get3A_52, %get3A_53] {strides = array<i32>} : memref<32x1024xf32, #tpu.memory_space<vmem>>, vector<1x16xf32>,
        %get3A_55 = vector.shape_cast %get3A_54 : vector<1x16xf32> to vector<16xf32>
        %add3A_56 = arith.addf %get3A_51, %get3A_55 : vector<16xf32>
        %swap3A_57 = arith.index_cast %scan3A_34 : i32 to index
        %swap3A_58 = arith.constant 16 : index
        %swap3A_59 = tpu.vector_load %arg9[%swap3A_57, %swap3A_58] {strides = array<i32>} : memref<32x1024xf32, #tpu.memory_space<vmem>>, vector<1x16xf32>,
        %swap3A_60 = vector.shape_cast %swap3A_59 : vector<1x16xf32> to vector<16xf32>
        %swap3A_61 = vector.shape_cast %add3A_56 : vector<16xf32> to vector<1x16xf32>
        tpu.vector_store %arg9[%swap3A_57, %swap3A_58], %swap3A_61 {strides = array<i32>} : memref<32x1024xf32, #tpu.memory_space<vmem>>, vector<1x16xf32>,
        %get3A_62 = arith.index_cast %scan3A_34 : i32 to index
        %get3A_63 = arith.constant 32 : index
        %get3A_64 = tpu.vector_load %arg7[%get3A_62, %get3A_63] {strides = array<i32>} : memref<32x1024xf32, #tpu.memory_space<vmem>>, vector<1x16xf32>,
        %get3A_65 = vector.shape_cast %get3A_64 : vector<1x16xf32> to vector<16xf32>
        %get3A_66 = arith.index_cast %scan3A_34 : i32 to index
        %get3A_67 = arith.constant 32 : index
        %get3A_68 = tpu.vector_load %arg8[%get3A_66, %get3A_67] {strides = array<i32>} : memref<32x1024xf32, #tpu.memory_space<vmem>>, vector<1x16xf32>,
        %get3A_69 = vector.shape_cast %get3A_68 : vector<1x16xf32> to vector<16xf32>
        %add3A_70 = arith.addf %get3A_65, %get3A_69 : vector<16xf32>
        %swap3A_71 = arith.index_cast %scan3A_34 : i32 to index
        %swap3A_72 = arith.constant 32 : index
        %swap3A_73 = tpu.vector_load %arg9[%swap3A_71, %swap3A_72] {strides = array<i32>} : memref<32x1024xf32, #tpu.memory_space<vmem>>, vector<1x16xf32>,
        %swap3A_74 = vector.shape_cast %swap3A_73 : vector<1x16xf32> to vector<16xf32>
        %swap3A_75 = vector.shape_cast %add3A_70 : vector<16xf32> to vector<1x16xf32>
        tpu.vector_store %arg9[%swap3A_71, %swap3A_72], %swap3A_75 {strides = array<i32>} : memref<32x1024xf32, #tpu.memory_space<vmem>>, vector<1x16xf32>,
        %get3A_76 = arith.index_cast %scan3A_34 : i32 to index
        %get3A_77 = arith.constant 48 : index
        %get3A_78 = tpu.vector_load %arg7[%get3A_76, %get3A_77] {strides = array<i32>} : memref<32x1024xf32, #tpu.memory_space<vmem>>, vector<1x16xf32>,
        %get3A_79 = vector.shape_cast %get3A_78 : vector<1x16xf32> to vector<16xf32>
        %get3A_80 = arith.index_cast %scan3A_34 : i32 to index
        %get3A_81 = arith.constant 48 : index
        %get3A_82 = tpu.vector_load %arg8[%get3A_80, %get3A_81] {strides = array<i32>} : memref<32x1024xf32, #tpu.memory_space<vmem>>, vector<1x16xf32>,
        %get3A_83 = vector.shape_cast %get3A_82 : vector<1x16xf32> to vector<16xf32>
        %add3A_84 = arith.addf %get3A_79, %get3A_83 : vector<16xf32>
        %swap3A_85 = arith.index_cast %scan3A_34 : i32 to index
        %swap3A_86 = arith.constant 48 : index
        %swap3A_87 = tpu.vector_load %arg9[%swap3A_85, %swap3A_86] {strides = array<i32>} : memref<32x1024xf32, #tpu.memory_space<vmem>>, vector<1x16xf32>,
        %swap3A_88 = vector.shape_cast %swap3A_87 : vector<1x16xf32> to vector<16xf32>
        %swap3A_89 = vector.shape_cast %add3A_84 : vector<16xf32> to vector<1x16xf32>
        tpu.vector_store %arg9[%swap3A_85, %swap3A_86], %swap3A_89 {strides = array<i32>} : memref<32x1024xf32, #tpu.memory_space<vmem>>, vector<1x16xf32>,
        %get3A_90 = arith.index_cast %scan3A_34 : i32 to index
        %get3A_91 = arith.constant 64 : index
        %get3A_92 = tpu.vector_load %arg7[%get3A_90, %get3A_91] {strides = array<i32>} : memref<32x1024xf32, #tpu.memory_space<vmem>>, vector<1x16xf32>,
        %get3A_93 = vector.shape_cast %get3A_92 : vector<1x16xf32> to vector<16xf32>
        %get3A_94 = arith.index_cast %scan3A_34 : i32 to index
        %get3A_95 = arith.constant 64 : index
        %get3A_96 = tpu.vector_load %arg8[%get3A_94, %get3A_95] {strides = array<i32>} : memref<32x1024xf32, #tpu.memory_space<vmem>>, vector<1x16xf32>,
        %get3A_97 = vector.shape_cast %get3A_96 : vector<1x16xf32> to vector<16xf32>
        %add3A_98 = arith.addf %get3A_93, %get3A_97 : vector<16xf32>
        %swap3A_99 = arith.index_cast %scan3A_34 : i32 to index
        %swap3A_100 = arith.constant 64 : index
        %swap3A_101 = tpu.vector_load %arg9[%swap3A_99, %swap3A_100] {strides = array<i32>} : memref<32x1024xf32, #tpu.memory_space<vmem>>, vector<1x16xf32>,
        %swap3A_102 = vector.shape_cast %swap3A_101 : vector<1x16xf32> to vector<16xf32>
        %swap3A_103 = vector.shape_cast %add3A_98 : vector<16xf32> to vector<1x16xf32>
        tpu.vector_store %arg9[%swap3A_99, %swap3A_100], %swap3A_103 {strides = array<i32>} : memref<32x1024xf32, #tpu.memory_space<vmem>>, vector<1x16xf32>,
        %get3A_104 = arith.index_cast %scan3A_34 : i32 to index
        %get3A_105 = arith.constant 80 : index
        %get3A_106 = tpu.vector_load %arg7[%get3A_104, %get3A_105] {strides = array<i32>} : memref<32x1024xf32, #tpu.memory_space<vmem>>, vector<1x16xf32>,
        %get3A_107 = vector.shape_cast %get3A_106 : vector<1x16xf32> to vector<16xf32>
        %get3A_108 = arith.index_cast %scan3A_34 : i32 to index
        %get3A_109 = arith.constant 80 : index
        %get3A_110 = tpu.vector_load %arg8[%get3A_108, %get3A_109] {strides = array<i32>} : memref<32x1024xf32, #tpu.memory_space<vmem>>, vector<1x16xf32>,
        %get3A_111 = vector.shape_cast %get3A_110 : vector<1x16xf32> to vector<16xf32>
        %add3A_112 = arith.addf %get3A_107, %get3A_111 : vector<16xf32>
        %swap3A_113 = arith.index_cast %scan3A_34 : i32 to index
        %swap3A_114 = arith.constant 80 : index
        %swap3A_115 = tpu.vector_load %arg9[%swap3A_113, %swap3A_114] {strides = array<i32>} : memref<32x1024xf32, #tpu.memory_space<vmem>>, vector<1x16xf32>,
        %swap3A_116 = vector.shape_cast %swap3A_115 : vector<1x16xf32> to vector<16xf32>
        %swap3A_117 = vector.shape_cast %add3A_112 : vector<16xf32> to vector<1x16xf32>
        tpu.vector_store %arg9[%swap3A_113, %swap3A_114], %swap3A_117 {strides = array<i32>} : memref<32x1024xf32, #tpu.memory_space<vmem>>, vector<1x16xf32>,
        %get3A_118 = arith.index_cast %scan3A_34 : i32 to index
        %get3A_119 = arith.constant 96 : index
        %get3A_120 = tpu.vector_load %arg7[%get3A_118, %get3A_119] {strides = array<i32>} : memref<32x1024xf32, #tpu.memory_space<vmem>>, vector<1x16xf32>,
        %get3A_121 = vector.shape_cast %get3A_120 : vector<1x16xf32> to vector<16xf32>
        %get3A_122 = arith.index_cast %scan3A_34 : i32 to index
        %get3A_123 = arith.constant 96 : index
        %get3A_124 = tpu.vector_load %arg8[%get3A_122, %get3A_123] {strides = array<i32>} : memref<32x1024xf32, #tpu.memory_space<vmem>>, vector<1x16xf32>,
        %get3A_125 = vector.shape_cast %get3A_124 : vector<1x16xf32> to vector<16xf32>
        %add3A_126 = arith.addf %get3A_121, %get3A_125 : vector<16xf32>
        %swap3A_127 = arith.index_cast %scan3A_34 : i32 to index
        %swap3A_128 = arith.constant 96 : index
        %swap3A_129 = tpu.vector_load %arg9[%swap3A_127, %swap3A_128] {strides = array<i32>} : memref<32x1024xf32, #tpu.memory_space<vmem>>, vector<1x16xf32>,
        %swap3A_130 = vector.shape_cast %swap3A_129 : vector<1x16xf32> to vector<16xf32>
        %swap3A_131 = vector.shape_cast %add3A_126 : vector<16xf32> to vector<1x16xf32>
        tpu.vector_store %arg9[%swap3A_127, %swap3A_128], %swap3A_131 {strides = array<i32>} : memref<32x1024xf32, #tpu.memory_space<vmem>>, vector<1x16xf32>,
        %get3A_132 = arith.index_cast %scan3A_34 : i32 to index
        %get3A_133 = arith.constant 112 : index
        %get3A_134 = tpu.vector_load %arg7[%get3A_132, %get3A_133] {strides = array<i32>} : memref<32x1024xf32, #tpu.memory_space<vmem>>, vector<1x16xf32>,
        %get3A_135 = vector.shape_cast %get3A_134 : vector<1x16xf32> to vector<16xf32>
        %get3A_136 = arith.index_cast %scan3A_34 : i32 to index
        %get3A_137 = arith.constant 112 : index
        %get3A_138 = tpu.vector_load %arg8[%get3A_136, %get3A_137] {strides = array<i32>} : memref<32x1024xf32, #tpu.memory_space<vmem>>, vector<1x16xf32>,
        %get3A_139 = vector.shape_cast %get3A_138 : vector<1x16xf32> to vector<16xf32>
        %add3A_140 = arith.addf %get3A_135, %get3A_139 : vector<16xf32>
        %swap3A_141 = arith.index_cast %scan3A_34 : i32 to index
        %swap3A_142 = arith.constant 112 : index
        %swap3A_143 = tpu.vector_load %arg9[%swap3A_141, %swap3A_142] {strides = array<i32>} : memref<32x1024xf32, #tpu.memory_space<vmem>>, vector<1x16xf32>,
        %swap3A_144 = vector.shape_cast %swap3A_143 : vector<1x16xf32> to vector<16xf32>
        %swap3A_145 = vector.shape_cast %add3A_140 : vector<16xf32> to vector<1x16xf32>
        tpu.vector_store %arg9[%swap3A_141, %swap3A_142], %swap3A_145 {strides = array<i32>} : memref<32x1024xf32, #tpu.memory_space<vmem>>, vector<1x16xf32>,
        %get3A_146 = arith.index_cast %scan3A_34 : i32 to index
        %get3A_147 = arith.constant 128 : index
        %get3A_148 = tpu.vector_load %arg7[%get3A_146, %get3A_147] {strides = array<i32>} : memref<32x1024xf32, #tpu.memory_space<vmem>>, vector<1x16xf32>,
        %get3A_149 = vector.shape_cast %get3A_148 : vector<1x16xf32> to vector<16xf32>
        %get3A_150 = arith.index_cast %scan3A_34 : i32 to index
        %get3A_151 = arith.constant 128 : index
        %get3A_152 = tpu.vector_load %arg8[%get3A_150, %get3A_151] {strides = array<i32>} : memref<32x1024xf32, #tpu.memory_space<vmem>>, vector<1x16xf32>,
        %get3A_153 = vector.shape_cast %get3A_152 : vector<1x16xf32> to vector<16xf32>
        %add3A_154 = arith.addf %get3A_149, %get3A_153 : vector<16xf32>
        %swap3A_155 = arith.index_cast %scan3A_34 : i32 to index
        %swap3A_156 = arith.constant 128 : index
        %swap3A_157 = tpu.vector_load %arg9[%swap3A_155, %swap3A_156] {strides = array<i32>} : memref<32x1024xf32, #tpu.memory_space<vmem>>, vector<1x16xf32>,
        %swap3A_158 = vector.shape_cast %swap3A_157 : vector<1x16xf32> to vector<16xf32>
        %swap3A_159 = vector.shape_cast %add3A_154 : vector<16xf32> to vector<1x16xf32>
        tpu.vector_store %arg9[%swap3A_155, %swap3A_156], %swap3A_159 {strides = array<i32>} : memref<32x1024xf32, #tpu.memory_space<vmem>>, vector<1x16xf32>,
        %get3A_160 = arith.index_cast %scan3A_34 : i32 to index
        %get3A_161 = arith.constant 144 : index
        %get3A_162 = tpu.vector_load %arg7[%get3A_160, %get3A_161] {strides = array<i32>} : memref<32x1024xf32, #tpu.memory_space<vmem>>, vector<1x16xf32>,
        %get3A_163 = vector.shape_cast %get3A_162 : vector<1x16xf32> to vector<16xf32>
        %get3A_164 = arith.index_cast %scan3A_34 : i32 to index
        %get3A_165 = arith.constant 144 : index
        %get3A_166 = tpu.vector_load %arg8[%get3A_164, %get3A_165] {strides = array<i32>} : memref<32x1024xf32, #tpu.memory_space<vmem>>, vector<1x16xf32>,
        %get3A_167 = vector.shape_cast %get3A_166 : vector<1x16xf32> to vector<16xf32>
        %add3A_168 = arith.addf %get3A_163, %get3A_167 : vector<16xf32>
        %swap3A_169 = arith.index_cast %scan3A_34 : i32 to index
        %swap3A_170 = arith.constant 144 : index
        %swap3A_171 = tpu.vector_load %arg9[%swap3A_169, %swap3A_170] {strides = array<i32>} : memref<32x1024xf32, #tpu.memory_space<vmem>>, vector<1x16xf32>,
        %swap3A_172 = vector.shape_cast %swap3A_171 : vector<1x16xf32> to vector<16xf32>
        %swap3A_173 = vector.shape_cast %add3A_168 : vector<16xf32> to vector<1x16xf32>
        tpu.vector_store %arg9[%swap3A_169, %swap3A_170], %swap3A_173 {strides = array<i32>} : memref<32x1024xf32, #tpu.memory_space<vmem>>, vector<1x16xf32>,
        %get3A_174 = arith.index_cast %scan3A_34 : i32 to index
        %get3A_175 = arith.constant 160 : index
        %get3A_176 = tpu.vector_load %arg7[%get3A_174, %get3A_175] {strides = array<i32>} : memref<32x1024xf32, #tpu.memory_space<vmem>>, vector<1x16xf32>,
        %get3A_177 = vector.shape_cast %get3A_176 : vector<1x16xf32> to vector<16xf32>
        %get3A_178 = arith.index_cast %scan3A_34 : i32 to index
        %get3A_179 = arith.constant 160 : index
        %get3A_180 = tpu.vector_load %arg8[%get3A_178, %get3A_179] {strides = array<i32>} : memref<32x1024xf32, #tpu.memory_space<vmem>>, vector<1x16xf32>,
        %get3A_181 = vector.shape_cast %get3A_180 : vector<1x16xf32> to vector<16xf32>
        %add3A_182 = arith.addf %get3A_177, %get3A_181 : vector<16xf32>
        %swap3A_183 = arith.index_cast %scan3A_34 : i32 to index
        %swap3A_184 = arith.constant 160 : index
        %swap3A_185 = tpu.vector_load %arg9[%swap3A_183, %swap3A_184] {strides = array<i32>} : memref<32x1024xf32, #tpu.memory_space<vmem>>, vector<1x16xf32>,
        %swap3A_186 = vector.shape_cast %swap3A_185 : vector<1x16xf32> to vector<16xf32>
        %swap3A_187 = vector.shape_cast %add3A_182 : vector<16xf32> to vector<1x16xf32>
        tpu.vector_store %arg9[%swap3A_183, %swap3A_184], %swap3A_187 {strides = array<i32>} : memref<32x1024xf32, #tpu.memory_space<vmem>>, vector<1x16xf32>,
        %get3A_188 = arith.index_cast %scan3A_34 : i32 to index
        %get3A_189 = arith.constant 176 : index
        %get3A_190 = tpu.vector_load %arg7[%get3A_188, %get3A_189] {strides = array<i32>} : memref<32x1024xf32, #tpu.memory_space<vmem>>, vector<1x16xf32>,
        %get3A_191 = vector.shape_cast %get3A_190 : vector<1x16xf32> to vector<16xf32>
        %get3A_192 = arith.index_cast %scan3A_34 : i32 to index
        %get3A_193 = arith.constant 176 : index
        %get3A_194 = tpu.vector_load %arg8[%get3A_192, %get3A_193] {strides = array<i32>} : memref<32x1024xf32, #tpu.memory_space<vmem>>, vector<1x16xf32>,
        %get3A_195 = vector.shape_cast %get3A_194 : vector<1x16xf32> to vector<16xf32>
        %add3A_196 = arith.addf %get3A_191, %get3A_195 : vector<16xf32>
        %swap3A_197 = arith.index_cast %scan3A_34 : i32 to index
        %swap3A_198 = arith.constant 176 : index
        %swap3A_199 = tpu.vector_load %arg9[%swap3A_197, %swap3A_198] {strides = array<i32>} : memref<32x1024xf32, #tpu.memory_space<vmem>>, vector<1x16xf32>,
        %swap3A_200 = vector.shape_cast %swap3A_199 : vector<1x16xf32> to vector<16xf32>
        %swap3A_201 = vector.shape_cast %add3A_196 : vector<16xf32> to vector<1x16xf32>
        tpu.vector_store %arg9[%swap3A_197, %swap3A_198], %swap3A_201 {strides = array<i32>} : memref<32x1024xf32, #tpu.memory_space<vmem>>, vector<1x16xf32>,
        %get3A_202 = arith.index_cast %scan3A_34 : i32 to index
        %get3A_203 = arith.constant 192 : index
        %get3A_204 = tpu.vector_load %arg7[%get3A_202, %get3A_203] {strides = array<i32>} : memref<32x1024xf32, #tpu.memory_space<vmem>>, vector<1x16xf32>,
        %get3A_205 = vector.shape_cast %get3A_204 : vector<1x16xf32> to vector<16xf32>
        %get3A_206 = arith.index_cast %scan3A_34 : i32 to index
        %get3A_207 = arith.constant 192 : index
        %get3A_208 = tpu.vector_load %arg8[%get3A_206, %get3A_207] {strides = array<i32>} : memref<32x1024xf32, #tpu.memory_space<vmem>>, vector<1x16xf32>,
        %get3A_209 = vector.shape_cast %get3A_208 : vector<1x16xf32> to vector<16xf32>
        %add3A_210 = arith.addf %get3A_205, %get3A_209 : vector<16xf32>
        %swap3A_211 = arith.index_cast %scan3A_34 : i32 to index
        %swap3A_212 = arith.constant 192 : index
        %swap3A_213 = tpu.vector_load %arg9[%swap3A_211, %swap3A_212] {strides = array<i32>} : memref<32x1024xf32, #tpu.memory_space<vmem>>, vector<1x16xf32>,
        %swap3A_214 = vector.shape_cast %swap3A_213 : vector<1x16xf32> to vector<16xf32>
        %swap3A_215 = vector.shape_cast %add3A_210 : vector<16xf32> to vector<1x16xf32>
        tpu.vector_store %arg9[%swap3A_211, %swap3A_212], %swap3A_215 {strides = array<i32>} : memref<32x1024xf32, #tpu.memory_space<vmem>>, vector<1x16xf32>,
        %get3A_216 = arith.index_cast %scan3A_34 : i32 to index
        %get3A_217 = arith.constant 208 : index
        %get3A_218 = tpu.vector_load %arg7[%get3A_216, %get3A_217] {strides = array<i32>} : memref<32x1024xf32, #tpu.memory_space<vmem>>, vector<1x16xf32>,
        %get3A_219 = vector.shape_cast %get3A_218 : vector<1x16xf32> to vector<16xf32>
        %get3A_220 = arith.index_cast %scan3A_34 : i32 to index
        %get3A_221 = arith.constant 208 : index
        %get3A_222 = tpu.vector_load %arg8[%get3A_220, %get3A_221] {strides = array<i32>} : memref<32x1024xf32, #tpu.memory_space<vmem>>, vector<1x16xf32>,
        %get3A_223 = vector.shape_cast %get3A_222 : vector<1x16xf32> to vector<16xf32>
        %add3A_224 = arith.addf %get3A_219, %get3A_223 : vector<16xf32>
        %swap3A_225 = arith.index_cast %scan3A_34 : i32 to index
        %swap3A_226 = arith.constant 208 : index
        %swap3A_227 = tpu.vector_load %arg9[%swap3A_225, %swap3A_226] {strides = array<i32>} : memref<32x1024xf32, #tpu.memory_space<vmem>>, vector<1x16xf32>,
        %swap3A_228 = vector.shape_cast %swap3A_227 : vector<1x16xf32> to vector<16xf32>
        %swap3A_229 = vector.shape_cast %add3A_224 : vector<16xf32> to vector<1x16xf32>
        tpu.vector_store %arg9[%swap3A_225, %swap3A_226], %swap3A_229 {strides = array<i32>} : memref<32x1024xf32, #tpu.memory_space<vmem>>, vector<1x16xf32>,
        %get3A_230 = arith.index_cast %scan3A_34 : i32 to index
        %get3A_231 = arith.constant 224 : index
        %get3A_232 = tpu.vector_load %arg7[%get3A_230, %get3A_231] {strides = array<i32>} : memref<32x1024xf32, #tpu.memory_space<vmem>>, vector<1x16xf32>,
        %get3A_233 = vector.shape_cast %get3A_232 : vector<1x16xf32> to vector<16xf32>
        %get3A_234 = arith.index_cast %scan3A_34 : i32 to index
        %get3A_235 = arith.constant 224 : index
        %get3A_236 = tpu.vector_load %arg8[%get3A_234, %get3A_235] {strides = array<i32>} : memref<32x1024xf32, #tpu.memory_space<vmem>>, vector<1x16xf32>,
        %get3A_237 = vector.shape_cast %get3A_236 : vector<1x16xf32> to vector<16xf32>
        %add3A_238 = arith.addf %get3A_233, %get3A_237 : vector<16xf32>
        %swap3A_239 = arith.index_cast %scan3A_34 : i32 to index
        %swap3A_240 = arith.constant 224 : index
        %swap3A_241 = tpu.vector_load %arg9[%swap3A_239, %swap3A_240] {strides = array<i32>} : memref<32x1024xf32, #tpu.memory_space<vmem>>, vector<1x16xf32>,
        %swap3A_242 = vector.shape_cast %swap3A_241 : vector<1x16xf32> to vector<16xf32>
        %swap3A_243 = vector.shape_cast %add3A_238 : vector<16xf32> to vector<1x16xf32>
        tpu.vector_store %arg9[%swap3A_239, %swap3A_240], %swap3A_243 {strides = array<i32>} : memref<32x1024xf32, #tpu.memory_space<vmem>>, vector<1x16xf32>,
        %get3A_244 = arith.index_cast %scan3A_34 : i32 to index
        %get3A_245 = arith.constant 240 : index
        %get3A_246 = tpu.vector_load %arg7[%get3A_244, %get3A_245] {strides = array<i32>} : memref<32x1024xf32, #tpu.memory_space<vmem>>, vector<1x16xf32>,
        %get3A_247 = vector.shape_cast %get3A_246 : vector<1x16xf32> to vector<16xf32>
        %get3A_248 = arith.index_cast %scan3A_34 : i32 to index
        %get3A_249 = arith.constant 240 : index
        %get3A_250 = tpu.vector_load %arg8[%get3A_248, %get3A_249] {strides = array<i32>} : memref<32x1024xf32, #tpu.memory_space<vmem>>, vector<1x16xf32>,
        %get3A_251 = vector.shape_cast %get3A_250 : vector<1x16xf32> to vector<16xf32>
        %add3A_252 = arith.addf %get3A_247, %get3A_251 : vector<16xf32>
        %swap3A_253 = arith.index_cast %scan3A_34 : i32 to index
        %swap3A_254 = arith.constant 240 : index
        %swap3A_255 = tpu.vector_load %arg9[%swap3A_253, %swap3A_254] {strides = array<i32>} : memref<32x1024xf32, #tpu.memory_space<vmem>>, vector<1x16xf32>,
        %swap3A_256 = vector.shape_cast %swap3A_255 : vector<1x16xf32> to vector<16xf32>
        %swap3A_257 = vector.shape_cast %add3A_252 : vector<16xf32> to vector<1x16xf32>
        tpu.vector_store %arg9[%swap3A_253, %swap3A_254], %swap3A_257 {strides = array<i32>} : memref<32x1024xf32, #tpu.memory_space<vmem>>, vector<1x16xf32>,
        %get3A_258 = arith.index_cast %scan3A_34 : i32 to index
        %get3A_259 = arith.constant 256 : index
        %get3A_260 = tpu.vector_load %arg7[%get3A_258, %get3A_259] {strides = array<i32>} : memref<32x1024xf32, #tpu.memory_space<vmem>>, vector<1x16xf32>,
        %get3A_261 = vector.shape_cast %get3A_260 : vector<1x16xf32> to vector<16xf32>
        %get3A_262 = arith.index_cast %scan3A_34 : i32 to index
        %get3A_263 = arith.constant 256 : index
        %get3A_264 = tpu.vector_load %arg8[%get3A_262, %get3A_263] {strides = array<i32>} : memref<32x1024xf32, #tpu.memory_space<vmem>>, vector<1x16xf32>,
        %get3A_265 = vector.shape_cast %get3A_264 : vector<1x16xf32> to vector<16xf32>
        %add3A_266 = arith.addf %get3A_261, %get3A_265 : vector<16xf32>
        %swap3A_267 = arith.index_cast %scan3A_34 : i32 to index
        %swap3A_268 = arith.constant 256 : index
        %swap3A_269 = tpu.vector_load %arg9[%swap3A_267, %swap3A_268] {strides = array<i32>} : memref<32x1024xf32, #tpu.memory_space<vmem>>, vector<1x16xf32>,
        %swap3A_270 = vector.shape_cast %swap3A_269 : vector<1x16xf32> to vector<16xf32>
        %swap3A_271 = vector.shape_cast %add3A_266 : vector<16xf32> to vector<1x16xf32>
        tpu.vector_store %arg9[%swap3A_267, %swap3A_268], %swap3A_271 {strides = array<i32>} : memref<32x1024xf32, #tpu.memory_space<vmem>>, vector<1x16xf32>,
        %get3A_272 = arith.index_cast %scan3A_34 : i32 to index
        %get3A_273 = arith.constant 272 : index
        %get3A_274 = tpu.vector_load %arg7[%get3A_272, %get3A_273] {strides = array<i32>} : memref<32x1024xf32, #tpu.memory_space<vmem>>, vector<1x16xf32>,
        %get3A_275 = vector.shape_cast %get3A_274 : vector<1x16xf32> to vector<16xf32>
        %get3A_276 = arith.index_cast %scan3A_34 : i32 to index
        %get3A_277 = arith.constant 272 : index
        %get3A_278 = tpu.vector_load %arg8[%get3A_276, %get3A_277] {strides = array<i32>} : memref<32x1024xf32, #tpu.memory_space<vmem>>, vector<1x16xf32>,
        %get3A_279 = vector.shape_cast %get3A_278 : vector<1x16xf32> to vector<16xf32>
        %add3A_280 = arith.addf %get3A_275, %get3A_279 : vector<16xf32>
        %swap3A_281 = arith.index_cast %scan3A_34 : i32 to index
        %swap3A_282 = arith.constant 272 : index
        %swap3A_283 = tpu.vector_load %arg9[%swap3A_281, %swap3A_282] {strides = array<i32>} : memref<32x1024xf32, #tpu.memory_space<vmem>>, vector<1x16xf32>,
        %swap3A_284 = vector.shape_cast %swap3A_283 : vector<1x16xf32> to vector<16xf32>
        %swap3A_285 = vector.shape_cast %add3A_280 : vector<16xf32> to vector<1x16xf32>
        tpu.vector_store %arg9[%swap3A_281, %swap3A_282], %swap3A_285 {strides = array<i32>} : memref<32x1024xf32, #tpu.memory_space<vmem>>, vector<1x16xf32>,
        %get3A_286 = arith.index_cast %scan3A_34 : i32 to index
        %get3A_287 = arith.constant 288 : index
        %get3A_288 = tpu.vector_load %arg7[%get3A_286, %get3A_287] {strides = array<i32>} : memref<32x1024xf32, #tpu.memory_space<vmem>>, vector<1x16xf32>,
        %get3A_289 = vector.shape_cast %get3A_288 : vector<1x16xf32> to vector<16xf32>
        %get3A_290 = arith.index_cast %scan3A_34 : i32 to index
        %get3A_291 = arith.constant 288 : index
        %get3A_292 = tpu.vector_load %arg8[%get3A_290, %get3A_291] {strides = array<i32>} : memref<32x1024xf32, #tpu.memory_space<vmem>>, vector<1x16xf32>,
        %get3A_293 = vector.shape_cast %get3A_292 : vector<1x16xf32> to vector<16xf32>
        %add3A_294 = arith.addf %get3A_289, %get3A_293 : vector<16xf32>
        %swap3A_295 = arith.index_cast %scan3A_34 : i32 to index
        %swap3A_296 = arith.constant 288 : index
        %swap3A_297 = tpu.vector_load %arg9[%swap3A_295, %swap3A_296] {strides = array<i32>} : memref<32x1024xf32, #tpu.memory_space<vmem>>, vector<1x16xf32>,
        %swap3A_298 = vector.shape_cast %swap3A_297 : vector<1x16xf32> to vector<16xf32>
        %swap3A_299 = vector.shape_cast %add3A_294 : vector<16xf32> to vector<1x16xf32>
        tpu.vector_store %arg9[%swap3A_295, %swap3A_296], %swap3A_299 {strides = array<i32>} : memref<32x1024xf32, #tpu.memory_space<vmem>>, vector<1x16xf32>,
        %get3A_300 = arith.index_cast %scan3A_34 : i32 to index
        %get3A_301 = arith.constant 304 : index
        %get3A_302 = tpu.vector_load %arg7[%get3A_300, %get3A_301] {strides = array<i32>} : memref<32x1024xf32, #tpu.memory_space<vmem>>, vector<1x16xf32>,
        %get3A_303 = vector.shape_cast %get3A_302 : vector<1x16xf32> to vector<16xf32>
        %get3A_304 = arith.index_cast %scan3A_34 : i32 to index
        %get3A_305 = arith.constant 304 : index
        %get3A_306 = tpu.vector_load %arg8[%get3A_304, %get3A_305] {strides = array<i32>} : memref<32x1024xf32, #tpu.memory_space<vmem>>, vector<1x16xf32>,
        %get3A_307 = vector.shape_cast %get3A_306 : vector<1x16xf32> to vector<16xf32>
        %add3A_308 = arith.addf %get3A_303, %get3A_307 : vector<16xf32>
        %swap3A_309 = arith.index_cast %scan3A_34 : i32 to index
        %swap3A_310 = arith.constant 304 : index
        %swap3A_311 = tpu.vector_load %arg9[%swap3A_309, %swap3A_310] {strides = array<i32>} : memref<32x1024xf32, #tpu.memory_space<vmem>>, vector<1x16xf32>,
        %swap3A_312 = vector.shape_cast %swap3A_311 : vector<1x16xf32> to vector<16xf32>
        %swap3A_313 = vector.shape_cast %add3A_308 : vector<16xf32> to vector<1x16xf32>
        tpu.vector_store %arg9[%swap3A_309, %swap3A_310], %swap3A_313 {strides = array<i32>} : memref<32x1024xf32, #tpu.memory_space<vmem>>, vector<1x16xf32>,
        %get3A_314 = arith.index_cast %scan3A_34 : i32 to index
        %get3A_315 = arith.constant 320 : index
        %get3A_316 = tpu.vector_load %arg7[%get3A_314, %get3A_315] {strides = array<i32>} : memref<32x1024xf32, #tpu.memory_space<vmem>>, vector<1x16xf32>,
        %get3A_317 = vector.shape_cast %get3A_316 : vector<1x16xf32> to vector<16xf32>
        %get3A_318 = arith.index_cast %scan3A_34 : i32 to index
        %get3A_319 = arith.constant 320 : index
        %get3A_320 = tpu.vector_load %arg8[%get3A_318, %get3A_319] {strides = array<i32>} : memref<32x1024xf32, #tpu.memory_space<vmem>>, vector<1x16xf32>,
        %get3A_321 = vector.shape_cast %get3A_320 : vector<1x16xf32> to vector<16xf32>
        %add3A_322 = arith.addf %get3A_317, %get3A_321 : vector<16xf32>
        %swap3A_323 = arith.index_cast %scan3A_34 : i32 to index
        %swap3A_324 = arith.constant 320 : index
        %swap3A_325 = tpu.vector_load %arg9[%swap3A_323, %swap3A_324] {strides = array<i32>} : memref<32x1024xf32, #tpu.memory_space<vmem>>, vector<1x16xf32>,
        %swap3A_326 = vector.shape_cast %swap3A_325 : vector<1x16xf32> to vector<16xf32>
        %swap3A_327 = vector.shape_cast %add3A_322 : vector<16xf32> to vector<1x16xf32>
        tpu.vector_store %arg9[%swap3A_323, %swap3A_324], %swap3A_327 {strides = array<i32>} : memref<32x1024xf32, #tpu.memory_space<vmem>>, vector<1x16xf32>,
        %get3A_328 = arith.index_cast %scan3A_34 : i32 to index
        %get3A_329 = arith.constant 336 : index
        %get3A_330 = tpu.vector_load %arg7[%get3A_328, %get3A_329] {strides = array<i32>} : memref<32x1024xf32, #tpu.memory_space<vmem>>, vector<1x16xf32>,
        %get3A_331 = vector.shape_cast %get3A_330 : vector<1x16xf32> to vector<16xf32>
        %get3A_332 = arith.index_cast %scan3A_34 : i32 to index
        %get3A_333 = arith.constant 336 : index
        %get3A_334 = tpu.vector_load %arg8[%get3A_332, %get3A_333] {strides = array<i32>} : memref<32x1024xf32, #tpu.memory_space<vmem>>, vector<1x16xf32>,
        %get3A_335 = vector.shape_cast %get3A_334 : vector<1x16xf32> to vector<16xf32>
        %add3A_336 = arith.addf %get3A_331, %get3A_335 : vector<16xf32>
        %swap3A_337 = arith.index_cast %scan3A_34 : i32 to index
        %swap3A_338 = arith.constant 336 : index
        %swap3A_339 = tpu.vector_load %arg9[%swap3A_337, %swap3A_338] {strides = array<i32>} : memref<32x1024xf32, #tpu.memory_space<vmem>>, vector<1x16xf32>,
        %swap3A_340 = vector.shape_cast %swap3A_339 : vector<1x16xf32> to vector<16xf32>
        %swap3A_341 = vector.shape_cast %add3A_336 : vector<16xf32> to vector<1x16xf32>
        tpu.vector_store %arg9[%swap3A_337, %swap3A_338], %swap3A_341 {strides = array<i32>} : memref<32x1024xf32, #tpu.memory_space<vmem>>, vector<1x16xf32>,
        %get3A_342 = arith.index_cast %scan3A_34 : i32 to index
        %get3A_343 = arith.constant 352 : index
        %get3A_344 = tpu.vector_load %arg7[%get3A_342, %get3A_343] {strides = array<i32>} : memref<32x1024xf32, #tpu.memory_space<vmem>>, vector<1x16xf32>,
        %get3A_345 = vector.shape_cast %get3A_344 : vector<1x16xf32> to vector<16xf32>
        %get3A_346 = arith.index_cast %scan3A_34 : i32 to index
        %get3A_347 = arith.constant 352 : index
        %get3A_348 = tpu.vector_load %arg8[%get3A_346, %get3A_347] {strides = array<i32>} : memref<32x1024xf32, #tpu.memory_space<vmem>>, vector<1x16xf32>,
        %get3A_349 = vector.shape_cast %get3A_348 : vector<1x16xf32> to vector<16xf32>
        %add3A_350 = arith.addf %get3A_345, %get3A_349 : vector<16xf32>
        %swap3A_351 = arith.index_cast %scan3A_34 : i32 to index
        %swap3A_352 = arith.constant 352 : index
        %swap3A_353 = tpu.vector_load %arg9[%swap3A_351, %swap3A_352] {strides = array<i32>} : memref<32x1024xf32, #tpu.memory_space<vmem>>, vector<1x16xf32>,
        %swap3A_354 = vector.shape_cast %swap3A_353 : vector<1x16xf32> to vector<16xf32>
        %swap3A_355 = vector.shape_cast %add3A_350 : vector<16xf32> to vector<1x16xf32>
        tpu.vector_store %arg9[%swap3A_351, %swap3A_352], %swap3A_355 {strides = array<i32>} : memref<32x1024xf32, #tpu.memory_space<vmem>>, vector<1x16xf32>,
        %get3A_356 = arith.index_cast %scan3A_34 : i32 to index
        %get3A_357 = arith.constant 368 : index
        %get3A_358 = tpu.vector_load %arg7[%get3A_356, %get3A_357] {strides = array<i32>} : memref<32x1024xf32, #tpu.memory_space<vmem>>, vector<1x16xf32>,
        %get3A_359 = vector.shape_cast %get3A_358 : vector<1x16xf32> to vector<16xf32>
        %get3A_360 = arith.index_cast %scan3A_34 : i32 to index
        %get3A_361 = arith.constant 368 : index
        %get3A_362 = tpu.vector_load %arg8[%get3A_360, %get3A_361] {strides = array<i32>} : memref<32x1024xf32, #tpu.memory_space<vmem>>, vector<1x16xf32>,
        %get3A_363 = vector.shape_cast %get3A_362 : vector<1x16xf32> to vector<16xf32>
        %add3A_364 = arith.addf %get3A_359, %get3A_363 : vector<16xf32>
        %swap3A_365 = arith.index_cast %scan3A_34 : i32 to index
        %swap3A_366 = arith.constant 368 : index
        %swap3A_367 = tpu.vector_load %arg9[%swap3A_365, %swap3A_366] {strides = array<i32>} : memref<32x1024xf32, #tpu.memory_space<vmem>>, vector<1x16xf32>,
        %swap3A_368 = vector.shape_cast %swap3A_367 : vector<1x16xf32> to vector<16xf32>
        %swap3A_369 = vector.shape_cast %add3A_364 : vector<16xf32> to vector<1x16xf32>
        tpu.vector_store %arg9[%swap3A_365, %swap3A_366], %swap3A_369 {strides = array<i32>} : memref<32x1024xf32, #tpu.memory_space<vmem>>, vector<1x16xf32>,
        %get3A_370 = arith.index_cast %scan3A_34 : i32 to index
        %get3A_371 = arith.constant 384 : index
        %get3A_372 = tpu.vector_load %arg7[%get3A_370, %get3A_371] {strides = array<i32>} : memref<32x1024xf32, #tpu.memory_space<vmem>>, vector<1x16xf32>,
        %get3A_373 = vector.shape_cast %get3A_372 : vector<1x16xf32> to vector<16xf32>
        %get3A_374 = arith.index_cast %scan3A_34 : i32 to index
        %get3A_375 = arith.constant 384 : index
        %get3A_376 = tpu.vector_load %arg8[%get3A_374, %get3A_375] {strides = array<i32>} : memref<32x1024xf32, #tpu.memory_space<vmem>>, vector<1x16xf32>,
        %get3A_377 = vector.shape_cast %get3A_376 : vector<1x16xf32> to vector<16xf32>
        %add3A_378 = arith.addf %get3A_373, %get3A_377 : vector<16xf32>
        %swap3A_379 = arith.index_cast %scan3A_34 : i32 to index
        %swap3A_380 = arith.constant 384 : index
        %swap3A_381 = tpu.vector_load %arg9[%swap3A_379, %swap3A_380] {strides = array<i32>} : memref<32x1024xf32, #tpu.memory_space<vmem>>, vector<1x16xf32>,
        %swap3A_382 = vector.shape_cast %swap3A_381 : vector<1x16xf32> to vector<16xf32>
        %swap3A_383 = vector.shape_cast %add3A_378 : vector<16xf32> to vector<1x16xf32>
        tpu.vector_store %arg9[%swap3A_379, %swap3A_380], %swap3A_383 {strides = array<i32>} : memref<32x1024xf32, #tpu.memory_space<vmem>>, vector<1x16xf32>,
        %get3A_384 = arith.index_cast %scan3A_34 : i32 to index
        %get3A_385 = arith.constant 400 : index
        %get3A_386 = tpu.vector_load %arg7[%get3A_384, %get3A_385] {strides = array<i32>} : memref<32x1024xf32, #tpu.memory_space<vmem>>, vector<1x16xf32>,
        %get3A_387 = vector.shape_cast %get3A_386 : vector<1x16xf32> to vector<16xf32>
        %get3A_388 = arith.index_cast %scan3A_34 : i32 to index
        %get3A_389 = arith.constant 400 : index
        %get3A_390 = tpu.vector_load %arg8[%get3A_388, %get3A_389] {strides = array<i32>} : memref<32x1024xf32, #tpu.memory_space<vmem>>, vector<1x16xf32>,
        %get3A_391 = vector.shape_cast %get3A_390 : vector<1x16xf32> to vector<16xf32>
        %add3A_392 = arith.addf %get3A_387, %get3A_391 : vector<16xf32>
        %swap3A_393 = arith.index_cast %scan3A_34 : i32 to index
        %swap3A_394 = arith.constant 400 : index
        %swap3A_395 = tpu.vector_load %arg9[%swap3A_393, %swap3A_394] {strides = array<i32>} : memref<32x1024xf32, #tpu.memory_space<vmem>>, vector<1x16xf32>,
        %swap3A_396 = vector.shape_cast %swap3A_395 : vector<1x16xf32> to vector<16xf32>
        %swap3A_397 = vector.shape_cast %add3A_392 : vector<16xf32> to vector<1x16xf32>
        tpu.vector_store %arg9[%swap3A_393, %swap3A_394], %swap3A_397 {strides = array<i32>} : memref<32x1024xf32, #tpu.memory_space<vmem>>, vector<1x16xf32>,
        %get3A_398 = arith.index_cast %scan3A_34 : i32 to index
        %get3A_399 = arith.constant 416 : index
        %get3A_400 = tpu.vector_load %arg7[%get3A_398, %get3A_399] {strides = array<i32>} : memref<32x1024xf32, #tpu.memory_space<vmem>>, vector<1x16xf32>,
        %get3A_401 = vector.shape_cast %get3A_400 : vector<1x16xf32> to vector<16xf32>
        %get3A_402 = arith.index_cast %scan3A_34 : i32 to index
        %get3A_403 = arith.constant 416 : index
        %get3A_404 = tpu.vector_load %arg8[%get3A_402, %get3A_403] {strides = array<i32>} : memref<32x1024xf32, #tpu.memory_space<vmem>>, vector<1x16xf32>,
        %get3A_405 = vector.shape_cast %get3A_404 : vector<1x16xf32> to vector<16xf32>
        %add3A_406 = arith.addf %get3A_401, %get3A_405 : vector<16xf32>
        %swap3A_407 = arith.index_cast %scan3A_34 : i32 to index
        %swap3A_408 = arith.constant 416 : index
        %swap3A_409 = tpu.vector_load %arg9[%swap3A_407, %swap3A_408] {strides = array<i32>} : memref<32x1024xf32, #tpu.memory_space<vmem>>, vector<1x16xf32>,
        %swap3A_410 = vector.shape_cast %swap3A_409 : vector<1x16xf32> to vector<16xf32>
        %swap3A_411 = vector.shape_cast %add3A_406 : vector<16xf32> to vector<1x16xf32>
        tpu.vector_store %arg9[%swap3A_407, %swap3A_408], %swap3A_411 {strides = array<i32>} : memref<32x1024xf32, #tpu.memory_space<vmem>>, vector<1x16xf32>,
        %get3A_412 = arith.index_cast %scan3A_34 : i32 to index
        %get3A_413 = arith.constant 432 : index
        %get3A_414 = tpu.vector_load %arg7[%get3A_412, %get3A_413] {strides = array<i32>} : memref<32x1024xf32, #tpu.memory_space<vmem>>, vector<1x16xf32>,
        %get3A_415 = vector.shape_cast %get3A_414 : vector<1x16xf32> to vector<16xf32>
        %get3A_416 = arith.index_cast %scan3A_34 : i32 to index
        %get3A_417 = arith.constant 432 : index
        %get3A_418 = tpu.vector_load %arg8[%get3A_416, %get3A_417] {strides = array<i32>} : memref<32x1024xf32, #tpu.memory_space<vmem>>, vector<1x16xf32>,
        %get3A_419 = vector.shape_cast %get3A_418 : vector<1x16xf32> to vector<16xf32>
        %add3A_420 = arith.addf %get3A_415, %get3A_419 : vector<16xf32>
        %swap3A_421 = arith.index_cast %scan3A_34 : i32 to index
        %swap3A_422 = arith.constant 432 : index
        %swap3A_423 = tpu.vector_load %arg9[%swap3A_421, %swap3A_422] {strides = array<i32>} : memref<32x1024xf32, #tpu.memory_space<vmem>>, vector<1x16xf32>,
        %swap3A_424 = vector.shape_cast %swap3A_423 : vector<1x16xf32> to vector<16xf32>
        %swap3A_425 = vector.shape_cast %add3A_420 : vector<16xf32> to vector<1x16xf32>
        tpu.vector_store %arg9[%swap3A_421, %swap3A_422], %swap3A_425 {strides = array<i32>} : memref<32x1024xf32, #tpu.memory_space<vmem>>, vector<1x16xf32>,
        %get3A_426 = arith.index_cast %scan3A_34 : i32 to index
        %get3A_427 = arith.constant 448 : index
        %get3A_428 = tpu.vector_load %arg7[%get3A_426, %get3A_427] {strides = array<i32>} : memref<32x1024xf32, #tpu.memory_space<vmem>>, vector<1x16xf32>,
        %get3A_429 = vector.shape_cast %get3A_428 : vector<1x16xf32> to vector<16xf32>
        %get3A_430 = arith.index_cast %scan3A_34 : i32 to index
        %get3A_431 = arith.constant 448 : index
        %get3A_432 = tpu.vector_load %arg8[%get3A_430, %get3A_431] {strides = array<i32>} : memref<32x1024xf32, #tpu.memory_space<vmem>>, vector<1x16xf32>,
        %get3A_433 = vector.shape_cast %get3A_432 : vector<1x16xf32> to vector<16xf32>
        %add3A_434 = arith.addf %get3A_429, %get3A_433 : vector<16xf32>
        %swap3A_435 = arith.index_cast %scan3A_34 : i32 to index
        %swap3A_436 = arith.constant 448 : index
        %swap3A_437 = tpu.vector_load %arg9[%swap3A_435, %swap3A_436] {strides = array<i32>} : memref<32x1024xf32, #tpu.memory_space<vmem>>, vector<1x16xf32>,
        %swap3A_438 = vector.shape_cast %swap3A_437 : vector<1x16xf32> to vector<16xf32>
        %swap3A_439 = vector.shape_cast %add3A_434 : vector<16xf32> to vector<1x16xf32>
        tpu.vector_store %arg9[%swap3A_435, %swap3A_436], %swap3A_439 {strides = array<i32>} : memref<32x1024xf32, #tpu.memory_space<vmem>>, vector<1x16xf32>,
        %get3A_440 = arith.index_cast %scan3A_34 : i32 to index
        %get3A_441 = arith.constant 464 : index
        %get3A_442 = tpu.vector_load %arg7[%get3A_440, %get3A_441] {strides = array<i32>} : memref<32x1024xf32, #tpu.memory_space<vmem>>, vector<1x16xf32>,
        %get3A_443 = vector.shape_cast %get3A_442 : vector<1x16xf32> to vector<16xf32>
        %get3A_444 = arith.index_cast %scan3A_34 : i32 to index
        %get3A_445 = arith.constant 464 : index
        %get3A_446 = tpu.vector_load %arg8[%get3A_444, %get3A_445] {strides = array<i32>} : memref<32x1024xf32, #tpu.memory_space<vmem>>, vector<1x16xf32>,
        %get3A_447 = vector.shape_cast %get3A_446 : vector<1x16xf32> to vector<16xf32>
        %add3A_448 = arith.addf %get3A_443, %get3A_447 : vector<16xf32>
        %swap3A_449 = arith.index_cast %scan3A_34 : i32 to index
        %swap3A_450 = arith.constant 464 : index
        %swap3A_451 = tpu.vector_load %arg9[%swap3A_449, %swap3A_450] {strides = array<i32>} : memref<32x1024xf32, #tpu.memory_space<vmem>>, vector<1x16xf32>,
        %swap3A_452 = vector.shape_cast %swap3A_451 : vector<1x16xf32> to vector<16xf32>
        %swap3A_453 = vector.shape_cast %add3A_448 : vector<16xf32> to vector<1x16xf32>
        tpu.vector_store %arg9[%swap3A_449, %swap3A_450], %swap3A_453 {strides = array<i32>} : memref<32x1024xf32, #tpu.memory_space<vmem>>, vector<1x16xf32>,
        %get3A_454 = arith.index_cast %scan3A_34 : i32 to index
        %get3A_455 = arith.constant 480 : index
        %get3A_456 = tpu.vector_load %arg7[%get3A_454, %get3A_455] {strides = array<i32>} : memref<32x1024xf32, #tpu.memory_space<vmem>>, vector<1x16xf32>,
        %get3A_457 = vector.shape_cast %get3A_456 : vector<1x16xf32> to vector<16xf32>
        %get3A_458 = arith.index_cast %scan3A_34 : i32 to index
        %get3A_459 = arith.constant 480 : index
        %get3A_460 = tpu.vector_load %arg8[%get3A_458, %get3A_459] {strides = array<i32>} : memref<32x1024xf32, #tpu.memory_space<vmem>>, vector<1x16xf32>,
        %get3A_461 = vector.shape_cast %get3A_460 : vector<1x16xf32> to vector<16xf32>
        %add3A_462 = arith.addf %get3A_457, %get3A_461 : vector<16xf32>
        %swap3A_463 = arith.index_cast %scan3A_34 : i32 to index
        %swap3A_464 = arith.constant 480 : index
        %swap3A_465 = tpu.vector_load %arg9[%swap3A_463, %swap3A_464] {strides = array<i32>} : memref<32x1024xf32, #tpu.memory_space<vmem>>, vector<1x16xf32>,
        %swap3A_466 = vector.shape_cast %swap3A_465 : vector<1x16xf32> to vector<16xf32>
        %swap3A_467 = vector.shape_cast %add3A_462 : vector<16xf32> to vector<1x16xf32>
        tpu.vector_store %arg9[%swap3A_463, %swap3A_464], %swap3A_467 {strides = array<i32>} : memref<32x1024xf32, #tpu.memory_space<vmem>>, vector<1x16xf32>,
        %get3A_468 = arith.index_cast %scan3A_34 : i32 to index
        %get3A_469 = arith.constant 496 : index
        %get3A_470 = tpu.vector_load %arg7[%get3A_468, %get3A_469] {strides = array<i32>} : memref<32x1024xf32, #tpu.memory_space<vmem>>, vector<1x16xf32>,
        %get3A_471 = vector.shape_cast %get3A_470 : vector<1x16xf32> to vector<16xf32>
        %get3A_472 = arith.index_cast %scan3A_34 : i32 to index
        %get3A_473 = arith.constant 496 : index
        %get3A_474 = tpu.vector_load %arg8[%get3A_472, %get3A_473] {strides = array<i32>} : memref<32x1024xf32, #tpu.memory_space<vmem>>, vector<1x16xf32>,
        %get3A_475 = vector.shape_cast %get3A_474 : vector<1x16xf32> to vector<16xf32>
        %add3A_476 = arith.addf %get3A_471, %get3A_475 : vector<16xf32>
        %swap3A_477 = arith.index_cast %scan3A_34 : i32 to index
        %swap3A_478 = arith.constant 496 : index
        %swap3A_479 = tpu.vector_load %arg9[%swap3A_477, %swap3A_478] {strides = array<i32>} : memref<32x1024xf32, #tpu.memory_space<vmem>>, vector<1x16xf32>,
        %swap3A_480 = vector.shape_cast %swap3A_479 : vector<1x16xf32> to vector<16xf32>
        %swap3A_481 = vector.shape_cast %add3A_476 : vector<16xf32> to vector<1x16xf32>
        tpu.vector_store %arg9[%swap3A_477, %swap3A_478], %swap3A_481 {strides = array<i32>} : memref<32x1024xf32, #tpu.memory_space<vmem>>, vector<1x16xf32>,
        %get3A_482 = arith.index_cast %scan3A_34 : i32 to index
        %get3A_483 = arith.constant 512 : index
        %get3A_484 = tpu.vector_load %arg7[%get3A_482, %get3A_483] {strides = array<i32>} : memref<32x1024xf32, #tpu.memory_space<vmem>>, vector<1x16xf32>,
        %get3A_485 = vector.shape_cast %get3A_484 : vector<1x16xf32> to vector<16xf32>
        %get3A_486 = arith.index_cast %scan3A_34 : i32 to index
        %get3A_487 = arith.constant 512 : index
        %get3A_488 = tpu.vector_load %arg8[%get3A_486, %get3A_487] {strides = array<i32>} : memref<32x1024xf32, #tpu.memory_space<vmem>>, vector<1x16xf32>,
        %get3A_489 = vector.shape_cast %get3A_488 : vector<1x16xf32> to vector<16xf32>
        %add3A_490 = arith.addf %get3A_485, %get3A_489 : vector<16xf32>
        %swap3A_491 = arith.index_cast %scan3A_34 : i32 to index
        %swap3A_492 = arith.constant 512 : index
        %swap3A_493 = tpu.vector_load %arg9[%swap3A_491, %swap3A_492] {strides = array<i32>} : memref<32x1024xf32, #tpu.memory_space<vmem>>, vector<1x16xf32>,
        %swap3A_494 = vector.shape_cast %swap3A_493 : vector<1x16xf32> to vector<16xf32>
        %swap3A_495 = vector.shape_cast %add3A_490 : vector<16xf32> to vector<1x16xf32>
        tpu.vector_store %arg9[%swap3A_491, %swap3A_492], %swap3A_495 {strides = array<i32>} : memref<32x1024xf32, #tpu.memory_space<vmem>>, vector<1x16xf32>,
        %get3A_496 = arith.index_cast %scan3A_34 : i32 to index
        %get3A_497 = arith.constant 528 : index
        %get3A_498 = tpu.vector_load %arg7[%get3A_496, %get3A_497] {strides = array<i32>} : memref<32x1024xf32, #tpu.memory_space<vmem>>, vector<1x16xf32>,
        %get3A_499 = vector.shape_cast %get3A_498 : vector<1x16xf32> to vector<16xf32>
        %get3A_500 = arith.index_cast %scan3A_34 : i32 to index
        %get3A_501 = arith.constant 528 : index
        %get3A_502 = tpu.vector_load %arg8[%get3A_500, %get3A_501] {strides = array<i32>} : memref<32x1024xf32, #tpu.memory_space<vmem>>, vector<1x16xf32>,
        %get3A_503 = vector.shape_cast %get3A_502 : vector<1x16xf32> to vector<16xf32>
        %add3A_504 = arith.addf %get3A_499, %get3A_503 : vector<16xf32>
        %swap3A_505 = arith.index_cast %scan3A_34 : i32 to index
        %swap3A_506 = arith.constant 528 : index
        %swap3A_507 = tpu.vector_load %arg9[%swap3A_505, %swap3A_506] {strides = array<i32>} : memref<32x1024xf32, #tpu.memory_space<vmem>>, vector<1x16xf32>,
        %swap3A_508 = vector.shape_cast %swap3A_507 : vector<1x16xf32> to vector<16xf32>
        %swap3A_509 = vector.shape_cast %add3A_504 : vector<16xf32> to vector<1x16xf32>
        tpu.vector_store %arg9[%swap3A_505, %swap3A_506], %swap3A_509 {strides = array<i32>} : memref<32x1024xf32, #tpu.memory_space<vmem>>, vector<1x16xf32>,
        %get3A_510 = arith.index_cast %scan3A_34 : i32 to index
        %get3A_511 = arith.constant 544 : index
        %get3A_512 = tpu.vector_load %arg7[%get3A_510, %get3A_511] {strides = array<i32>} : memref<32x1024xf32, #tpu.memory_space<vmem>>, vector<1x16xf32>,
        %get3A_513 = vector.shape_cast %get3A_512 : vector<1x16xf32> to vector<16xf32>
        %get3A_514 = arith.index_cast %scan3A_34 : i32 to index
        %get3A_515 = arith.constant 544 : index
        %get3A_516 = tpu.vector_load %arg8[%get3A_514, %get3A_515] {strides = array<i32>} : memref<32x1024xf32, #tpu.memory_space<vmem>>, vector<1x16xf32>,
        %get3A_517 = vector.shape_cast %get3A_516 : vector<1x16xf32> to vector<16xf32>
        %add3A_518 = arith.addf %get3A_513, %get3A_517 : vector<16xf32>
        %swap3A_519 = arith.index_cast %scan3A_34 : i32 to index
        %swap3A_520 = arith.constant 544 : index
        %swap3A_521 = tpu.vector_load %arg9[%swap3A_519, %swap3A_520] {strides = array<i32>} : memref<32x1024xf32, #tpu.memory_space<vmem>>, vector<1x16xf32>,
        %swap3A_522 = vector.shape_cast %swap3A_521 : vector<1x16xf32> to vector<16xf32>
        %swap3A_523 = vector.shape_cast %add3A_518 : vector<16xf32> to vector<1x16xf32>
        tpu.vector_store %arg9[%swap3A_519, %swap3A_520], %swap3A_523 {strides = array<i32>} : memref<32x1024xf32, #tpu.memory_space<vmem>>, vector<1x16xf32>,
        %get3A_524 = arith.index_cast %scan3A_34 : i32 to index
        %get3A_525 = arith.constant 560 : index
        %get3A_526 = tpu.vector_load %arg7[%get3A_524, %get3A_525] {strides = array<i32>} : memref<32x1024xf32, #tpu.memory_space<vmem>>, vector<1x16xf32>,
        %get3A_527 = vector.shape_cast %get3A_526 : vector<1x16xf32> to vector<16xf32>
        %get3A_528 = arith.index_cast %scan3A_34 : i32 to index
        %get3A_529 = arith.constant 560 : index
        %get3A_530 = tpu.vector_load %arg8[%get3A_528, %get3A_529] {strides = array<i32>} : memref<32x1024xf32, #tpu.memory_space<vmem>>, vector<1x16xf32>,
        %get3A_531 = vector.shape_cast %get3A_530 : vector<1x16xf32> to vector<16xf32>
        %add3A_532 = arith.addf %get3A_527, %get3A_531 : vector<16xf32>
        %swap3A_533 = arith.index_cast %scan3A_34 : i32 to index
        %swap3A_534 = arith.constant 560 : index
        %swap3A_535 = tpu.vector_load %arg9[%swap3A_533, %swap3A_534] {strides = array<i32>} : memref<32x1024xf32, #tpu.memory_space<vmem>>, vector<1x16xf32>,
        %swap3A_536 = vector.shape_cast %swap3A_535 : vector<1x16xf32> to vector<16xf32>
        %swap3A_537 = vector.shape_cast %add3A_532 : vector<16xf32> to vector<1x16xf32>
        tpu.vector_store %arg9[%swap3A_533, %swap3A_534], %swap3A_537 {strides = array<i32>} : memref<32x1024xf32, #tpu.memory_space<vmem>>, vector<1x16xf32>,
        %get3A_538 = arith.index_cast %scan3A_34 : i32 to index
        %get3A_539 = arith.constant 576 : index
        %get3A_540 = tpu.vector_load %arg7[%get3A_538, %get3A_539] {strides = array<i32>} : memref<32x1024xf32, #tpu.memory_space<vmem>>, vector<1x16xf32>,
        %get3A_541 = vector.shape_cast %get3A_540 : vector<1x16xf32> to vector<16xf32>
        %get3A_542 = arith.index_cast %scan3A_34 : i32 to index
        %get3A_543 = arith.constant 576 : index
        %get3A_544 = tpu.vector_load %arg8[%get3A_542, %get3A_543] {strides = array<i32>} : memref<32x1024xf32, #tpu.memory_space<vmem>>, vector<1x16xf32>,
        %get3A_545 = vector.shape_cast %get3A_544 : vector<1x16xf32> to vector<16xf32>
        %add3A_546 = arith.addf %get3A_541, %get3A_545 : vector<16xf32>
        %swap3A_547 = arith.index_cast %scan3A_34 : i32 to index
        %swap3A_548 = arith.constant 576 : index
        %swap3A_549 = tpu.vector_load %arg9[%swap3A_547, %swap3A_548] {strides = array<i32>} : memref<32x1024xf32, #tpu.memory_space<vmem>>, vector<1x16xf32>,
        %swap3A_550 = vector.shape_cast %swap3A_549 : vector<1x16xf32> to vector<16xf32>
        %swap3A_551 = vector.shape_cast %add3A_546 : vector<16xf32> to vector<1x16xf32>
        tpu.vector_store %arg9[%swap3A_547, %swap3A_548], %swap3A_551 {strides = array<i32>} : memref<32x1024xf32, #tpu.memory_space<vmem>>, vector<1x16xf32>,
        %get3A_552 = arith.index_cast %scan3A_34 : i32 to index
        %get3A_553 = arith.constant 592 : index
        %get3A_554 = tpu.vector_load %arg7[%get3A_552, %get3A_553] {strides = array<i32>} : memref<32x1024xf32, #tpu.memory_space<vmem>>, vector<1x16xf32>,
        %get3A_555 = vector.shape_cast %get3A_554 : vector<1x16xf32> to vector<16xf32>
        %get3A_556 = arith.index_cast %scan3A_34 : i32 to index
        %get3A_557 = arith.constant 592 : index
        %get3A_558 = tpu.vector_load %arg8[%get3A_556, %get3A_557] {strides = array<i32>} : memref<32x1024xf32, #tpu.memory_space<vmem>>, vector<1x16xf32>,
        %get3A_559 = vector.shape_cast %get3A_558 : vector<1x16xf32> to vector<16xf32>
        %add3A_560 = arith.addf %get3A_555, %get3A_559 : vector<16xf32>
        %swap3A_561 = arith.index_cast %scan3A_34 : i32 to index
        %swap3A_562 = arith.constant 592 : index
        %swap3A_563 = tpu.vector_load %arg9[%swap3A_561, %swap3A_562] {strides = array<i32>} : memref<32x1024xf32, #tpu.memory_space<vmem>>, vector<1x16xf32>,
        %swap3A_564 = vector.shape_cast %swap3A_563 : vector<1x16xf32> to vector<16xf32>
        %swap3A_565 = vector.shape_cast %add3A_560 : vector<16xf32> to vector<1x16xf32>
        tpu.vector_store %arg9[%swap3A_561, %swap3A_562], %swap3A_565 {strides = array<i32>} : memref<32x1024xf32, #tpu.memory_space<vmem>>, vector<1x16xf32>,
        %get3A_566 = arith.index_cast %scan3A_34 : i32 to index
        %get3A_567 = arith.constant 608 : index
        %get3A_568 = tpu.vector_load %arg7[%get3A_566, %get3A_567] {strides = array<i32>} : memref<32x1024xf32, #tpu.memory_space<vmem>>, vector<1x16xf32>,
        %get3A_569 = vector.shape_cast %get3A_568 : vector<1x16xf32> to vector<16xf32>
        %get3A_570 = arith.index_cast %scan3A_34 : i32 to index
        %get3A_571 = arith.constant 608 : index
        %get3A_572 = tpu.vector_load %arg8[%get3A_570, %get3A_571] {strides = array<i32>} : memref<32x1024xf32, #tpu.memory_space<vmem>>, vector<1x16xf32>,
        %get3A_573 = vector.shape_cast %get3A_572 : vector<1x16xf32> to vector<16xf32>
        %add3A_574 = arith.addf %get3A_569, %get3A_573 : vector<16xf32>
        %swap3A_575 = arith.index_cast %scan3A_34 : i32 to index
        %swap3A_576 = arith.constant 608 : index
        %swap3A_577 = tpu.vector_load %arg9[%swap3A_575, %swap3A_576] {strides = array<i32>} : memref<32x1024xf32, #tpu.memory_space<vmem>>, vector<1x16xf32>,
        %swap3A_578 = vector.shape_cast %swap3A_577 : vector<1x16xf32> to vector<16xf32>
        %swap3A_579 = vector.shape_cast %add3A_574 : vector<16xf32> to vector<1x16xf32>
        tpu.vector_store %arg9[%swap3A_575, %swap3A_576], %swap3A_579 {strides = array<i32>} : memref<32x1024xf32, #tpu.memory_space<vmem>>, vector<1x16xf32>,
        %get3A_580 = arith.index_cast %scan3A_34 : i32 to index
        %get3A_581 = arith.constant 624 : index
        %get3A_582 = tpu.vector_load %arg7[%get3A_580, %get3A_581] {strides = array<i32>} : memref<32x1024xf32, #tpu.memory_space<vmem>>, vector<1x16xf32>,
        %get3A_583 = vector.shape_cast %get3A_582 : vector<1x16xf32> to vector<16xf32>
        %get3A_584 = arith.index_cast %scan3A_34 : i32 to index
        %get3A_585 = arith.constant 624 : index
        %get3A_586 = tpu.vector_load %arg8[%get3A_584, %get3A_585] {strides = array<i32>} : memref<32x1024xf32, #tpu.memory_space<vmem>>, vector<1x16xf32>,
        %get3A_587 = vector.shape_cast %get3A_586 : vector<1x16xf32> to vector<16xf32>
        %add3A_588 = arith.addf %get3A_583, %get3A_587 : vector<16xf32>
        %swap3A_589 = arith.index_cast %scan3A_34 : i32 to index
        %swap3A_590 = arith.constant 624 : index
        %swap3A_591 = tpu.vector_load %arg9[%swap3A_589, %swap3A_590] {strides = array<i32>} : memref<32x1024xf32, #tpu.memory_space<vmem>>, vector<1x16xf32>,
        %swap3A_592 = vector.shape_cast %swap3A_591 : vector<1x16xf32> to vector<16xf32>
        %swap3A_593 = vector.shape_cast %add3A_588 : vector<16xf32> to vector<1x16xf32>
        tpu.vector_store %arg9[%swap3A_589, %swap3A_590], %swap3A_593 {strides = array<i32>} : memref<32x1024xf32, #tpu.memory_space<vmem>>, vector<1x16xf32>,
        %get3A_594 = arith.index_cast %scan3A_34 : i32 to index
        %get3A_595 = arith.constant 640 : index
        %get3A_596 = tpu.vector_load %arg7[%get3A_594, %get3A_595] {strides = array<i32>} : memref<32x1024xf32, #tpu.memory_space<vmem>>, vector<1x16xf32>,
        %get3A_597 = vector.shape_cast %get3A_596 : vector<1x16xf32> to vector<16xf32>
        %get3A_598 = arith.index_cast %scan3A_34 : i32 to index
        %get3A_599 = arith.constant 640 : index
        %get3A_600 = tpu.vector_load %arg8[%get3A_598, %get3A_599] {strides = array<i32>} : memref<32x1024xf32, #tpu.memory_space<vmem>>, vector<1x16xf32>,
        %get3A_601 = vector.shape_cast %get3A_600 : vector<1x16xf32> to vector<16xf32>
        %add3A_602 = arith.addf %get3A_597, %get3A_601 : vector<16xf32>
        %swap3A_603 = arith.index_cast %scan3A_34 : i32 to index
        %swap3A_604 = arith.constant 640 : index
        %swap3A_605 = tpu.vector_load %arg9[%swap3A_603, %swap3A_604] {strides = array<i32>} : memref<32x1024xf32, #tpu.memory_space<vmem>>, vector<1x16xf32>,
        %swap3A_606 = vector.shape_cast %swap3A_605 : vector<1x16xf32> to vector<16xf32>
        %swap3A_607 = vector.shape_cast %add3A_602 : vector<16xf32> to vector<1x16xf32>
        tpu.vector_store %arg9[%swap3A_603, %swap3A_604], %swap3A_607 {strides = array<i32>} : memref<32x1024xf32, #tpu.memory_space<vmem>>, vector<1x16xf32>,
        %get3A_608 = arith.index_cast %scan3A_34 : i32 to index
        %get3A_609 = arith.constant 656 : index
        %get3A_610 = tpu.vector_load %arg7[%get3A_608, %get3A_609] {strides = array<i32>} : memref<32x1024xf32, #tpu.memory_space<vmem>>, vector<1x16xf32>,
        %get3A_611 = vector.shape_cast %get3A_610 : vector<1x16xf32> to vector<16xf32>
        %get3A_612 = arith.index_cast %scan3A_34 : i32 to index
        %get3A_613 = arith.constant 656 : index
        %get3A_614 = tpu.vector_load %arg8[%get3A_612, %get3A_613] {strides = array<i32>} : memref<32x1024xf32, #tpu.memory_space<vmem>>, vector<1x16xf32>,
        %get3A_615 = vector.shape_cast %get3A_614 : vector<1x16xf32> to vector<16xf32>
        %add3A_616 = arith.addf %get3A_611, %get3A_615 : vector<16xf32>
        %swap3A_617 = arith.index_cast %scan3A_34 : i32 to index
        %swap3A_618 = arith.constant 656 : index
        %swap3A_619 = tpu.vector_load %arg9[%swap3A_617, %swap3A_618] {strides = array<i32>} : memref<32x1024xf32, #tpu.memory_space<vmem>>, vector<1x16xf32>,
        %swap3A_620 = vector.shape_cast %swap3A_619 : vector<1x16xf32> to vector<16xf32>
        %swap3A_621 = vector.shape_cast %add3A_616 : vector<16xf32> to vector<1x16xf32>
        tpu.vector_store %arg9[%swap3A_617, %swap3A_618], %swap3A_621 {strides = array<i32>} : memref<32x1024xf32, #tpu.memory_space<vmem>>, vector<1x16xf32>,
        %get3A_622 = arith.index_cast %scan3A_34 : i32 to index
        %get3A_623 = arith.constant 672 : index
        %get3A_624 = tpu.vector_load %arg7[%get3A_622, %get3A_623] {strides = array<i32>} : memref<32x1024xf32, #tpu.memory_space<vmem>>, vector<1x16xf32>,
        %get3A_625 = vector.shape_cast %get3A_624 : vector<1x16xf32> to vector<16xf32>
        %get3A_626 = arith.index_cast %scan3A_34 : i32 to index
        %get3A_627 = arith.constant 672 : index
        %get3A_628 = tpu.vector_load %arg8[%get3A_626, %get3A_627] {strides = array<i32>} : memref<32x1024xf32, #tpu.memory_space<vmem>>, vector<1x16xf32>,
        %get3A_629 = vector.shape_cast %get3A_628 : vector<1x16xf32> to vector<16xf32>
        %add3A_630 = arith.addf %get3A_625, %get3A_629 : vector<16xf32>
        %swap3A_631 = arith.index_cast %scan3A_34 : i32 to index
        %swap3A_632 = arith.constant 672 : index
        %swap3A_633 = tpu.vector_load %arg9[%swap3A_631, %swap3A_632] {strides = array<i32>} : memref<32x1024xf32, #tpu.memory_space<vmem>>, vector<1x16xf32>,
        %swap3A_634 = vector.shape_cast %swap3A_633 : vector<1x16xf32> to vector<16xf32>
        %swap3A_635 = vector.shape_cast %add3A_630 : vector<16xf32> to vector<1x16xf32>
        tpu.vector_store %arg9[%swap3A_631, %swap3A_632], %swap3A_635 {strides = array<i32>} : memref<32x1024xf32, #tpu.memory_space<vmem>>, vector<1x16xf32>,
        %get3A_636 = arith.index_cast %scan3A_34 : i32 to index
        %get3A_637 = arith.constant 688 : index
        %get3A_638 = tpu.vector_load %arg7[%get3A_636, %get3A_637] {strides = array<i32>} : memref<32x1024xf32, #tpu.memory_space<vmem>>, vector<1x16xf32>,
        %get3A_639 = vector.shape_cast %get3A_638 : vector<1x16xf32> to vector<16xf32>
        %get3A_640 = arith.index_cast %scan3A_34 : i32 to index
        %get3A_641 = arith.constant 688 : index
        %get3A_642 = tpu.vector_load %arg8[%get3A_640, %get3A_641] {strides = array<i32>} : memref<32x1024xf32, #tpu.memory_space<vmem>>, vector<1x16xf32>,
        %get3A_643 = vector.shape_cast %get3A_642 : vector<1x16xf32> to vector<16xf32>
        %add3A_644 = arith.addf %get3A_639, %get3A_643 : vector<16xf32>
        %swap3A_645 = arith.index_cast %scan3A_34 : i32 to index
        %swap3A_646 = arith.constant 688 : index
        %swap3A_647 = tpu.vector_load %arg9[%swap3A_645, %swap3A_646] {strides = array<i32>} : memref<32x1024xf32, #tpu.memory_space<vmem>>, vector<1x16xf32>,
        %swap3A_648 = vector.shape_cast %swap3A_647 : vector<1x16xf32> to vector<16xf32>
        %swap3A_649 = vector.shape_cast %add3A_644 : vector<16xf32> to vector<1x16xf32>
        tpu.vector_store %arg9[%swap3A_645, %swap3A_646], %swap3A_649 {strides = array<i32>} : memref<32x1024xf32, #tpu.memory_space<vmem>>, vector<1x16xf32>,
        %get3A_650 = arith.index_cast %scan3A_34 : i32 to index
        %get3A_651 = arith.constant 704 : index
        %get3A_652 = tpu.vector_load %arg7[%get3A_650, %get3A_651] {strides = array<i32>} : memref<32x1024xf32, #tpu.memory_space<vmem>>, vector<1x16xf32>,
        %get3A_653 = vector.shape_cast %get3A_652 : vector<1x16xf32> to vector<16xf32>
        %get3A_654 = arith.index_cast %scan3A_34 : i32 to index
        %get3A_655 = arith.constant 704 : index
        %get3A_656 = tpu.vector_load %arg8[%get3A_654, %get3A_655] {strides = array<i32>} : memref<32x1024xf32, #tpu.memory_space<vmem>>, vector<1x16xf32>,
        %get3A_657 = vector.shape_cast %get3A_656 : vector<1x16xf32> to vector<16xf32>
        %add3A_658 = arith.addf %get3A_653, %get3A_657 : vector<16xf32>
        %swap3A_659 = arith.index_cast %scan3A_34 : i32 to index
        %swap3A_660 = arith.constant 704 : index
        %swap3A_661 = tpu.vector_load %arg9[%swap3A_659, %swap3A_660] {strides = array<i32>} : memref<32x1024xf32, #tpu.memory_space<vmem>>, vector<1x16xf32>,
        %swap3A_662 = vector.shape_cast %swap3A_661 : vector<1x16xf32> to vector<16xf32>
        %swap3A_663 = vector.shape_cast %add3A_658 : vector<16xf32> to vector<1x16xf32>
        tpu.vector_store %arg9[%swap3A_659, %swap3A_660], %swap3A_663 {strides = array<i32>} : memref<32x1024xf32, #tpu.memory_space<vmem>>, vector<1x16xf32>,
        %get3A_664 = arith.index_cast %scan3A_34 : i32 to index
        %get3A_665 = arith.constant 720 : index
        %get3A_666 = tpu.vector_load %arg7[%get3A_664, %get3A_665] {strides = array<i32>} : memref<32x1024xf32, #tpu.memory_space<vmem>>, vector<1x16xf32>,
        %get3A_667 = vector.shape_cast %get3A_666 : vector<1x16xf32> to vector<16xf32>
        %get3A_668 = arith.index_cast %scan3A_34 : i32 to index
        %get3A_669 = arith.constant 720 : index
        %get3A_670 = tpu.vector_load %arg8[%get3A_668, %get3A_669] {strides = array<i32>} : memref<32x1024xf32, #tpu.memory_space<vmem>>, vector<1x16xf32>,
        %get3A_671 = vector.shape_cast %get3A_670 : vector<1x16xf32> to vector<16xf32>
        %add3A_672 = arith.addf %get3A_667, %get3A_671 : vector<16xf32>
        %swap3A_673 = arith.index_cast %scan3A_34 : i32 to index
        %swap3A_674 = arith.constant 720 : index
        %swap3A_675 = tpu.vector_load %arg9[%swap3A_673, %swap3A_674] {strides = array<i32>} : memref<32x1024xf32, #tpu.memory_space<vmem>>, vector<1x16xf32>,
        %swap3A_676 = vector.shape_cast %swap3A_675 : vector<1x16xf32> to vector<16xf32>
        %swap3A_677 = vector.shape_cast %add3A_672 : vector<16xf32> to vector<1x16xf32>
        tpu.vector_store %arg9[%swap3A_673, %swap3A_674], %swap3A_677 {strides = array<i32>} : memref<32x1024xf32, #tpu.memory_space<vmem>>, vector<1x16xf32>,
        %get3A_678 = arith.index_cast %scan3A_34 : i32 to index
        %get3A_679 = arith.constant 736 : index
        %get3A_680 = tpu.vector_load %arg7[%get3A_678, %get3A_679] {strides = array<i32>} : memref<32x1024xf32, #tpu.memory_space<vmem>>, vector<1x16xf32>,
        %get3A_681 = vector.shape_cast %get3A_680 : vector<1x16xf32> to vector<16xf32>
        %get3A_682 = arith.index_cast %scan3A_34 : i32 to index
        %get3A_683 = arith.constant 736 : index
        %get3A_684 = tpu.vector_load %arg8[%get3A_682, %get3A_683] {strides = array<i32>} : memref<32x1024xf32, #tpu.memory_space<vmem>>, vector<1x16xf32>,
        %get3A_685 = vector.shape_cast %get3A_684 : vector<1x16xf32> to vector<16xf32>
        %add3A_686 = arith.addf %get3A_681, %get3A_685 : vector<16xf32>
        %swap3A_687 = arith.index_cast %scan3A_34 : i32 to index
        %swap3A_688 = arith.constant 736 : index
        %swap3A_689 = tpu.vector_load %arg9[%swap3A_687, %swap3A_688] {strides = array<i32>} : memref<32x1024xf32, #tpu.memory_space<vmem>>, vector<1x16xf32>,
        %swap3A_690 = vector.shape_cast %swap3A_689 : vector<1x16xf32> to vector<16xf32>
        %swap3A_691 = vector.shape_cast %add3A_686 : vector<16xf32> to vector<1x16xf32>
        tpu.vector_store %arg9[%swap3A_687, %swap3A_688], %swap3A_691 {strides = array<i32>} : memref<32x1024xf32, #tpu.memory_space<vmem>>, vector<1x16xf32>,
        %get3A_692 = arith.index_cast %scan3A_34 : i32 to index
        %get3A_693 = arith.constant 752 : index
        %get3A_694 = tpu.vector_load %arg7[%get3A_692, %get3A_693] {strides = array<i32>} : memref<32x1024xf32, #tpu.memory_space<vmem>>, vector<1x16xf32>,
        %get3A_695 = vector.shape_cast %get3A_694 : vector<1x16xf32> to vector<16xf32>
        %get3A_696 = arith.index_cast %scan3A_34 : i32 to index
        %get3A_697 = arith.constant 752 : index
        %get3A_698 = tpu.vector_load %arg8[%get3A_696, %get3A_697] {strides = array<i32>} : memref<32x1024xf32, #tpu.memory_space<vmem>>, vector<1x16xf32>,
        %get3A_699 = vector.shape_cast %get3A_698 : vector<1x16xf32> to vector<16xf32>
        %add3A_700 = arith.addf %get3A_695, %get3A_699 : vector<16xf32>
        %swap3A_701 = arith.index_cast %scan3A_34 : i32 to index
        %swap3A_702 = arith.constant 752 : index
        %swap3A_703 = tpu.vector_load %arg9[%swap3A_701, %swap3A_702] {strides = array<i32>} : memref<32x1024xf32, #tpu.memory_space<vmem>>, vector<1x16xf32>,
        %swap3A_704 = vector.shape_cast %swap3A_703 : vector<1x16xf32> to vector<16xf32>
        %swap3A_705 = vector.shape_cast %add3A_700 : vector<16xf32> to vector<1x16xf32>
        tpu.vector_store %arg9[%swap3A_701, %swap3A_702], %swap3A_705 {strides = array<i32>} : memref<32x1024xf32, #tpu.memory_space<vmem>>, vector<1x16xf32>,
        %get3A_706 = arith.index_cast %scan3A_34 : i32 to index
        %get3A_707 = arith.constant 768 : index
        %get3A_708 = tpu.vector_load %arg7[%get3A_706, %get3A_707] {strides = array<i32>} : memref<32x1024xf32, #tpu.memory_space<vmem>>, vector<1x16xf32>,
        %get3A_709 = vector.shape_cast %get3A_708 : vector<1x16xf32> to vector<16xf32>
        %get3A_710 = arith.index_cast %scan3A_34 : i32 to index
        %get3A_711 = arith.constant 768 : index
        %get3A_712 = tpu.vector_load %arg8[%get3A_710, %get3A_711] {strides = array<i32>} : memref<32x1024xf32, #tpu.memory_space<vmem>>, vector<1x16xf32>,
        %get3A_713 = vector.shape_cast %get3A_712 : vector<1x16xf32> to vector<16xf32>
        %add3A_714 = arith.addf %get3A_709, %get3A_713 : vector<16xf32>
        %swap3A_715 = arith.index_cast %scan3A_34 : i32 to index
        %swap3A_716 = arith.constant 768 : index
        %swap3A_717 = tpu.vector_load %arg9[%swap3A_715, %swap3A_716] {strides = array<i32>} : memref<32x1024xf32, #tpu.memory_space<vmem>>, vector<1x16xf32>,
        %swap3A_718 = vector.shape_cast %swap3A_717 : vector<1x16xf32> to vector<16xf32>
        %swap3A_719 = vector.shape_cast %add3A_714 : vector<16xf32> to vector<1x16xf32>
        tpu.vector_store %arg9[%swap3A_715, %swap3A_716], %swap3A_719 {strides = array<i32>} : memref<32x1024xf32, #tpu.memory_space<vmem>>, vector<1x16xf32>,
        %get3A_720 = arith.index_cast %scan3A_34 : i32 to index
        %get3A_721 = arith.constant 784 : index
        %get3A_722 = tpu.vector_load %arg7[%get3A_720, %get3A_721] {strides = array<i32>} : memref<32x1024xf32, #tpu.memory_space<vmem>>, vector<1x16xf32>,
        %get3A_723 = vector.shape_cast %get3A_722 : vector<1x16xf32> to vector<16xf32>
        %get3A_724 = arith.index_cast %scan3A_34 : i32 to index
        %get3A_725 = arith.constant 784 : index
        %get3A_726 = tpu.vector_load %arg8[%get3A_724, %get3A_725] {strides = array<i32>} : memref<32x1024xf32, #tpu.memory_space<vmem>>, vector<1x16xf32>,
        %get3A_727 = vector.shape_cast %get3A_726 : vector<1x16xf32> to vector<16xf32>
        %add3A_728 = arith.addf %get3A_723, %get3A_727 : vector<16xf32>
        %swap3A_729 = arith.index_cast %scan3A_34 : i32 to index
        %swap3A_730 = arith.constant 784 : index
        %swap3A_731 = tpu.vector_load %arg9[%swap3A_729, %swap3A_730] {strides = array<i32>} : memref<32x1024xf32, #tpu.memory_space<vmem>>, vector<1x16xf32>,
        %swap3A_732 = vector.shape_cast %swap3A_731 : vector<1x16xf32> to vector<16xf32>
        %swap3A_733 = vector.shape_cast %add3A_728 : vector<16xf32> to vector<1x16xf32>
        tpu.vector_store %arg9[%swap3A_729, %swap3A_730], %swap3A_733 {strides = array<i32>} : memref<32x1024xf32, #tpu.memory_space<vmem>>, vector<1x16xf32>,
        %get3A_734 = arith.index_cast %scan3A_34 : i32 to index
        %get3A_735 = arith.constant 800 : index
        %get3A_736 = tpu.vector_load %arg7[%get3A_734, %get3A_735] {strides = array<i32>} : memref<32x1024xf32, #tpu.memory_space<vmem>>, vector<1x16xf32>,
        %get3A_737 = vector.shape_cast %get3A_736 : vector<1x16xf32> to vector<16xf32>
        %get3A_738 = arith.index_cast %scan3A_34 : i32 to index
        %get3A_739 = arith.constant 800 : index
        %get3A_740 = tpu.vector_load %arg8[%get3A_738, %get3A_739] {strides = array<i32>} : memref<32x1024xf32, #tpu.memory_space<vmem>>, vector<1x16xf32>,
        %get3A_741 = vector.shape_cast %get3A_740 : vector<1x16xf32> to vector<16xf32>
        %add3A_742 = arith.addf %get3A_737, %get3A_741 : vector<16xf32>
        %swap3A_743 = arith.index_cast %scan3A_34 : i32 to index
        %swap3A_744 = arith.constant 800 : index
        %swap3A_745 = tpu.vector_load %arg9[%swap3A_743, %swap3A_744] {strides = array<i32>} : memref<32x1024xf32, #tpu.memory_space<vmem>>, vector<1x16xf32>,
        %swap3A_746 = vector.shape_cast %swap3A_745 : vector<1x16xf32> to vector<16xf32>
        %swap3A_747 = vector.shape_cast %add3A_742 : vector<16xf32> to vector<1x16xf32>
        tpu.vector_store %arg9[%swap3A_743, %swap3A_744], %swap3A_747 {strides = array<i32>} : memref<32x1024xf32, #tpu.memory_space<vmem>>, vector<1x16xf32>,
        %get3A_748 = arith.index_cast %scan3A_34 : i32 to index
        %get3A_749 = arith.constant 816 : index
        %get3A_750 = tpu.vector_load %arg7[%get3A_748, %get3A_749] {strides = array<i32>} : memref<32x1024xf32, #tpu.memory_space<vmem>>, vector<1x16xf32>,
        %get3A_751 = vector.shape_cast %get3A_750 : vector<1x16xf32> to vector<16xf32>
        %get3A_752 = arith.index_cast %scan3A_34 : i32 to index
        %get3A_753 = arith.constant 816 : index
        %get3A_754 = tpu.vector_load %arg8[%get3A_752, %get3A_753] {strides = array<i32>} : memref<32x1024xf32, #tpu.memory_space<vmem>>, vector<1x16xf32>,
        %get3A_755 = vector.shape_cast %get3A_754 : vector<1x16xf32> to vector<16xf32>
        %add3A_756 = arith.addf %get3A_751, %get3A_755 : vector<16xf32>
        %swap3A_757 = arith.index_cast %scan3A_34 : i32 to index
        %swap3A_758 = arith.constant 816 : index
        %swap3A_759 = tpu.vector_load %arg9[%swap3A_757, %swap3A_758] {strides = array<i32>} : memref<32x1024xf32, #tpu.memory_space<vmem>>, vector<1x16xf32>,
        %swap3A_760 = vector.shape_cast %swap3A_759 : vector<1x16xf32> to vector<16xf32>
        %swap3A_761 = vector.shape_cast %add3A_756 : vector<16xf32> to vector<1x16xf32>
        tpu.vector_store %arg9[%swap3A_757, %swap3A_758], %swap3A_761 {strides = array<i32>} : memref<32x1024xf32, #tpu.memory_space<vmem>>, vector<1x16xf32>,
        %get3A_762 = arith.index_cast %scan3A_34 : i32 to index
        %get3A_763 = arith.constant 832 : index
        %get3A_764 = tpu.vector_load %arg7[%get3A_762, %get3A_763] {strides = array<i32>} : memref<32x1024xf32, #tpu.memory_space<vmem>>, vector<1x16xf32>,
        %get3A_765 = vector.shape_cast %get3A_764 : vector<1x16xf32> to vector<16xf32>
        %get3A_766 = arith.index_cast %scan3A_34 : i32 to index
        %get3A_767 = arith.constant 832 : index
        %get3A_768 = tpu.vector_load %arg8[%get3A_766, %get3A_767] {strides = array<i32>} : memref<32x1024xf32, #tpu.memory_space<vmem>>, vector<1x16xf32>,
        %get3A_769 = vector.shape_cast %get3A_768 : vector<1x16xf32> to vector<16xf32>
        %add3A_770 = arith.addf %get3A_765, %get3A_769 : vector<16xf32>
        %swap3A_771 = arith.index_cast %scan3A_34 : i32 to index
        %swap3A_772 = arith.constant 832 : index
        %swap3A_773 = tpu.vector_load %arg9[%swap3A_771, %swap3A_772] {strides = array<i32>} : memref<32x1024xf32, #tpu.memory_space<vmem>>, vector<1x16xf32>,
        %swap3A_774 = vector.shape_cast %swap3A_773 : vector<1x16xf32> to vector<16xf32>
        %swap3A_775 = vector.shape_cast %add3A_770 : vector<16xf32> to vector<1x16xf32>
        tpu.vector_store %arg9[%swap3A_771, %swap3A_772], %swap3A_775 {strides = array<i32>} : memref<32x1024xf32, #tpu.memory_space<vmem>>, vector<1x16xf32>,
        %get3A_776 = arith.index_cast %scan3A_34 : i32 to index
        %get3A_777 = arith.constant 848 : index
        %get3A_778 = tpu.vector_load %arg7[%get3A_776, %get3A_777] {strides = array<i32>} : memref<32x1024xf32, #tpu.memory_space<vmem>>, vector<1x16xf32>,
        %get3A_779 = vector.shape_cast %get3A_778 : vector<1x16xf32> to vector<16xf32>
        %get3A_780 = arith.index_cast %scan3A_34 : i32 to index
        %get3A_781 = arith.constant 848 : index
        %get3A_782 = tpu.vector_load %arg8[%get3A_780, %get3A_781] {strides = array<i32>} : memref<32x1024xf32, #tpu.memory_space<vmem>>, vector<1x16xf32>,
        %get3A_783 = vector.shape_cast %get3A_782 : vector<1x16xf32> to vector<16xf32>
        %add3A_784 = arith.addf %get3A_779, %get3A_783 : vector<16xf32>
        %swap3A_785 = arith.index_cast %scan3A_34 : i32 to index
        %swap3A_786 = arith.constant 848 : index
        %swap3A_787 = tpu.vector_load %arg9[%swap3A_785, %swap3A_786] {strides = array<i32>} : memref<32x1024xf32, #tpu.memory_space<vmem>>, vector<1x16xf32>,
        %swap3A_788 = vector.shape_cast %swap3A_787 : vector<1x16xf32> to vector<16xf32>
        %swap3A_789 = vector.shape_cast %add3A_784 : vector<16xf32> to vector<1x16xf32>
        tpu.vector_store %arg9[%swap3A_785, %swap3A_786], %swap3A_789 {strides = array<i32>} : memref<32x1024xf32, #tpu.memory_space<vmem>>, vector<1x16xf32>,
        %get3A_790 = arith.index_cast %scan3A_34 : i32 to index
        %get3A_791 = arith.constant 864 : index
        %get3A_792 = tpu.vector_load %arg7[%get3A_790, %get3A_791] {strides = array<i32>} : memref<32x1024xf32, #tpu.memory_space<vmem>>, vector<1x16xf32>,
        %get3A_793 = vector.shape_cast %get3A_792 : vector<1x16xf32> to vector<16xf32>
        %get3A_794 = arith.index_cast %scan3A_34 : i32 to index
        %get3A_795 = arith.constant 864 : index
        %get3A_796 = tpu.vector_load %arg8[%get3A_794, %get3A_795] {strides = array<i32>} : memref<32x1024xf32, #tpu.memory_space<vmem>>, vector<1x16xf32>,
        %get3A_797 = vector.shape_cast %get3A_796 : vector<1x16xf32> to vector<16xf32>
        %add3A_798 = arith.addf %get3A_793, %get3A_797 : vector<16xf32>
        %swap3A_799 = arith.index_cast %scan3A_34 : i32 to index
        %swap3A_800 = arith.constant 864 : index
        %swap3A_801 = tpu.vector_load %arg9[%swap3A_799, %swap3A_800] {strides = array<i32>} : memref<32x1024xf32, #tpu.memory_space<vmem>>, vector<1x16xf32>,
        %swap3A_802 = vector.shape_cast %swap3A_801 : vector<1x16xf32> to vector<16xf32>
        %swap3A_803 = vector.shape_cast %add3A_798 : vector<16xf32> to vector<1x16xf32>
        tpu.vector_store %arg9[%swap3A_799, %swap3A_800], %swap3A_803 {strides = array<i32>} : memref<32x1024xf32, #tpu.memory_space<vmem>>, vector<1x16xf32>,
        %get3A_804 = arith.index_cast %scan3A_34 : i32 to index
        %get3A_805 = arith.constant 880 : index
        %get3A_806 = tpu.vector_load %arg7[%get3A_804, %get3A_805] {strides = array<i32>} : memref<32x1024xf32, #tpu.memory_space<vmem>>, vector<1x16xf32>,
        %get3A_807 = vector.shape_cast %get3A_806 : vector<1x16xf32> to vector<16xf32>
        %get3A_808 = arith.index_cast %scan3A_34 : i32 to index
        %get3A_809 = arith.constant 880 : index
        %get3A_810 = tpu.vector_load %arg8[%get3A_808, %get3A_809] {strides = array<i32>} : memref<32x1024xf32, #tpu.memory_space<vmem>>, vector<1x16xf32>,
        %get3A_811 = vector.shape_cast %get3A_810 : vector<1x16xf32> to vector<16xf32>
        %add3A_812 = arith.addf %get3A_807, %get3A_811 : vector<16xf32>
        %swap3A_813 = arith.index_cast %scan3A_34 : i32 to index
        %swap3A_814 = arith.constant 880 : index
        %swap3A_815 = tpu.vector_load %arg9[%swap3A_813, %swap3A_814] {strides = array<i32>} : memref<32x1024xf32, #tpu.memory_space<vmem>>, vector<1x16xf32>,
        %swap3A_816 = vector.shape_cast %swap3A_815 : vector<1x16xf32> to vector<16xf32>
        %swap3A_817 = vector.shape_cast %add3A_812 : vector<16xf32> to vector<1x16xf32>
        tpu.vector_store %arg9[%swap3A_813, %swap3A_814], %swap3A_817 {strides = array<i32>} : memref<32x1024xf32, #tpu.memory_space<vmem>>, vector<1x16xf32>,
        %get3A_818 = arith.index_cast %scan3A_34 : i32 to index
        %get3A_819 = arith.constant 896 : index
        %get3A_820 = tpu.vector_load %arg7[%get3A_818, %get3A_819] {strides = array<i32>} : memref<32x1024xf32, #tpu.memory_space<vmem>>, vector<1x16xf32>,
        %get3A_821 = vector.shape_cast %get3A_820 : vector<1x16xf32> to vector<16xf32>
        %get3A_822 = arith.index_cast %scan3A_34 : i32 to index
        %get3A_823 = arith.constant 896 : index
        %get3A_824 = tpu.vector_load %arg8[%get3A_822, %get3A_823] {strides = array<i32>} : memref<32x1024xf32, #tpu.memory_space<vmem>>, vector<1x16xf32>,
        %get3A_825 = vector.shape_cast %get3A_824 : vector<1x16xf32> to vector<16xf32>
        %add3A_826 = arith.addf %get3A_821, %get3A_825 : vector<16xf32>
        %swap3A_827 = arith.index_cast %scan3A_34 : i32 to index
        %swap3A_828 = arith.constant 896 : index
        %swap3A_829 = tpu.vector_load %arg9[%swap3A_827, %swap3A_828] {strides = array<i32>} : memref<32x1024xf32, #tpu.memory_space<vmem>>, vector<1x16xf32>,
        %swap3A_830 = vector.shape_cast %swap3A_829 : vector<1x16xf32> to vector<16xf32>
        %swap3A_831 = vector.shape_cast %add3A_826 : vector<16xf32> to vector<1x16xf32>
        tpu.vector_store %arg9[%swap3A_827, %swap3A_828], %swap3A_831 {strides = array<i32>} : memref<32x1024xf32, #tpu.memory_space<vmem>>, vector<1x16xf32>,
        %get3A_832 = arith.index_cast %scan3A_34 : i32 to index
        %get3A_833 = arith.constant 912 : index
        %get3A_834 = tpu.vector_load %arg7[%get3A_832, %get3A_833] {strides = array<i32>} : memref<32x1024xf32, #tpu.memory_space<vmem>>, vector<1x16xf32>,
        %get3A_835 = vector.shape_cast %get3A_834 : vector<1x16xf32> to vector<16xf32>
        %get3A_836 = arith.index_cast %scan3A_34 : i32 to index
        %get3A_837 = arith.constant 912 : index
        %get3A_838 = tpu.vector_load %arg8[%get3A_836, %get3A_837] {strides = array<i32>} : memref<32x1024xf32, #tpu.memory_space<vmem>>, vector<1x16xf32>,
        %get3A_839 = vector.shape_cast %get3A_838 : vector<1x16xf32> to vector<16xf32>
        %add3A_840 = arith.addf %get3A_835, %get3A_839 : vector<16xf32>
        %swap3A_841 = arith.index_cast %scan3A_34 : i32 to index
        %swap3A_842 = arith.constant 912 : index
        %swap3A_843 = tpu.vector_load %arg9[%swap3A_841, %swap3A_842] {strides = array<i32>} : memref<32x1024xf32, #tpu.memory_space<vmem>>, vector<1x16xf32>,
        %swap3A_844 = vector.shape_cast %swap3A_843 : vector<1x16xf32> to vector<16xf32>
        %swap3A_845 = vector.shape_cast %add3A_840 : vector<16xf32> to vector<1x16xf32>
        tpu.vector_store %arg9[%swap3A_841, %swap3A_842], %swap3A_845 {strides = array<i32>} : memref<32x1024xf32, #tpu.memory_space<vmem>>, vector<1x16xf32>,
        %get3A_846 = arith.index_cast %scan3A_34 : i32 to index
        %get3A_847 = arith.constant 928 : index
        %get3A_848 = tpu.vector_load %arg7[%get3A_846, %get3A_847] {strides = array<i32>} : memref<32x1024xf32, #tpu.memory_space<vmem>>, vector<1x16xf32>,
        %get3A_849 = vector.shape_cast %get3A_848 : vector<1x16xf32> to vector<16xf32>
        %get3A_850 = arith.index_cast %scan3A_34 : i32 to index
        %get3A_851 = arith.constant 928 : index
        %get3A_852 = tpu.vector_load %arg8[%get3A_850, %get3A_851] {strides = array<i32>} : memref<32x1024xf32, #tpu.memory_space<vmem>>, vector<1x16xf32>,
        %get3A_853 = vector.shape_cast %get3A_852 : vector<1x16xf32> to vector<16xf32>
        %add3A_854 = arith.addf %get3A_849, %get3A_853 : vector<16xf32>
        %swap3A_855 = arith.index_cast %scan3A_34 : i32 to index
        %swap3A_856 = arith.constant 928 : index
        %swap3A_857 = tpu.vector_load %arg9[%swap3A_855, %swap3A_856] {strides = array<i32>} : memref<32x1024xf32, #tpu.memory_space<vmem>>, vector<1x16xf32>,
        %swap3A_858 = vector.shape_cast %swap3A_857 : vector<1x16xf32> to vector<16xf32>
        %swap3A_859 = vector.shape_cast %add3A_854 : vector<16xf32> to vector<1x16xf32>
        tpu.vector_store %arg9[%swap3A_855, %swap3A_856], %swap3A_859 {strides = array<i32>} : memref<32x1024xf32, #tpu.memory_space<vmem>>, vector<1x16xf32>,
        %get3A_860 = arith.index_cast %scan3A_34 : i32 to index
        %get3A_861 = arith.constant 944 : index
        %get3A_862 = tpu.vector_load %arg7[%get3A_860, %get3A_861] {strides = array<i32>} : memref<32x1024xf32, #tpu.memory_space<vmem>>, vector<1x16xf32>,
        %get3A_863 = vector.shape_cast %get3A_862 : vector<1x16xf32> to vector<16xf32>
        %get3A_864 = arith.index_cast %scan3A_34 : i32 to index
        %get3A_865 = arith.constant 944 : index
        %get3A_866 = tpu.vector_load %arg8[%get3A_864, %get3A_865] {strides = array<i32>} : memref<32x1024xf32, #tpu.memory_space<vmem>>, vector<1x16xf32>,
        %get3A_867 = vector.shape_cast %get3A_866 : vector<1x16xf32> to vector<16xf32>
        %add3A_868 = arith.addf %get3A_863, %get3A_867 : vector<16xf32>
        %swap3A_869 = arith.index_cast %scan3A_34 : i32 to index
        %swap3A_870 = arith.constant 944 : index
        %swap3A_871 = tpu.vector_load %arg9[%swap3A_869, %swap3A_870] {strides = array<i32>} : memref<32x1024xf32, #tpu.memory_space<vmem>>, vector<1x16xf32>,
        %swap3A_872 = vector.shape_cast %swap3A_871 : vector<1x16xf32> to vector<16xf32>
        %swap3A_873 = vector.shape_cast %add3A_868 : vector<16xf32> to vector<1x16xf32>
        tpu.vector_store %arg9[%swap3A_869, %swap3A_870], %swap3A_873 {strides = array<i32>} : memref<32x1024xf32, #tpu.memory_space<vmem>>, vector<1x16xf32>,
        %get3A_874 = arith.index_cast %scan3A_34 : i32 to index
        %get3A_875 = arith.constant 960 : index
        %get3A_876 = tpu.vector_load %arg7[%get3A_874, %get3A_875] {strides = array<i32>} : memref<32x1024xf32, #tpu.memory_space<vmem>>, vector<1x16xf32>,
        %get3A_877 = vector.shape_cast %get3A_876 : vector<1x16xf32> to vector<16xf32>
        %get3A_878 = arith.index_cast %scan3A_34 : i32 to index
        %get3A_879 = arith.constant 960 : index
        %get3A_880 = tpu.vector_load %arg8[%get3A_878, %get3A_879] {strides = array<i32>} : memref<32x1024xf32, #tpu.memory_space<vmem>>, vector<1x16xf32>,
        %get3A_881 = vector.shape_cast %get3A_880 : vector<1x16xf32> to vector<16xf32>
        %add3A_882 = arith.addf %get3A_877, %get3A_881 : vector<16xf32>
        %swap3A_883 = arith.index_cast %scan3A_34 : i32 to index
        %swap3A_884 = arith.constant 960 : index
        %swap3A_885 = tpu.vector_load %arg9[%swap3A_883, %swap3A_884] {strides = array<i32>} : memref<32x1024xf32, #tpu.memory_space<vmem>>, vector<1x16xf32>,
        %swap3A_886 = vector.shape_cast %swap3A_885 : vector<1x16xf32> to vector<16xf32>
        %swap3A_887 = vector.shape_cast %add3A_882 : vector<16xf32> to vector<1x16xf32>
        tpu.vector_store %arg9[%swap3A_883, %swap3A_884], %swap3A_887 {strides = array<i32>} : memref<32x1024xf32, #tpu.memory_space<vmem>>, vector<1x16xf32>,
        %get3A_888 = arith.index_cast %scan3A_34 : i32 to index
        %get3A_889 = arith.constant 976 : index
        %get3A_890 = tpu.vector_load %arg7[%get3A_888, %get3A_889] {strides = array<i32>} : memref<32x1024xf32, #tpu.memory_space<vmem>>, vector<1x16xf32>,
        %get3A_891 = vector.shape_cast %get3A_890 : vector<1x16xf32> to vector<16xf32>
        %get3A_892 = arith.index_cast %scan3A_34 : i32 to index
        %get3A_893 = arith.constant 976 : index
        %get3A_894 = tpu.vector_load %arg8[%get3A_892, %get3A_893] {strides = array<i32>} : memref<32x1024xf32, #tpu.memory_space<vmem>>, vector<1x16xf32>,
        %get3A_895 = vector.shape_cast %get3A_894 : vector<1x16xf32> to vector<16xf32>
        %add3A_896 = arith.addf %get3A_891, %get3A_895 : vector<16xf32>
        %swap3A_897 = arith.index_cast %scan3A_34 : i32 to index
        %swap3A_898 = arith.constant 976 : index
        %swap3A_899 = tpu.vector_load %arg9[%swap3A_897, %swap3A_898] {strides = array<i32>} : memref<32x1024xf32, #tpu.memory_space<vmem>>, vector<1x16xf32>,
        %swap3A_900 = vector.shape_cast %swap3A_899 : vector<1x16xf32> to vector<16xf32>
        %swap3A_901 = vector.shape_cast %add3A_896 : vector<16xf32> to vector<1x16xf32>
        tpu.vector_store %arg9[%swap3A_897, %swap3A_898], %swap3A_901 {strides = array<i32>} : memref<32x1024xf32, #tpu.memory_space<vmem>>, vector<1x16xf32>,
        %get3A_902 = arith.index_cast %scan3A_34 : i32 to index
        %get3A_903 = arith.constant 992 : index
        %get3A_904 = tpu.vector_load %arg7[%get3A_902, %get3A_903] {strides = array<i32>} : memref<32x1024xf32, #tpu.memory_space<vmem>>, vector<1x16xf32>,
        %get3A_905 = vector.shape_cast %get3A_904 : vector<1x16xf32> to vector<16xf32>
        %get3A_906 = arith.index_cast %scan3A_34 : i32 to index
        %get3A_907 = arith.constant 992 : index
        %get3A_908 = tpu.vector_load %arg8[%get3A_906, %get3A_907] {strides = array<i32>} : memref<32x1024xf32, #tpu.memory_space<vmem>>, vector<1x16xf32>,
        %get3A_909 = vector.shape_cast %get3A_908 : vector<1x16xf32> to vector<16xf32>
        %add3A_910 = arith.addf %get3A_905, %get3A_909 : vector<16xf32>
        %swap3A_911 = arith.index_cast %scan3A_34 : i32 to index
        %swap3A_912 = arith.constant 992 : index
        %swap3A_913 = tpu.vector_load %arg9[%swap3A_911, %swap3A_912] {strides = array<i32>} : memref<32x1024xf32, #tpu.memory_space<vmem>>, vector<1x16xf32>,
        %swap3A_914 = vector.shape_cast %swap3A_913 : vector<1x16xf32> to vector<16xf32>
        %swap3A_915 = vector.shape_cast %add3A_910 : vector<16xf32> to vector<1x16xf32>
        tpu.vector_store %arg9[%swap3A_911, %swap3A_912], %swap3A_915 {strides = array<i32>} : memref<32x1024xf32, #tpu.memory_space<vmem>>, vector<1x16xf32>,
        %get3A_916 = arith.index_cast %scan3A_34 : i32 to index
        %get3A_917 = arith.constant 1008 : index
        %get3A_918 = tpu.vector_load %arg7[%get3A_916, %get3A_917] {strides = array<i32>} : memref<32x1024xf32, #tpu.memory_space<vmem>>, vector<1x16xf32>,
        %get3A_919 = vector.shape_cast %get3A_918 : vector<1x16xf32> to vector<16xf32>
        %get3A_920 = arith.index_cast %scan3A_34 : i32 to index
        %get3A_921 = arith.constant 1008 : index
        %get3A_922 = tpu.vector_load %arg8[%get3A_920, %get3A_921] {strides = array<i32>} : memref<32x1024xf32, #tpu.memory_space<vmem>>, vector<1x16xf32>,
        %get3A_923 = vector.shape_cast %get3A_922 : vector<1x16xf32> to vector<16xf32>
        %add3A_924 = arith.addf %get3A_919, %get3A_923 : vector<16xf32>
        %swap3A_925 = arith.index_cast %scan3A_34 : i32 to index
        %swap3A_926 = arith.constant 1008 : index
        %swap3A_927 = tpu.vector_load %arg9[%swap3A_925, %swap3A_926] {strides = array<i32>} : memref<32x1024xf32, #tpu.memory_space<vmem>>, vector<1x16xf32>,
        %swap3A_928 = vector.shape_cast %swap3A_927 : vector<1x16xf32> to vector<16xf32>
        %swap3A_929 = vector.shape_cast %add3A_924 : vector<16xf32> to vector<1x16xf32>
        tpu.vector_store %arg9[%swap3A_925, %swap3A_926], %swap3A_929 {strides = array<i32>} : memref<32x1024xf32, #tpu.memory_space<vmem>>, vector<1x16xf32>,
        %scan3A_930 = arith.constant 0 : i32
        scf.yield %scan3A_930 : i32
      }
      %scan3A_32 = arith.constant 32 : i32
      "tpu.region"() ({
        %run_scoped3A = tpu.sem_alloc : memref<!tpu.dma_semaphore, #tpu.memory_space<semaphore_mem>>
        %dma_start3A_34 = arith.constant 0 : i32
        %dma_start3A_35 = tpu.memref_slice %arg4[%add3A_13, %dma_start3A_34] : memref<2048x1024xf32, #tpu.memory_space<hbm>> -> memref<32x1024xf32, #tpu.memory_space<hbm>>
        %dma_start3A_36 = arith.constant 0 : i32
        %dma_start3A_37 = tpu.memref_slice %arg4[%add3A_13, %dma_start3A_36] : memref<2048x1024xf32, #tpu.memory_space<hbm>> -> memref<32x1024xf32, #tpu.memory_space<hbm>>
        tpu.enqueue_dma source(%arg9 : memref<32x1024xf32, #tpu.memory_space<vmem>>) target(%dma_start3A_37 : memref<32x1024xf32, #tpu.memory_space<hbm>>) target_semaphore(%run_scoped3A : memref<!tpu.dma_semaphore, #tpu.memory_space<semaphore_mem>>)
        %dma_wait3A_38 = arith.constant 0 : i32
        %dma_wait3A_39 = tpu.memref_slice %arg4[%add3A_13, %dma_wait3A_38] : memref<2048x1024xf32, #tpu.memory_space<hbm>> -> memref<32x1024xf32, #tpu.memory_space<hbm>>
        %dma_wait3A_40 = arith.constant 0 : i32
        %dma_wait3A_41 = tpu.memref_slice %arg4[%add3A_13, %dma_wait3A_40] : memref<2048x1024xf32, #tpu.memory_space<hbm>> -> memref<32x1024xf32, #tpu.memory_space<hbm>>
        tpu.wait_dma2 semaphore(%run_scoped3A : memref<!tpu.dma_semaphore, #tpu.memory_space<semaphore_mem>>) src(%arg9 : memref<32x1024xf32, #tpu.memory_space<vmem>>) dst(%dma_wait3A_41 : memref<32x1024xf32, #tpu.memory_space<hbm>>)
        tpu.yield
      }) : () -> ()
      %scan3A_33 = arith.constant 0 : i32
      scf.yield %scan3A_33 : i32
    }
    %scan3A_8 = arith.constant 2 : i32
    return
  }
}

module attributes {stable_mosaic.version = 14 : i64} {
  func.func @_router_body(%arg0: i32, %arg1: memref<1024x1024xf32, #tpu.memory_space<vmem>>, %arg2: memref<1024x128xf32, #tpu.memory_space<vmem>>, %arg3: memref<128x1xf32, #tpu.memory_space<vmem>>, %arg4: memref<8x1024xf32, #tpu.memory_space<vmem>>, %arg5: memref<8x1024xf32, #tpu.memory_space<vmem>>) attributes {dimension_semantics = [#tpu.dimension_semantics<arbitrary>], iteration_bounds = array<i64: 2>, scalar_prefetch = 0 : i64, scratch_operands = 0 : i64, tpu.core_type = #tpu.core_type<tc>, window_params = [{transform_indices = @transform_0, window_bounds = array<i64: 1024, 1024>}, {pipeline_mode = #tpu.pipeline_mode<synchronous>, transform_indices = @transform_1, window_bounds = array<i64: 1024, 128>}, {pipeline_mode = #tpu.pipeline_mode<synchronous>, transform_indices = @transform_2, window_bounds = array<i64: 128, 1>}, {transform_indices = @transform_3, window_bounds = array<i64: 8, 1024>}, {transform_indices = @transform_4, window_bounds = array<i64: 8, 1024>}]} {
    %get3A = arith.constant 0 : index
    %get3A_0 = arith.constant 0 : index
    %get3A_1 = vector.load %arg2[%get3A, %get3A_0] : memref<1024x128xf32, #tpu.memory_space<vmem>>, vector<1024x128xf32>
    %get3A_2 = arith.constant 0 : index
    %get3A_3 = arith.constant 0 : index
    %get3A_4 = vector.load %arg1[%get3A_2, %get3A_3] : memref<1024x1024xf32, #tpu.memory_space<vmem>>, vector<1024x1024xf32>
    %dot_general3A = arith.constant dense<0.000000e+00> : vector<128x1024xf32>
    %dot_general3A_5 = tpu.matmul %get3A_1, %get3A_4, %dot_general3A {dimension_numbers = #tpu.dot_dimension_numbers<[0], [1], [1], [0], [0, 1, 1, 0], [], []>, transpose_lhs_hint = false} : vector<1024x128xf32>, vector<1024x1024xf32>, vector<128x1024xf32> -> vector<128x1024xf32>
    %get3A_6 = arith.constant 0 : index
    %get3A_7 = arith.constant 0 : index
    %get3A_8 = vector.load %arg3[%get3A_6, %get3A_7] : memref<128x1xf32, #tpu.memory_space<vmem>>, vector<128x1xf32>
    %add3A = vector.broadcast %get3A_8 : vector<128x1xf32> to vector<128x1024xf32>
    %add3A_9 = arith.addf %dot_general3A_5, %add3A : vector<128x1024xf32>
    %slice3A = vector.extract_strided_slice %add3A_9 {offsets = [0, 0], sizes = [8, 1024], strides = [1, 1]} : vector<128x1024xf32> to vector<8x1024xf32>
    %iota3A = tpu.iota {dimensions = array<i32: 0>} : vector<8x1024xi32>
    %convert_element_type3A = arith.sitofp %iota3A : vector<8x1024xi32> to vector<8x1024xf32>
    %reduce_max3A = arith.constant dense<0xFF800000> : vector<1024xf32>
    %reduce_max3A_10 = vector.multi_reduction <maximumf>, %slice3A, %reduce_max3A [0] : vector<8x1024xf32> to vector<1024xf32>
    %broadcast_in_dim3A = vector.shape_cast %reduce_max3A_10 : vector<1024xf32> to vector<1x1024xf32>
    %sub3A = vector.broadcast %broadcast_in_dim3A : vector<1x1024xf32> to vector<8x1024xf32>
    %sub3A_11 = arith.subf %slice3A, %sub3A : vector<8x1024xf32>
    %exp3A = math.exp %sub3A_11 : vector<8x1024xf32>
    %reduce_sum3A = arith.constant dense<0.000000e+00> : vector<1024xf32>
    %reduce_sum3A_12 = vector.multi_reduction <add>, %exp3A, %reduce_sum3A [0] : vector<8x1024xf32> to vector<1024xf32>
    %broadcast_in_dim3A_13 = vector.shape_cast %reduce_sum3A_12 : vector<1024xf32> to vector<1x1024xf32>
    %div3A = vector.broadcast %broadcast_in_dim3A_13 : vector<1x1024xf32> to vector<8x1024xf32>
    %div3A_14 = arith.divf %exp3A, %div3A : vector<8x1024xf32>
    %swap3A = arith.constant 0 : index
    %swap3A_15 = arith.constant 0 : index
    %swap3A_16 = vector.load %arg4[%swap3A, %swap3A_15] : memref<8x1024xf32, #tpu.memory_space<vmem>>, vector<8x1024xf32>
    tpu.vector_store %arg4[%swap3A, %swap3A_15], %div3A_14 {strides = array<i32>} : memref<8x1024xf32, #tpu.memory_space<vmem>>, vector<8x1024xf32>,
    %reduce_max3A_17 = arith.constant dense<0xFF800000> : vector<1024xf32>
    %reduce_max3A_18 = vector.multi_reduction <maximumf>, %slice3A, %reduce_max3A_17 [0] : vector<8x1024xf32> to vector<1024xf32>
    %broadcast_in_dim3A_19 = vector.shape_cast %reduce_max3A_18 : vector<1024xf32> to vector<1x1024xf32>
    %eq3A = vector.broadcast %broadcast_in_dim3A_19 : vector<1x1024xf32> to vector<8x1024xf32>
    %eq3A_20 = arith.cmpf oeq, %slice3A, %eq3A : vector<8x1024xf32>
    %jit3A = arith.constant 128 : i32
    %convert_element_type3A_21 = arith.sitofp %jit3A : i32 to f32
    %broadcast_in_dim3A_22 = vector.broadcast %convert_element_type3A_21 : f32 to vector<8x1024xf32>
    %select_n3A = arith.select %eq3A_20, %convert_element_type3A, %broadcast_in_dim3A_22 : vector<8x1024xi1>, vector<8x1024xf32>
    %reduce_min3A = arith.constant dense<0x7F800000> : vector<1024xf32>
    %reduce_min3A_23 = vector.multi_reduction <minimumf>, %select_n3A, %reduce_min3A [0] : vector<8x1024xf32> to vector<1024xf32>
    %broadcast_in_dim3A_24 = vector.shape_cast %reduce_min3A_23 : vector<1024xf32> to vector<1x1024xf32>
    %eq3A_25 = vector.broadcast %broadcast_in_dim3A_24 : vector<1x1024xf32> to vector<8x1024xf32>
    %eq3A_26 = arith.cmpf oeq, %convert_element_type3A, %eq3A_25 : vector<8x1024xf32>
    %jit3A_27 = arith.constant -1.000000e+30 : f32
    %broadcast_in_dim3A_28 = vector.broadcast %jit3A_27 : f32 to vector<8x1024xf32>
    %select_n3A_29 = arith.select %eq3A_26, %broadcast_in_dim3A_28, %slice3A : vector<8x1024xi1>, vector<8x1024xf32>
    %reduce_max3A_30 = arith.constant dense<0xFF800000> : vector<1024xf32>
    %reduce_max3A_31 = vector.multi_reduction <maximumf>, %select_n3A_29, %reduce_max3A_30 [0] : vector<8x1024xf32> to vector<1024xf32>
    %broadcast_in_dim3A_32 = vector.shape_cast %reduce_max3A_31 : vector<1024xf32> to vector<1x1024xf32>
    %eq3A_33 = vector.broadcast %broadcast_in_dim3A_32 : vector<1x1024xf32> to vector<8x1024xf32>
    %eq3A_34 = arith.cmpf oeq, %select_n3A_29, %eq3A_33 : vector<8x1024xf32>
    %jit3A_35 = arith.constant 128 : i32
    %convert_element_type3A_36 = arith.sitofp %jit3A_35 : i32 to f32
    %broadcast_in_dim3A_37 = vector.broadcast %convert_element_type3A_36 : f32 to vector<8x1024xf32>
    %select_n3A_38 = arith.select %eq3A_34, %convert_element_type3A, %broadcast_in_dim3A_37 : vector<8x1024xi1>, vector<8x1024xf32>
    %reduce_min3A_39 = arith.constant dense<0x7F800000> : vector<1024xf32>
    %reduce_min3A_40 = vector.multi_reduction <minimumf>, %select_n3A_38, %reduce_min3A_39 [0] : vector<8x1024xf32> to vector<1024xf32>
    %broadcast_in_dim3A_41 = vector.shape_cast %reduce_min3A_40 : vector<1024xf32> to vector<1x1024xf32>
    %sub3A_42 = arith.subf %broadcast_in_dim3A_32, %broadcast_in_dim3A_19 : vector<1x1024xf32>
    %exp3A_43 = math.exp %sub3A_42 : vector<1x1024xf32>
    %add3A_44 = arith.constant 1.000000e+00 : f32
    %add3A_45 = vector.broadcast %add3A_44 : f32 to vector<1x1024xf32>
    %add3A_46 = arith.addf %add3A_45, %exp3A_43 : vector<1x1024xf32>
    %div3A_47 = arith.constant 1.000000e+00 : f32
    %div3A_48 = vector.broadcast %div3A_47 : f32 to vector<1x1024xf32>
    %div3A_49 = arith.divf %div3A_48, %add3A_46 : vector<1x1024xf32>
    %sub3A_50 = arith.constant 1.000000e+00 : f32
    %sub3A_51 = vector.broadcast %sub3A_50 : f32 to vector<1x1024xf32>
    %sub3A_52 = arith.subf %sub3A_51, %div3A_49 : vector<1x1024xf32>
    %eq3A_53 = arith.constant 0 : i32
    %eq3A_54 = vector.broadcast %eq3A_53 : i32 to vector<8x1024xi32>
    %eq3A_55 = arith.cmpi eq, %iota3A, %eq3A_54 : vector<8x1024xi32>
    %eq3A_56 = arith.constant 1 : i32
    %eq3A_57 = vector.broadcast %eq3A_56 : i32 to vector<8x1024xi32>
    %eq3A_58 = arith.cmpi eq, %iota3A, %eq3A_57 : vector<8x1024xi32>
    %eq3A_59 = arith.constant 2 : i32
    %eq3A_60 = vector.broadcast %eq3A_59 : i32 to vector<8x1024xi32>
    %eq3A_61 = arith.cmpi eq, %iota3A, %eq3A_60 : vector<8x1024xi32>
    %eq3A_62 = arith.constant 3 : i32
    %eq3A_63 = vector.broadcast %eq3A_62 : i32 to vector<8x1024xi32>
    %eq3A_64 = arith.cmpi eq, %iota3A, %eq3A_63 : vector<8x1024xi32>
    %jit3A_65 = arith.constant 0.000000e+00 : f32
    %broadcast_in_dim3A_66 = vector.shape_cast %sub3A_52 : vector<1x1024xf32> to vector<1x1024xf32>
    %broadcast_in_dim3A_67 = vector.broadcast %broadcast_in_dim3A_66 : vector<1x1024xf32> to vector<8x1024xf32>
    %broadcast_in_dim3A_68 = vector.broadcast %jit3A_65 : f32 to vector<8x1024xf32>
    %select_n3A_69 = arith.select %eq3A_64, %broadcast_in_dim3A_67, %broadcast_in_dim3A_68 : vector<8x1024xi1>, vector<8x1024xf32>
    %broadcast_in_dim3A_70 = vector.shape_cast %div3A_49 : vector<1x1024xf32> to vector<1x1024xf32>
    %broadcast_in_dim3A_71 = vector.broadcast %broadcast_in_dim3A_70 : vector<1x1024xf32> to vector<8x1024xf32>
    %select_n3A_72 = arith.select %eq3A_61, %broadcast_in_dim3A_71, %select_n3A_69 : vector<8x1024xi1>, vector<8x1024xf32>
    %broadcast_in_dim3A_73 = vector.shape_cast %broadcast_in_dim3A_41 : vector<1x1024xf32> to vector<1x1024xf32>
    %broadcast_in_dim3A_74 = vector.broadcast %broadcast_in_dim3A_73 : vector<1x1024xf32> to vector<8x1024xf32>
    %select_n3A_75 = arith.select %eq3A_58, %broadcast_in_dim3A_74, %select_n3A_72 : vector<8x1024xi1>, vector<8x1024xf32>
    %broadcast_in_dim3A_76 = vector.shape_cast %broadcast_in_dim3A_24 : vector<1x1024xf32> to vector<1x1024xf32>
    %broadcast_in_dim3A_77 = vector.broadcast %broadcast_in_dim3A_76 : vector<1x1024xf32> to vector<8x1024xf32>
    %select_n3A_78 = arith.select %eq3A_55, %broadcast_in_dim3A_77, %select_n3A_75 : vector<8x1024xi1>, vector<8x1024xf32>
    %swap3A_79 = arith.constant 0 : index
    %swap3A_80 = arith.constant 0 : index
    %swap3A_81 = vector.load %arg5[%swap3A_79, %swap3A_80] : memref<8x1024xf32, #tpu.memory_space<vmem>>, vector<8x1024xf32>
    tpu.vector_store %arg5[%swap3A_79, %swap3A_80], %select_n3A_78 {strides = array<i32>} : memref<8x1024xf32, #tpu.memory_space<vmem>>, vector<8x1024xf32>,
    return
  }
  func.func @transform_0(%arg0: i32) -> (i32, i32) {
    %c0_i32 = arith.constant 0 : i32
    %c0_i32_0 = arith.constant 0 : i32
    return %arg0, %c0_i32 : i32, i32
  }
  func.func @transform_1(%arg0: i32) -> (i32, i32) {
    %c0_i32 = arith.constant 0 : i32
    %c0_i32_0 = arith.constant 0 : i32
    %c0_i32_1 = arith.constant 0 : i32
    return %c0_i32, %c0_i32_0 : i32, i32
  }
  func.func @transform_2(%arg0: i32) -> (i32, i32) {
    %c0_i32 = arith.constant 0 : i32
    %c0_i32_0 = arith.constant 0 : i32
    %c0_i32_1 = arith.constant 0 : i32
    return %c0_i32, %c0_i32_0 : i32, i32
  }
  func.func @transform_3(%arg0: i32) -> (i32, i32) {
    %c0_i32 = arith.constant 0 : i32
    %c0_i32_0 = arith.constant 0 : i32
    return %c0_i32, %arg0 : i32, i32
  }
  func.func @transform_4(%arg0: i32) -> (i32, i32) {
    %c0_i32 = arith.constant 0 : i32
    %c0_i32_0 = arith.constant 0 : i32
    return %c0_i32, %arg0 : i32, i32
  }
}

module attributes {stable_mosaic.version = 14 : i64} {
  func.func @_dispatch_body(%arg0: i32, %arg1: memref<256x16xf32, #tpu.memory_space<vmem>>, %arg2: memref<256x16xi32, #tpu.memory_space<vmem>>, %arg3: memref<32x8xi32, #tpu.memory_space<vmem>>) attributes {dimension_semantics = [#tpu.dimension_semantics<arbitrary>], iteration_bounds = array<i64: 1>, scalar_prefetch = 0 : i64, scratch_operands = 0 : i64, tpu.core_type = #tpu.core_type<tc>, window_params = [{pipeline_mode = #tpu.pipeline_mode<synchronous>, transform_indices = @transform_0, window_bounds = array<i64: 256, 16>}, {pipeline_mode = #tpu.pipeline_mode<synchronous>, transform_indices = @transform_1, window_bounds = array<i64: 256, 16>}, {pipeline_mode = #tpu.pipeline_mode<synchronous>, transform_indices = @transform_2, window_bounds = array<i64: 32, 8>}]} {
    %iota3A = tpu.iota {dimensions = array<i32: 0>} : vector<128x128xi32>
    %iota3A_0 = tpu.iota {dimensions = array<i32: 1>} : vector<128x128xi32>
    %iota3A_1 = tpu.iota {dimensions = array<i32: 1>} : vector<256x128xi32>
    %jit3A = arith.constant 8 : i32
    %eq3A = arith.constant 0 : i32
    %eq3A_2 = arith.cmpi eq, %jit3A, %eq3A : i32
    %jit3A_3 = arith.constant 1 : i32
    %select_n3A = arith.select %eq3A_2, %jit3A_3, %jit3A : i32
    %rem3A = vector.broadcast %select_n3A : i32 to vector<256x128xi32>
    %rem3A_4 = arith.remsi %iota3A_1, %rem3A : vector<256x128xi32>
    %ne3A = arith.constant 0 : i32
    %ne3A_5 = vector.broadcast %ne3A : i32 to vector<256x128xi32>
    %ne3A_6 = arith.cmpi ne, %rem3A_4, %ne3A_5 : vector<256x128xi32>
    %lt3A = arith.constant 0 : i32
    %lt3A_7 = vector.broadcast %lt3A : i32 to vector<256x128xi32>
    %lt3A_8 = arith.cmpi slt, %rem3A_4, %lt3A_7 : vector<256x128xi32>
    %lt3A_9 = arith.constant 0 : i32
    %lt3A_10 = arith.cmpi slt, %select_n3A, %lt3A_9 : i32
    %ne3A_11 = vector.broadcast %lt3A_10 : i1 to vector<256x128xi1>
    %ne3A_12 = vector.broadcast %ne3A_11 : vector<256x128xi1> to vector<256x128xi1>
    %ne3A_13 = arith.xori %lt3A_8, %ne3A_12 : vector<256x128xi1>
    %and3A = arith.andi %ne3A_13, %ne3A_6 : vector<256x128xi1>
    %add3A = vector.broadcast %select_n3A : i32 to vector<256x128xi32>
    %add3A_14 = arith.addi %rem3A_4, %add3A : vector<256x128xi32>
    %select_n3A_15 = arith.select %and3A, %add3A_14, %rem3A_4 : vector<256x128xi1>, vector<256x128xi32>
    %convert_element_type3A = arith.sitofp %select_n3A_15 : vector<256x128xi32> to vector<256x128xf32>
    %iota3A_16 = tpu.iota {dimensions = array<i32: 0>} : vector<16x128xi32>
    %iota3A_17 = tpu.iota {dimensions = array<i32: 1>} : vector<16x128xi32>
    %jit3A_18 = arith.constant 8 : i32
    %div3A = vector.broadcast %jit3A_18 : i32 to vector<16x128xi32>
    %div3A_19 = arith.divsi %iota3A_17, %div3A : vector<16x128xi32>
    %sign3A = arith.constant 0 : i32
    %sign3A_20 = vector.broadcast %sign3A : i32 to vector<16x128xi32>
    %sign3A_21 = arith.cmpi sgt, %iota3A_17, %sign3A_20 : vector<16x128xi32>
    %sign3A_22 = arith.extui %sign3A_21 : vector<16x128xi1> to vector<16x128xi32>
    %sign3A_23 = arith.constant 0 : i32
    %sign3A_24 = vector.broadcast %sign3A_23 : i32 to vector<16x128xi32>
    %sign3A_25 = arith.cmpi slt, %iota3A_17, %sign3A_24 : vector<16x128xi32>
    %sign3A_26 = arith.extui %sign3A_25 : vector<16x128xi1> to vector<16x128xi32>
    %sign3A_27 = arith.subi %sign3A_22, %sign3A_26 : vector<16x128xi32>
    %sign3A_28 = arith.constant 0 : i32
    %sign3A_29 = arith.cmpi sgt, %jit3A_18, %sign3A_28 : i32
    %sign3A_30 = arith.extui %sign3A_29 : i1 to i32
    %sign3A_31 = arith.constant 0 : i32
    %sign3A_32 = arith.cmpi slt, %jit3A_18, %sign3A_31 : i32
    %sign3A_33 = arith.extui %sign3A_32 : i1 to i32
    %sign3A_34 = arith.subi %sign3A_30, %sign3A_33 : i32
    %ne3A_35 = vector.broadcast %sign3A_34 : i32 to vector<16x128xi32>
    %ne3A_36 = arith.cmpi ne, %sign3A_27, %ne3A_35 : vector<16x128xi32>
    %rem3A_37 = vector.broadcast %jit3A_18 : i32 to vector<16x128xi32>
    %rem3A_38 = arith.remsi %iota3A_17, %rem3A_37 : vector<16x128xi32>
    %ne3A_39 = arith.constant 0 : i32
    %ne3A_40 = vector.broadcast %ne3A_39 : i32 to vector<16x128xi32>
    %ne3A_41 = arith.cmpi ne, %rem3A_38, %ne3A_40 : vector<16x128xi32>
    %and3A_42 = arith.andi %ne3A_36, %ne3A_41 : vector<16x128xi1>
    %sub3A = arith.constant 1 : i32
    %sub3A_43 = vector.broadcast %sub3A : i32 to vector<16x128xi32>
    %sub3A_44 = arith.subi %div3A_19, %sub3A_43 : vector<16x128xi32>
    %select_n3A_45 = arith.select %and3A_42, %sub3A_44, %div3A_19 : vector<16x128xi1>, vector<16x128xi32>
    %eq3A_46 = arith.cmpi eq, %iota3A_16, %select_n3A_45 : vector<16x128xi32>
    %convert_element_type3A_47 = arith.extui %eq3A_46 : vector<16x128xi1> to vector<16x128xi32>
    %convert_element_type3A_48 = arith.sitofp %convert_element_type3A_47 : vector<16x128xi32> to vector<16x128xf32>
    %get3A = arith.constant 0 : index
    %get3A_49 = arith.constant 0 : index
    %get3A_50 = vector.load %arg1[%get3A, %get3A_49] : memref<256x16xf32, #tpu.memory_space<vmem>>, vector<256x16xf32>
    %dot_general3A = arith.constant dense<0.000000e+00> : vector<256x128xf32>
    %dot_general3A_51 = tpu.matmul %get3A_50, %convert_element_type3A_48, %dot_general3A {dimension_numbers = #tpu.dot_dimension_numbers<[1], [0], [0], [1], [0, 0, 1, 1], [], []>, transpose_lhs_hint = false} : vector<256x16xf32>, vector<16x128xf32>, vector<256x128xf32> -> vector<256x128xf32>
    %eq3A_52 = arith.cmpf oeq, %dot_general3A_51, %convert_element_type3A : vector<256x128xf32>
    %convert_element_type3A_53 = arith.extui %eq3A_52 : vector<256x128xi1> to vector<256x128xi32>
    %convert_element_type3A_54 = arith.sitofp %convert_element_type3A_53 : vector<256x128xi32> to vector<256x128xf32>
    %iota3A_55 = tpu.iota {dimensions = array<i32: 0>} : vector<256x256xi32>
    %iota3A_56 = tpu.iota {dimensions = array<i32: 1>} : vector<256x256xi32>
    %lt3A_57 = arith.cmpi slt, %iota3A_56, %iota3A_55 : vector<256x256xi32>
    %convert_element_type3A_58 = arith.extui %lt3A_57 : vector<256x256xi1> to vector<256x256xi32>
    %convert_element_type3A_59 = arith.sitofp %convert_element_type3A_58 : vector<256x256xi32> to vector<256x256xf32>
    %dot_general3A_60 = arith.constant dense<0.000000e+00> : vector<256x128xf32>
    %dot_general3A_61 = tpu.matmul %convert_element_type3A_59, %convert_element_type3A_54, %dot_general3A_60 {dimension_numbers = #tpu.dot_dimension_numbers<[1], [0], [0], [1], [0, 0, 1, 1], [], []>, transpose_lhs_hint = false} : vector<256x256xf32>, vector<256x128xf32>, vector<256x128xf32> -> vector<256x128xf32>
    %slice3A = vector.extract_strided_slice %dot_general3A_61 {offsets = [255, 0], sizes = [1, 128], strides = [1, 1]} : vector<256x128xf32> to vector<1x128xf32>
    %slice3A_62 = vector.extract_strided_slice %convert_element_type3A_54 {offsets = [255, 0], sizes = [1, 128], strides = [1, 1]} : vector<256x128xf32> to vector<1x128xf32>
    %add3A_63 = arith.addf %slice3A, %slice3A_62 : vector<1x128xf32>
    %jit3A_64 = arith.constant 8 : i32
    %eq3A_65 = arith.constant 0 : i32
    %eq3A_66 = arith.cmpi eq, %jit3A_64, %eq3A_65 : i32
    %jit3A_67 = arith.constant 1 : i32
    %select_n3A_68 = arith.select %eq3A_66, %jit3A_67, %jit3A_64 : i32
    %rem3A_69 = vector.broadcast %select_n3A_68 : i32 to vector<128x128xi32>
    %rem3A_70 = arith.remsi %iota3A, %rem3A_69 : vector<128x128xi32>
    %ne3A_71 = arith.constant 0 : i32
    %ne3A_72 = vector.broadcast %ne3A_71 : i32 to vector<128x128xi32>
    %ne3A_73 = arith.cmpi ne, %rem3A_70, %ne3A_72 : vector<128x128xi32>
    %lt3A_74 = arith.constant 0 : i32
    %lt3A_75 = vector.broadcast %lt3A_74 : i32 to vector<128x128xi32>
    %lt3A_76 = arith.cmpi slt, %rem3A_70, %lt3A_75 : vector<128x128xi32>
    %lt3A_77 = arith.constant 0 : i32
    %lt3A_78 = arith.cmpi slt, %select_n3A_68, %lt3A_77 : i32
    %ne3A_79 = vector.broadcast %lt3A_78 : i1 to vector<128x128xi1>
    %ne3A_80 = vector.broadcast %ne3A_79 : vector<128x128xi1> to vector<128x128xi1>
    %ne3A_81 = arith.xori %lt3A_76, %ne3A_80 : vector<128x128xi1>
    %and3A_82 = arith.andi %ne3A_81, %ne3A_73 : vector<128x128xi1>
    %add3A_83 = vector.broadcast %select_n3A_68 : i32 to vector<128x128xi32>
    %add3A_84 = arith.addi %rem3A_70, %add3A_83 : vector<128x128xi32>
    %select_n3A_85 = arith.select %and3A_82, %add3A_84, %rem3A_70 : vector<128x128xi1>, vector<128x128xi32>
    %jit3A_86 = arith.constant 8 : i32
    %eq3A_87 = arith.constant 0 : i32
    %eq3A_88 = arith.cmpi eq, %jit3A_86, %eq3A_87 : i32
    %jit3A_89 = arith.constant 1 : i32
    %select_n3A_90 = arith.select %eq3A_88, %jit3A_89, %jit3A_86 : i32
    %rem3A_91 = vector.broadcast %select_n3A_90 : i32 to vector<128x128xi32>
    %rem3A_92 = arith.remsi %iota3A_0, %rem3A_91 : vector<128x128xi32>
    %ne3A_93 = arith.constant 0 : i32
    %ne3A_94 = vector.broadcast %ne3A_93 : i32 to vector<128x128xi32>
    %ne3A_95 = arith.cmpi ne, %rem3A_92, %ne3A_94 : vector<128x128xi32>
    %lt3A_96 = arith.constant 0 : i32
    %lt3A_97 = vector.broadcast %lt3A_96 : i32 to vector<128x128xi32>
    %lt3A_98 = arith.cmpi slt, %rem3A_92, %lt3A_97 : vector<128x128xi32>
    %lt3A_99 = arith.constant 0 : i32
    %lt3A_100 = arith.cmpi slt, %select_n3A_90, %lt3A_99 : i32
    %ne3A_101 = vector.broadcast %lt3A_100 : i1 to vector<128x128xi1>
    %ne3A_102 = vector.broadcast %ne3A_101 : vector<128x128xi1> to vector<128x128xi1>
    %ne3A_103 = arith.xori %lt3A_98, %ne3A_102 : vector<128x128xi1>
    %and3A_104 = arith.andi %ne3A_103, %ne3A_95 : vector<128x128xi1>
    %add3A_105 = vector.broadcast %select_n3A_90 : i32 to vector<128x128xi32>
    %add3A_106 = arith.addi %rem3A_92, %add3A_105 : vector<128x128xi32>
    %select_n3A_107 = arith.select %and3A_104, %add3A_106, %rem3A_92 : vector<128x128xi1>, vector<128x128xi32>
    %eq3A_108 = arith.cmpi eq, %select_n3A_85, %select_n3A_107 : vector<128x128xi32>
    %jit3A_109 = arith.constant 8 : i32
    %div3A_110 = vector.broadcast %jit3A_109 : i32 to vector<128x128xi32>
    %div3A_111 = arith.divsi %iota3A, %div3A_110 : vector<128x128xi32>
    %sign3A_112 = arith.constant 0 : i32
    %sign3A_113 = vector.broadcast %sign3A_112 : i32 to vector<128x128xi32>
    %sign3A_114 = arith.cmpi sgt, %iota3A, %sign3A_113 : vector<128x128xi32>
    %sign3A_115 = arith.extui %sign3A_114 : vector<128x128xi1> to vector<128x128xi32>
    %sign3A_116 = arith.constant 0 : i32
    %sign3A_117 = vector.broadcast %sign3A_116 : i32 to vector<128x128xi32>
    %sign3A_118 = arith.cmpi slt, %iota3A, %sign3A_117 : vector<128x128xi32>
    %sign3A_119 = arith.extui %sign3A_118 : vector<128x128xi1> to vector<128x128xi32>
    %sign3A_120 = arith.subi %sign3A_115, %sign3A_119 : vector<128x128xi32>
    %sign3A_121 = arith.constant 0 : i32
    %sign3A_122 = arith.cmpi sgt, %jit3A_109, %sign3A_121 : i32
    %sign3A_123 = arith.extui %sign3A_122 : i1 to i32
    %sign3A_124 = arith.constant 0 : i32
    %sign3A_125 = arith.cmpi slt, %jit3A_109, %sign3A_124 : i32
    %sign3A_126 = arith.extui %sign3A_125 : i1 to i32
    %sign3A_127 = arith.subi %sign3A_123, %sign3A_126 : i32
    %ne3A_128 = vector.broadcast %sign3A_127 : i32 to vector<128x128xi32>
    %ne3A_129 = arith.cmpi ne, %sign3A_120, %ne3A_128 : vector<128x128xi32>
    %rem3A_130 = vector.broadcast %jit3A_109 : i32 to vector<128x128xi32>
    %rem3A_131 = arith.remsi %iota3A, %rem3A_130 : vector<128x128xi32>
    %ne3A_132 = arith.constant 0 : i32
    %ne3A_133 = vector.broadcast %ne3A_132 : i32 to vector<128x128xi32>
    %ne3A_134 = arith.cmpi ne, %rem3A_131, %ne3A_133 : vector<128x128xi32>
    %and3A_135 = arith.andi %ne3A_129, %ne3A_134 : vector<128x128xi1>
    %sub3A_136 = arith.constant 1 : i32
    %sub3A_137 = vector.broadcast %sub3A_136 : i32 to vector<128x128xi32>
    %sub3A_138 = arith.subi %div3A_111, %sub3A_137 : vector<128x128xi32>
    %select_n3A_139 = arith.select %and3A_135, %sub3A_138, %div3A_111 : vector<128x128xi1>, vector<128x128xi32>
    %jit3A_140 = arith.constant 8 : i32
    %div3A_141 = vector.broadcast %jit3A_140 : i32 to vector<128x128xi32>
    %div3A_142 = arith.divsi %iota3A_0, %div3A_141 : vector<128x128xi32>
    %sign3A_143 = arith.constant 0 : i32
    %sign3A_144 = vector.broadcast %sign3A_143 : i32 to vector<128x128xi32>
    %sign3A_145 = arith.cmpi sgt, %iota3A_0, %sign3A_144 : vector<128x128xi32>
    %sign3A_146 = arith.extui %sign3A_145 : vector<128x128xi1> to vector<128x128xi32>
    %sign3A_147 = arith.constant 0 : i32
    %sign3A_148 = vector.broadcast %sign3A_147 : i32 to vector<128x128xi32>
    %sign3A_149 = arith.cmpi slt, %iota3A_0, %sign3A_148 : vector<128x128xi32>
    %sign3A_150 = arith.extui %sign3A_149 : vector<128x128xi1> to vector<128x128xi32>
    %sign3A_151 = arith.subi %sign3A_146, %sign3A_150 : vector<128x128xi32>
    %sign3A_152 = arith.constant 0 : i32
    %sign3A_153 = arith.cmpi sgt, %jit3A_140, %sign3A_152 : i32
    %sign3A_154 = arith.extui %sign3A_153 : i1 to i32
    %sign3A_155 = arith.constant 0 : i32
    %sign3A_156 = arith.cmpi slt, %jit3A_140, %sign3A_155 : i32
    %sign3A_157 = arith.extui %sign3A_156 : i1 to i32
    %sign3A_158 = arith.subi %sign3A_154, %sign3A_157 : i32
    %ne3A_159 = vector.broadcast %sign3A_158 : i32 to vector<128x128xi32>
    %ne3A_160 = arith.cmpi ne, %sign3A_151, %ne3A_159 : vector<128x128xi32>
    %rem3A_161 = vector.broadcast %jit3A_140 : i32 to vector<128x128xi32>
    %rem3A_162 = arith.remsi %iota3A_0, %rem3A_161 : vector<128x128xi32>
    %ne3A_163 = arith.constant 0 : i32
    %ne3A_164 = vector.broadcast %ne3A_163 : i32 to vector<128x128xi32>
    %ne3A_165 = arith.cmpi ne, %rem3A_162, %ne3A_164 : vector<128x128xi32>
    %and3A_166 = arith.andi %ne3A_160, %ne3A_165 : vector<128x128xi1>
    %sub3A_167 = arith.constant 1 : i32
    %sub3A_168 = vector.broadcast %sub3A_167 : i32 to vector<128x128xi32>
    %sub3A_169 = arith.subi %div3A_142, %sub3A_168 : vector<128x128xi32>
    %select_n3A_170 = arith.select %and3A_166, %sub3A_169, %div3A_142 : vector<128x128xi1>, vector<128x128xi32>
    %lt3A_171 = arith.cmpi slt, %select_n3A_139, %select_n3A_170 : vector<128x128xi32>
    %and3A_172 = arith.andi %eq3A_108, %lt3A_171 : vector<128x128xi1>
    %convert_element_type3A_173 = arith.extui %and3A_172 : vector<128x128xi1> to vector<128x128xi32>
    %convert_element_type3A_174 = arith.sitofp %convert_element_type3A_173 : vector<128x128xi32> to vector<128x128xf32>
    %dot_general3A_175 = arith.constant dense<0.000000e+00> : vector<1x128xf32>
    %dot_general3A_176 = tpu.matmul %add3A_63, %convert_element_type3A_174, %dot_general3A_175 {dimension_numbers = #tpu.dot_dimension_numbers<[1], [0], [0], [1], [0, 0, 1, 1], [], []>, transpose_lhs_hint = false} : vector<1x128xf32>, vector<128x128xf32>, vector<1x128xf32> -> vector<1x128xf32>
    %convert_element_type3A_177 = arith.extui %eq3A_108 : vector<128x128xi1> to vector<128x128xi32>
    %convert_element_type3A_178 = arith.sitofp %convert_element_type3A_177 : vector<128x128xi32> to vector<128x128xf32>
    %dot_general3A_179 = arith.constant dense<0.000000e+00> : vector<1x128xf32>
    %dot_general3A_180 = tpu.matmul %add3A_63, %convert_element_type3A_178, %dot_general3A_179 {dimension_numbers = #tpu.dot_dimension_numbers<[1], [0], [0], [1], [0, 0, 1, 1], [], []>, transpose_lhs_hint = false} : vector<1x128xf32>, vector<128x128xf32>, vector<1x128xf32> -> vector<1x128xf32>
    %div3A_181 = arith.constant 2.560000e+02 : f32
    %div3A_182 = vector.broadcast %div3A_181 : f32 to vector<1x128xf32>
    %div3A_183 = arith.divf %dot_general3A_180, %div3A_182 : vector<1x128xf32>
    %ceil3A = math.ceil %div3A_183 : vector<1x128xf32>
    %jit3A_184 = arith.constant 8 : i32
    %div3A_185 = vector.broadcast %jit3A_184 : i32 to vector<128x128xi32>
    %div3A_186 = arith.divsi %iota3A, %div3A_185 : vector<128x128xi32>
    %sign3A_187 = arith.constant 0 : i32
    %sign3A_188 = vector.broadcast %sign3A_187 : i32 to vector<128x128xi32>
    %sign3A_189 = arith.cmpi sgt, %iota3A, %sign3A_188 : vector<128x128xi32>
    %sign3A_190 = arith.extui %sign3A_189 : vector<128x128xi1> to vector<128x128xi32>
    %sign3A_191 = arith.constant 0 : i32
    %sign3A_192 = vector.broadcast %sign3A_191 : i32 to vector<128x128xi32>
    %sign3A_193 = arith.cmpi slt, %iota3A, %sign3A_192 : vector<128x128xi32>
    %sign3A_194 = arith.extui %sign3A_193 : vector<128x128xi1> to vector<128x128xi32>
    %sign3A_195 = arith.subi %sign3A_190, %sign3A_194 : vector<128x128xi32>
    %sign3A_196 = arith.constant 0 : i32
    %sign3A_197 = arith.cmpi sgt, %jit3A_184, %sign3A_196 : i32
    %sign3A_198 = arith.extui %sign3A_197 : i1 to i32
    %sign3A_199 = arith.constant 0 : i32
    %sign3A_200 = arith.cmpi slt, %jit3A_184, %sign3A_199 : i32
    %sign3A_201 = arith.extui %sign3A_200 : i1 to i32
    %sign3A_202 = arith.subi %sign3A_198, %sign3A_201 : i32
    %ne3A_203 = vector.broadcast %sign3A_202 : i32 to vector<128x128xi32>
    %ne3A_204 = arith.cmpi ne, %sign3A_195, %ne3A_203 : vector<128x128xi32>
    %rem3A_205 = vector.broadcast %jit3A_184 : i32 to vector<128x128xi32>
    %rem3A_206 = arith.remsi %iota3A, %rem3A_205 : vector<128x128xi32>
    %ne3A_207 = arith.constant 0 : i32
    %ne3A_208 = vector.broadcast %ne3A_207 : i32 to vector<128x128xi32>
    %ne3A_209 = arith.cmpi ne, %rem3A_206, %ne3A_208 : vector<128x128xi32>
    %and3A_210 = arith.andi %ne3A_204, %ne3A_209 : vector<128x128xi1>
    %sub3A_211 = arith.constant 1 : i32
    %sub3A_212 = vector.broadcast %sub3A_211 : i32 to vector<128x128xi32>
    %sub3A_213 = arith.subi %div3A_186, %sub3A_212 : vector<128x128xi32>
    %select_n3A_214 = arith.select %and3A_210, %sub3A_213, %div3A_186 : vector<128x128xi1>, vector<128x128xi32>
    %eq3A_215 = arith.constant 0 : i32
    %eq3A_216 = vector.broadcast %eq3A_215 : i32 to vector<128x128xi32>
    %eq3A_217 = arith.cmpi eq, %select_n3A_214, %eq3A_216 : vector<128x128xi32>
    %jit3A_218 = arith.constant 8 : i32
    %eq3A_219 = arith.constant 0 : i32
    %eq3A_220 = arith.cmpi eq, %jit3A_218, %eq3A_219 : i32
    %jit3A_221 = arith.constant 1 : i32
    %select_n3A_222 = arith.select %eq3A_220, %jit3A_221, %jit3A_218 : i32
    %rem3A_223 = vector.broadcast %select_n3A_222 : i32 to vector<128x128xi32>
    %rem3A_224 = arith.remsi %iota3A, %rem3A_223 : vector<128x128xi32>
    %ne3A_225 = arith.constant 0 : i32
    %ne3A_226 = vector.broadcast %ne3A_225 : i32 to vector<128x128xi32>
    %ne3A_227 = arith.cmpi ne, %rem3A_224, %ne3A_226 : vector<128x128xi32>
    %lt3A_228 = arith.constant 0 : i32
    %lt3A_229 = vector.broadcast %lt3A_228 : i32 to vector<128x128xi32>
    %lt3A_230 = arith.cmpi slt, %rem3A_224, %lt3A_229 : vector<128x128xi32>
    %lt3A_231 = arith.constant 0 : i32
    %lt3A_232 = arith.cmpi slt, %select_n3A_222, %lt3A_231 : i32
    %ne3A_233 = vector.broadcast %lt3A_232 : i1 to vector<128x128xi1>
    %ne3A_234 = vector.broadcast %ne3A_233 : vector<128x128xi1> to vector<128x128xi1>
    %ne3A_235 = arith.xori %lt3A_230, %ne3A_234 : vector<128x128xi1>
    %and3A_236 = arith.andi %ne3A_235, %ne3A_227 : vector<128x128xi1>
    %add3A_237 = vector.broadcast %select_n3A_222 : i32 to vector<128x128xi32>
    %add3A_238 = arith.addi %rem3A_224, %add3A_237 : vector<128x128xi32>
    %select_n3A_239 = arith.select %and3A_236, %add3A_238, %rem3A_224 : vector<128x128xi1>, vector<128x128xi32>
    %jit3A_240 = arith.constant 8 : i32
    %eq3A_241 = arith.constant 0 : i32
    %eq3A_242 = arith.cmpi eq, %jit3A_240, %eq3A_241 : i32
    %jit3A_243 = arith.constant 1 : i32
    %select_n3A_244 = arith.select %eq3A_242, %jit3A_243, %jit3A_240 : i32
    %rem3A_245 = vector.broadcast %select_n3A_244 : i32 to vector<128x128xi32>
    %rem3A_246 = arith.remsi %iota3A_0, %rem3A_245 : vector<128x128xi32>
    %ne3A_247 = arith.constant 0 : i32
    %ne3A_248 = vector.broadcast %ne3A_247 : i32 to vector<128x128xi32>
    %ne3A_249 = arith.cmpi ne, %rem3A_246, %ne3A_248 : vector<128x128xi32>
    %lt3A_250 = arith.constant 0 : i32
    %lt3A_251 = vector.broadcast %lt3A_250 : i32 to vector<128x128xi32>
    %lt3A_252 = arith.cmpi slt, %rem3A_246, %lt3A_251 : vector<128x128xi32>
    %lt3A_253 = arith.constant 0 : i32
    %lt3A_254 = arith.cmpi slt, %select_n3A_244, %lt3A_253 : i32
    %ne3A_255 = vector.broadcast %lt3A_254 : i1 to vector<128x128xi1>
    %ne3A_256 = vector.broadcast %ne3A_255 : vector<128x128xi1> to vector<128x128xi1>
    %ne3A_257 = arith.xori %lt3A_252, %ne3A_256 : vector<128x128xi1>
    %and3A_258 = arith.andi %ne3A_257, %ne3A_249 : vector<128x128xi1>
    %add3A_259 = vector.broadcast %select_n3A_244 : i32 to vector<128x128xi32>
    %add3A_260 = arith.addi %rem3A_246, %add3A_259 : vector<128x128xi32>
    %select_n3A_261 = arith.select %and3A_258, %add3A_260, %rem3A_246 : vector<128x128xi1>, vector<128x128xi32>
    %lt3A_262 = arith.cmpi slt, %select_n3A_239, %select_n3A_261 : vector<128x128xi32>
    %and3A_263 = arith.andi %eq3A_217, %lt3A_262 : vector<128x128xi1>
    %convert_element_type3A_264 = arith.extui %and3A_263 : vector<128x128xi1> to vector<128x128xi32>
    %convert_element_type3A_265 = arith.sitofp %convert_element_type3A_264 : vector<128x128xi32> to vector<128x128xf32>
    %dot_general3A_266 = arith.constant dense<0.000000e+00> : vector<1x128xf32>
    %dot_general3A_267 = tpu.matmul %ceil3A, %convert_element_type3A_265, %dot_general3A_266 {dimension_numbers = #tpu.dot_dimension_numbers<[1], [0], [0], [1], [0, 0, 1, 1], [], []>, transpose_lhs_hint = false} : vector<1x128xf32>, vector<128x128xf32>, vector<1x128xf32> -> vector<1x128xf32>
    %mul3A = arith.constant 2.560000e+02 : f32
    %mul3A_268 = vector.broadcast %mul3A : f32 to vector<1x128xf32>
    %mul3A_269 = arith.mulf %dot_general3A_267, %mul3A_268 : vector<1x128xf32>
    %add3A_270 = arith.addf %mul3A_269, %dot_general3A_176 : vector<1x128xf32>
    %add3A_271 = vector.broadcast %add3A_270 : vector<1x128xf32> to vector<256x128xf32>
    %add3A_272 = arith.addf %add3A_271, %dot_general3A_61 : vector<256x128xf32>
    %mul3A_273 = arith.mulf %convert_element_type3A_54, %add3A_272 : vector<256x128xf32>
    %iota3A_274 = tpu.iota {dimensions = array<i32: 0>} : vector<128x16xi32>
    %iota3A_275 = tpu.iota {dimensions = array<i32: 1>} : vector<128x16xi32>
    %jit3A_276 = arith.constant 8 : i32
    %div3A_277 = vector.broadcast %jit3A_276 : i32 to vector<128x16xi32>
    %div3A_278 = arith.divsi %iota3A_274, %div3A_277 : vector<128x16xi32>
    %sign3A_279 = arith.constant 0 : i32
    %sign3A_280 = vector.broadcast %sign3A_279 : i32 to vector<128x16xi32>
    %sign3A_281 = arith.cmpi sgt, %iota3A_274, %sign3A_280 : vector<128x16xi32>
    %sign3A_282 = arith.extui %sign3A_281 : vector<128x16xi1> to vector<128x16xi32>
    %sign3A_283 = arith.constant 0 : i32
    %sign3A_284 = vector.broadcast %sign3A_283 : i32 to vector<128x16xi32>
    %sign3A_285 = arith.cmpi slt, %iota3A_274, %sign3A_284 : vector<128x16xi32>
    %sign3A_286 = arith.extui %sign3A_285 : vector<128x16xi1> to vector<128x16xi32>
    %sign3A_287 = arith.subi %sign3A_282, %sign3A_286 : vector<128x16xi32>
    %sign3A_288 = arith.constant 0 : i32
    %sign3A_289 = arith.cmpi sgt, %jit3A_276, %sign3A_288 : i32
    %sign3A_290 = arith.extui %sign3A_289 : i1 to i32
    %sign3A_291 = arith.constant 0 : i32
    %sign3A_292 = arith.cmpi slt, %jit3A_276, %sign3A_291 : i32
    %sign3A_293 = arith.extui %sign3A_292 : i1 to i32
    %sign3A_294 = arith.subi %sign3A_290, %sign3A_293 : i32
    %ne3A_295 = vector.broadcast %sign3A_294 : i32 to vector<128x16xi32>
    %ne3A_296 = arith.cmpi ne, %sign3A_287, %ne3A_295 : vector<128x16xi32>
    %rem3A_297 = vector.broadcast %jit3A_276 : i32 to vector<128x16xi32>
    %rem3A_298 = arith.remsi %iota3A_274, %rem3A_297 : vector<128x16xi32>
    %ne3A_299 = arith.constant 0 : i32
    %ne3A_300 = vector.broadcast %ne3A_299 : i32 to vector<128x16xi32>
    %ne3A_301 = arith.cmpi ne, %rem3A_298, %ne3A_300 : vector<128x16xi32>
    %and3A_302 = arith.andi %ne3A_296, %ne3A_301 : vector<128x16xi1>
    %sub3A_303 = arith.constant 1 : i32
    %sub3A_304 = vector.broadcast %sub3A_303 : i32 to vector<128x16xi32>
    %sub3A_305 = arith.subi %div3A_278, %sub3A_304 : vector<128x16xi32>
    %select_n3A_306 = arith.select %and3A_302, %sub3A_305, %div3A_278 : vector<128x16xi1>, vector<128x16xi32>
    %eq3A_307 = arith.cmpi eq, %select_n3A_306, %iota3A_275 : vector<128x16xi32>
    %convert_element_type3A_308 = arith.extui %eq3A_307 : vector<128x16xi1> to vector<128x16xi32>
    %convert_element_type3A_309 = arith.sitofp %convert_element_type3A_308 : vector<128x16xi32> to vector<128x16xf32>
    %dot_general3A_310 = arith.constant dense<0.000000e+00> : vector<256x16xf32>
    %dot_general3A_311 = tpu.matmul %mul3A_273, %convert_element_type3A_309, %dot_general3A_310 {dimension_numbers = #tpu.dot_dimension_numbers<[1], [0], [0], [1], [0, 0, 1, 1], [], []>, precision = #tpu.contract_precision<fp32>, transpose_lhs_hint = false} : vector<256x128xf32>, vector<128x16xf32>, vector<256x16xf32> -> vector<256x16xf32>
    %convert_element_type3A_312 = arith.fptosi %dot_general3A_311 : vector<256x16xf32> to vector<256x16xi32>
    %swap3A = arith.constant 0 : index
    %swap3A_313 = arith.constant 0 : index
    %swap3A_314 = vector.load %arg2[%swap3A, %swap3A_313] : memref<256x16xi32, #tpu.memory_space<vmem>>, vector<256x16xi32>
    tpu.vector_store %arg2[%swap3A, %swap3A_313], %convert_element_type3A_312 {strides = array<i32>} : memref<256x16xi32, #tpu.memory_space<vmem>>, vector<256x16xi32>,
    %iota3A_315 = tpu.iota {dimensions = array<i32: 0>} : vector<32x128xi32>
    %convert_element_type3A_316 = arith.sitofp %iota3A_315 : vector<32x128xi32> to vector<32x128xf32>
    %iota3A_317 = tpu.iota {dimensions = array<i32: 1>} : vector<32x128xi32>
    %ge3A = vector.broadcast %dot_general3A_267 : vector<1x128xf32> to vector<32x128xf32>
    %ge3A_318 = arith.cmpf oge, %convert_element_type3A_316, %ge3A : vector<32x128xf32>
    %add3A_319 = arith.addf %dot_general3A_267, %ceil3A : vector<1x128xf32>
    %lt3A_320 = vector.broadcast %add3A_319 : vector<1x128xf32> to vector<32x128xf32>
    %lt3A_321 = arith.cmpf olt, %convert_element_type3A_316, %lt3A_320 : vector<32x128xf32>
    %and3A_322 = arith.andi %ge3A_318, %lt3A_321 : vector<32x128xi1>
    %lt3A_323 = arith.constant 8 : i32
    %lt3A_324 = vector.broadcast %lt3A_323 : i32 to vector<32x128xi32>
    %lt3A_325 = arith.cmpi slt, %iota3A_317, %lt3A_324 : vector<32x128xi32>
    %and3A_326 = arith.andi %and3A_322, %lt3A_325 : vector<32x128xi1>
    %jit3A_327 = arith.constant 8 : i32
    %eq3A_328 = arith.constant 0 : i32
    %eq3A_329 = arith.cmpi eq, %jit3A_327, %eq3A_328 : i32
    %jit3A_330 = arith.constant 1 : i32
    %select_n3A_331 = arith.select %eq3A_329, %jit3A_330, %jit3A_327 : i32
    %rem3A_332 = vector.broadcast %select_n3A_331 : i32 to vector<32x128xi32>
    %rem3A_333 = arith.remsi %iota3A_317, %rem3A_332 : vector<32x128xi32>
    %ne3A_334 = arith.constant 0 : i32
    %ne3A_335 = vector.broadcast %ne3A_334 : i32 to vector<32x128xi32>
    %ne3A_336 = arith.cmpi ne, %rem3A_333, %ne3A_335 : vector<32x128xi32>
    %lt3A_337 = arith.constant 0 : i32
    %lt3A_338 = vector.broadcast %lt3A_337 : i32 to vector<32x128xi32>
    %lt3A_339 = arith.cmpi slt, %rem3A_333, %lt3A_338 : vector<32x128xi32>
    %lt3A_340 = arith.constant 0 : i32
    %lt3A_341 = arith.cmpi slt, %select_n3A_331, %lt3A_340 : i32
    %ne3A_342 = vector.broadcast %lt3A_341 : i1 to vector<32x128xi1>
    %ne3A_343 = vector.broadcast %ne3A_342 : vector<32x128xi1> to vector<32x128xi1>
    %ne3A_344 = arith.xori %lt3A_339, %ne3A_343 : vector<32x128xi1>
    %and3A_345 = arith.andi %ne3A_344, %ne3A_336 : vector<32x128xi1>
    %add3A_346 = vector.broadcast %select_n3A_331 : i32 to vector<32x128xi32>
    %add3A_347 = arith.addi %rem3A_333, %add3A_346 : vector<32x128xi32>
    %select_n3A_348 = arith.select %and3A_345, %add3A_347, %rem3A_333 : vector<32x128xi1>, vector<32x128xi32>
    %convert_element_type3A_349 = arith.sitofp %select_n3A_348 : vector<32x128xi32> to vector<32x128xf32>
    %convert_element_type3A_350 = arith.extui %and3A_326 : vector<32x128xi1> to vector<32x128xi32>
    %convert_element_type3A_351 = arith.sitofp %convert_element_type3A_350 : vector<32x128xi32> to vector<32x128xf32>
    %reduce_sum3A = arith.constant dense<0.000000e+00> : vector<32xf32>
    %reduce_sum3A_352 = vector.multi_reduction <add>, %convert_element_type3A_351, %reduce_sum3A [1] : vector<32x128xf32> to vector<32xf32>
    %broadcast_in_dim3A = vector.shape_cast %reduce_sum3A_352 : vector<32xf32> to vector<32x1xf32>
    %jit3A_353 = arith.constant 0.000000e+00 : f32
    %broadcast_in_dim3A_354 = vector.broadcast %jit3A_353 : f32 to vector<32x128xf32>
    %select_n3A_355 = arith.select %and3A_326, %convert_element_type3A_349, %broadcast_in_dim3A_354 : vector<32x128xi1>, vector<32x128xf32>
    %reduce_sum3A_356 = arith.constant dense<0.000000e+00> : vector<32xf32>
    %reduce_sum3A_357 = vector.multi_reduction <add>, %select_n3A_355, %reduce_sum3A_356 [1] : vector<32x128xf32> to vector<32xf32>
    %broadcast_in_dim3A_358 = vector.shape_cast %reduce_sum3A_357 : vector<32xf32> to vector<32x1xf32>
    %sub3A_359 = arith.constant 1.000000e+00 : f32
    %sub3A_360 = vector.broadcast %sub3A_359 : f32 to vector<32x1xf32>
    %sub3A_361 = arith.subf %sub3A_360, %broadcast_in_dim3A : vector<32x1xf32>
    %mul3A_362 = arith.constant 7.000000e+00 : f32
    %mul3A_363 = vector.broadcast %mul3A_362 : f32 to vector<32x1xf32>
    %mul3A_364 = arith.mulf %mul3A_363, %sub3A_361 : vector<32x1xf32>
    %add3A_365 = arith.addf %broadcast_in_dim3A_358, %mul3A_364 : vector<32x1xf32>
    %iota3A_366 = tpu.iota {dimensions = array<i32: 1>} : vector<32x8xi32>
    %eq3A_367 = arith.constant 0 : i32
    %eq3A_368 = vector.broadcast %eq3A_367 : i32 to vector<32x8xi32>
    %eq3A_369 = arith.cmpi eq, %iota3A_366, %eq3A_368 : vector<32x8xi32>
    %eq3A_370 = arith.constant 1 : i32
    %eq3A_371 = vector.broadcast %eq3A_370 : i32 to vector<32x8xi32>
    %eq3A_372 = arith.cmpi eq, %iota3A_366, %eq3A_371 : vector<32x8xi32>
    %jit3A_373 = arith.constant 0.000000e+00 : f32
    %broadcast_in_dim3A_374 = vector.shape_cast %broadcast_in_dim3A : vector<32x1xf32> to vector<32x1xf32>
    %broadcast_in_dim3A_375 = vector.broadcast %broadcast_in_dim3A_374 : vector<32x1xf32> to vector<32x8xf32>
    %broadcast_in_dim3A_376 = vector.broadcast %jit3A_373 : f32 to vector<32x8xf32>
    %select_n3A_377 = arith.select %eq3A_372, %broadcast_in_dim3A_375, %broadcast_in_dim3A_376 : vector<32x8xi1>, vector<32x8xf32>
    %broadcast_in_dim3A_378 = vector.shape_cast %add3A_365 : vector<32x1xf32> to vector<32x1xf32>
    %broadcast_in_dim3A_379 = vector.broadcast %broadcast_in_dim3A_378 : vector<32x1xf32> to vector<32x8xf32>
    %select_n3A_380 = arith.select %eq3A_369, %broadcast_in_dim3A_379, %select_n3A_377 : vector<32x8xi1>, vector<32x8xf32>
    %convert_element_type3A_381 = arith.fptosi %select_n3A_380 : vector<32x8xf32> to vector<32x8xi32>
    %swap3A_382 = arith.constant 0 : index
    %swap3A_383 = arith.constant 0 : index
    %swap3A_384 = vector.load %arg3[%swap3A_382, %swap3A_383] : memref<32x8xi32, #tpu.memory_space<vmem>>, vector<32x8xi32>
    tpu.vector_store %arg3[%swap3A_382, %swap3A_383], %convert_element_type3A_381 {strides = array<i32>} : memref<32x8xi32, #tpu.memory_space<vmem>>, vector<32x8xi32>,
    return
  }
  func.func @transform_0(%arg0: i32) -> (i32, i32) {
    %c0_i32 = arith.constant 0 : i32
    %c0_i32_0 = arith.constant 0 : i32
    %c0_i32_1 = arith.constant 0 : i32
    return %c0_i32, %c0_i32_0 : i32, i32
  }
  func.func @transform_1(%arg0: i32) -> (i32, i32) {
    %c0_i32 = arith.constant 0 : i32
    %c0_i32_0 = arith.constant 0 : i32
    %c0_i32_1 = arith.constant 0 : i32
    return %c0_i32, %c0_i32_0 : i32, i32
  }
  func.func @transform_2(%arg0: i32) -> (i32, i32) {
    %c0_i32 = arith.constant 0 : i32
    %c0_i32_0 = arith.constant 0 : i32
    %c0_i32_1 = arith.constant 0 : i32
    return %c0_i32, %c0_i32_0 : i32, i32
  }
}

module attributes {stable_mosaic.version = 14 : i64} {
  func.func @_ffn_body(%arg0: i32, %arg1: memref<24xi32, #tpu.memory_space<smem>>, %arg2: memref<24xi32, #tpu.memory_space<smem>>, %arg3: memref<256x1024xf32, #tpu.memory_space<vmem>>, %arg4: memref<1x1024x2048xf32, #tpu.memory_space<vmem>>, %arg5: memref<1x1x2048xf32, #tpu.memory_space<vmem>>, %arg6: memref<1x1024x2048xf32, #tpu.memory_space<vmem>>, %arg7: memref<1x1x2048xf32, #tpu.memory_space<vmem>>, %arg8: memref<1x2048x1024xf32, #tpu.memory_space<vmem>>, %arg9: memref<1x1x1024xf32, #tpu.memory_space<vmem>>, %arg10: memref<1x256x1xf32, #tpu.memory_space<vmem>>, %arg11: memref<256x1024xf32, #tpu.memory_space<vmem>>) attributes {dimension_semantics = [#tpu.dimension_semantics<arbitrary>], iteration_bounds = array<i64: 24>, scalar_prefetch = 2 : i64, scratch_operands = 0 : i64, tpu.core_type = #tpu.core_type<tc>, window_params = [{transform_indices = @transform_0, window_bounds = array<i64: 256, 1024>}, {transform_indices = @transform_1, window_bounds = array<i64: 1, 1024, 2048>}, {transform_indices = @transform_2, window_bounds = array<i64: 1, 1, 2048>}, {transform_indices = @transform_3, window_bounds = array<i64: 1, 1024, 2048>}, {transform_indices = @transform_4, window_bounds = array<i64: 1, 1, 2048>}, {transform_indices = @transform_5, window_bounds = array<i64: 1, 2048, 1024>}, {transform_indices = @transform_6, window_bounds = array<i64: 1, 1, 1024>}, {transform_indices = @transform_7, window_bounds = array<i64: 1, 256, 1>}, {transform_indices = @transform_8, window_bounds = array<i64: 256, 1024>}]} {
    %get3A = arith.index_cast %arg0 : i32 to index
    %get3A_0 = memref.load %arg2[%get3A] : memref<24xi32, #tpu.memory_space<smem>>
    %eq3A = arith.constant 1 : i32
    %eq3A_1 = arith.cmpi eq, %get3A_0, %eq3A : i32
    %convert_element_type3A = arith.extui %eq3A_1 : i1 to i32
    %cond3A = arith.constant 0 : i32
    %cond3A_2 = arith.cmpi ne, %convert_element_type3A, %cond3A : i32
    scf.if %cond3A_2 {
      %get3A_3 = arith.constant 0 : index
      %get3A_4 = arith.constant 0 : index
      %get3A_5 = vector.load %arg3[%get3A_3, %get3A_4] : memref<256x1024xf32, #tpu.memory_space<vmem>>, vector<256x1024xf32>
      %get3A_6 = arith.constant 0 : index
      %get3A_7 = arith.constant 0 : index
      %get3A_8 = arith.constant 0 : index
      %get3A_9 = vector.load %arg4[%get3A_6, %get3A_7, %get3A_8] : memref<1x1024x2048xf32, #tpu.memory_space<vmem>>, vector<1x1024x2048xf32>
      %get3A_10 = vector.shape_cast %get3A_9 : vector<1x1024x2048xf32> to vector<1024x2048xf32>
      %dot_general3A = arith.constant dense<0.000000e+00> : vector<256x2048xf32>
      %dot_general3A_11 = tpu.matmul %get3A_5, %get3A_10, %dot_general3A {dimension_numbers = #tpu.dot_dimension_numbers<[1], [0], [0], [1], [0, 0, 1, 1], [], []>, transpose_lhs_hint = false} : vector<256x1024xf32>, vector<1024x2048xf32>, vector<256x2048xf32> -> vector<256x2048xf32>
      %get3A_12 = arith.constant 0 : index
      %get3A_13 = arith.constant 0 : index
      %get3A_14 = arith.constant 0 : index
      %get3A_15 = vector.load %arg5[%get3A_12, %get3A_13, %get3A_14] : memref<1x1x2048xf32, #tpu.memory_space<vmem>>, vector<1x1x2048xf32>
      %get3A_16 = vector.shape_cast %get3A_15 : vector<1x1x2048xf32> to vector<1x2048xf32>
      %add3A = vector.broadcast %get3A_16 : vector<1x2048xf32> to vector<256x2048xf32>
      %add3A_17 = arith.addf %dot_general3A_11, %add3A : vector<256x2048xf32>
      %get3A_18 = arith.constant 0 : index
      %get3A_19 = arith.constant 0 : index
      %get3A_20 = arith.constant 0 : index
      %get3A_21 = vector.load %arg6[%get3A_18, %get3A_19, %get3A_20] : memref<1x1024x2048xf32, #tpu.memory_space<vmem>>, vector<1x1024x2048xf32>
      %get3A_22 = vector.shape_cast %get3A_21 : vector<1x1024x2048xf32> to vector<1024x2048xf32>
      %dot_general3A_23 = arith.constant dense<0.000000e+00> : vector<256x2048xf32>
      %dot_general3A_24 = tpu.matmul %get3A_5, %get3A_22, %dot_general3A_23 {dimension_numbers = #tpu.dot_dimension_numbers<[1], [0], [0], [1], [0, 0, 1, 1], [], []>, transpose_lhs_hint = false} : vector<256x1024xf32>, vector<1024x2048xf32>, vector<256x2048xf32> -> vector<256x2048xf32>
      %get3A_25 = arith.constant 0 : index
      %get3A_26 = arith.constant 0 : index
      %get3A_27 = arith.constant 0 : index
      %get3A_28 = vector.load %arg7[%get3A_25, %get3A_26, %get3A_27] : memref<1x1x2048xf32, #tpu.memory_space<vmem>>, vector<1x1x2048xf32>
      %get3A_29 = vector.shape_cast %get3A_28 : vector<1x1x2048xf32> to vector<1x2048xf32>
      %add3A_30 = vector.broadcast %get3A_29 : vector<1x2048xf32> to vector<256x2048xf32>
      %add3A_31 = arith.addf %dot_general3A_24, %add3A_30 : vector<256x2048xf32>
      %logistic3A = arith.negf %add3A_17 : vector<256x2048xf32>
      %logistic3A_32 = math.exp %logistic3A : vector<256x2048xf32>
      %logistic3A_33 = arith.constant 1.000000e+00 : f32
      %logistic3A_34 = vector.broadcast %logistic3A_33 : f32 to vector<256x2048xf32>
      %logistic3A_35 = arith.addf %logistic3A_34, %logistic3A_32 : vector<256x2048xf32>
      %logistic3A_36 = arith.divf %logistic3A_34, %logistic3A_35 : vector<256x2048xf32>
      %mul3A = arith.mulf %add3A_17, %logistic3A_36 : vector<256x2048xf32>
      %mul3A_37 = arith.mulf %mul3A, %add3A_31 : vector<256x2048xf32>
      %get3A_38 = arith.constant 0 : index
      %get3A_39 = arith.constant 0 : index
      %get3A_40 = arith.constant 0 : index
      %get3A_41 = vector.load %arg8[%get3A_38, %get3A_39, %get3A_40] : memref<1x2048x1024xf32, #tpu.memory_space<vmem>>, vector<1x2048x1024xf32>
      %get3A_42 = vector.shape_cast %get3A_41 : vector<1x2048x1024xf32> to vector<2048x1024xf32>
      %dot_general3A_43 = arith.constant dense<0.000000e+00> : vector<256x1024xf32>
      %dot_general3A_44 = tpu.matmul %mul3A_37, %get3A_42, %dot_general3A_43 {dimension_numbers = #tpu.dot_dimension_numbers<[1], [0], [0], [1], [0, 0, 1, 1], [], []>, transpose_lhs_hint = false} : vector<256x2048xf32>, vector<2048x1024xf32>, vector<256x1024xf32> -> vector<256x1024xf32>
      %get3A_45 = arith.constant 0 : index
      %get3A_46 = arith.constant 0 : index
      %get3A_47 = arith.constant 0 : index
      %get3A_48 = vector.load %arg9[%get3A_45, %get3A_46, %get3A_47] : memref<1x1x1024xf32, #tpu.memory_space<vmem>>, vector<1x1x1024xf32>
      %get3A_49 = vector.shape_cast %get3A_48 : vector<1x1x1024xf32> to vector<1x1024xf32>
      %add3A_50 = vector.broadcast %get3A_49 : vector<1x1024xf32> to vector<256x1024xf32>
      %add3A_51 = arith.addf %dot_general3A_44, %add3A_50 : vector<256x1024xf32>
      %get3A_52 = arith.constant 0 : index
      %get3A_53 = arith.constant 0 : index
      %get3A_54 = arith.constant 0 : index
      %get3A_55 = vector.load %arg10[%get3A_52, %get3A_53, %get3A_54] : memref<1x256x1xf32, #tpu.memory_space<vmem>>, vector<1x256x1xf32>
      %get3A_56 = vector.shape_cast %get3A_55 : vector<1x256x1xf32> to vector<256x1xf32>
      %mul3A_57 = vector.broadcast %get3A_56 : vector<256x1xf32> to vector<256x1024xf32>
      %mul3A_58 = arith.mulf %add3A_51, %mul3A_57 : vector<256x1024xf32>
      %swap3A = arith.constant 0 : index
      %swap3A_59 = arith.constant 0 : index
      %swap3A_60 = vector.load %arg11[%swap3A, %swap3A_59] : memref<256x1024xf32, #tpu.memory_space<vmem>>, vector<256x1024xf32>
      tpu.vector_store %arg11[%swap3A, %swap3A_59], %mul3A_58 {strides = array<i32>} : memref<256x1024xf32, #tpu.memory_space<vmem>>, vector<256x1024xf32>,
    } else {
    }
    return
  }
  func.func @transform_0(%arg0: i32, %arg1: memref<24xi32, #tpu.memory_space<smem>>, %arg2: memref<24xi32, #tpu.memory_space<smem>>) -> (i32, i32) {
    %c0_i32 = arith.constant 0 : i32
    %c0_i32_0 = arith.constant 0 : i32
    return %arg0, %c0_i32 : i32, i32
  }
  func.func @transform_1(%arg0: i32, %arg1: memref<24xi32, #tpu.memory_space<smem>>, %arg2: memref<24xi32, #tpu.memory_space<smem>>) -> (i32, i32, i32) {
    %get3A = arith.index_cast %arg0 : i32 to index
    %get3A_0 = memref.load %arg1[%get3A] : memref<24xi32, #tpu.memory_space<smem>>
    %c0_i32 = arith.constant 0 : i32
    %c0_i32_1 = arith.constant 0 : i32
    %c0_i32_2 = arith.constant 0 : i32
    return %get3A_0, %c0_i32, %c0_i32_1 : i32, i32, i32
  }
  func.func @transform_2(%arg0: i32, %arg1: memref<24xi32, #tpu.memory_space<smem>>, %arg2: memref<24xi32, #tpu.memory_space<smem>>) -> (i32, i32, i32) {
    %get3A = arith.index_cast %arg0 : i32 to index
    %get3A_0 = memref.load %arg1[%get3A] : memref<24xi32, #tpu.memory_space<smem>>
    %c0_i32 = arith.constant 0 : i32
    %c0_i32_1 = arith.constant 0 : i32
    %c0_i32_2 = arith.constant 0 : i32
    return %get3A_0, %c0_i32, %c0_i32_1 : i32, i32, i32
  }
  func.func @transform_3(%arg0: i32, %arg1: memref<24xi32, #tpu.memory_space<smem>>, %arg2: memref<24xi32, #tpu.memory_space<smem>>) -> (i32, i32, i32) {
    %get3A = arith.index_cast %arg0 : i32 to index
    %get3A_0 = memref.load %arg1[%get3A] : memref<24xi32, #tpu.memory_space<smem>>
    %c0_i32 = arith.constant 0 : i32
    %c0_i32_1 = arith.constant 0 : i32
    %c0_i32_2 = arith.constant 0 : i32
    return %get3A_0, %c0_i32, %c0_i32_1 : i32, i32, i32
  }
  func.func @transform_4(%arg0: i32, %arg1: memref<24xi32, #tpu.memory_space<smem>>, %arg2: memref<24xi32, #tpu.memory_space<smem>>) -> (i32, i32, i32) {
    %get3A = arith.index_cast %arg0 : i32 to index
    %get3A_0 = memref.load %arg1[%get3A] : memref<24xi32, #tpu.memory_space<smem>>
    %c0_i32 = arith.constant 0 : i32
    %c0_i32_1 = arith.constant 0 : i32
    %c0_i32_2 = arith.constant 0 : i32
    return %get3A_0, %c0_i32, %c0_i32_1 : i32, i32, i32
  }
  func.func @transform_5(%arg0: i32, %arg1: memref<24xi32, #tpu.memory_space<smem>>, %arg2: memref<24xi32, #tpu.memory_space<smem>>) -> (i32, i32, i32) {
    %get3A = arith.index_cast %arg0 : i32 to index
    %get3A_0 = memref.load %arg1[%get3A] : memref<24xi32, #tpu.memory_space<smem>>
    %c0_i32 = arith.constant 0 : i32
    %c0_i32_1 = arith.constant 0 : i32
    %c0_i32_2 = arith.constant 0 : i32
    return %get3A_0, %c0_i32, %c0_i32_1 : i32, i32, i32
  }
  func.func @transform_6(%arg0: i32, %arg1: memref<24xi32, #tpu.memory_space<smem>>, %arg2: memref<24xi32, #tpu.memory_space<smem>>) -> (i32, i32, i32) {
    %get3A = arith.index_cast %arg0 : i32 to index
    %get3A_0 = memref.load %arg1[%get3A] : memref<24xi32, #tpu.memory_space<smem>>
    %c0_i32 = arith.constant 0 : i32
    %c0_i32_1 = arith.constant 0 : i32
    %c0_i32_2 = arith.constant 0 : i32
    return %get3A_0, %c0_i32, %c0_i32_1 : i32, i32, i32
  }
  func.func @transform_7(%arg0: i32, %arg1: memref<24xi32, #tpu.memory_space<smem>>, %arg2: memref<24xi32, #tpu.memory_space<smem>>) -> (i32, i32, i32) {
    %c0_i32 = arith.constant 0 : i32
    %c0_i32_0 = arith.constant 0 : i32
    %c0_i32_1 = arith.constant 0 : i32
    return %arg0, %c0_i32, %c0_i32_0 : i32, i32, i32
  }
  func.func @transform_8(%arg0: i32, %arg1: memref<24xi32, #tpu.memory_space<smem>>, %arg2: memref<24xi32, #tpu.memory_space<smem>>) -> (i32, i32) {
    %c0_i32 = arith.constant 0 : i32
    %c0_i32_0 = arith.constant 0 : i32
    return %arg0, %c0_i32 : i32, i32
  }
}

</mosaic_0001>

<sc_bundles>
// kernel: kernel.10.cloned.1.call-start
scs
__scs_entry_jumppad:
0x0: {  	(pc) =	sbr.rel $0x88, $3  }
0x1: {  	(tag) =	ssettag $0x0;
	lr =	simm.s32 $0x1  }
0x2: {  	[smem:$0x3F98] =	sst lr;
	_ =	strace $0xD0000000  }
0x3: {  	_ = 	snop  }
0x4: {  	_ = 	snop  }
0x5: {  	_ = 	snop  }
0x6: {  	_ = 	snop  }
0x7: {  	_ = 	snop  }
__scs_overlays_trampoline_lowered:
0x8: {  	[smem:$0x3FA7] =	sst s0  }
0x9: {  	[smem:$0x3FA8] =	sst s1  }
0xa: {  	[smem:$0x3FA9] =	sst s2  }
0xb: {  	[smem:$0x3FAA] =	sst s3  }
0xc: {  	[smem:$0x3FAB] =	sst s4  }
0xd: {  	[smem:$0x3FAC] =	sst s5  }
0xe: {  	[smem:$0x3FAD] =	sst s6  }
0xf: {  	[smem:$0x3FAE] =	sst s7  }
0x10: {  	[smem:$0x3FAF] =	sst s8  }
0x11: {  	[smem:$0x3FB0] =	sst s9;
	s0 =	simm.s32 @!p0 $0x0  }
0x12: {  	s1 =	sld [smem:$0x3F96];
	s0 =	simm.s32 @p0 $0x1  }
0x13: {  	[smem:$0x3FB1] =	sst s0;
	s0 =	simm.s32 @!p1 $0x0  }
0x14: {  	s2 =	sld [smem:$0x3F95];
	s0 =	simm.s32 @p1 $0x1  }
0x15: {  	[smem:$0x3FB2] =	sst s0;
	s0 =	simm.s32 @!p2 $0x0  }
0x16: {  	s3 =	sld [smem:$0x3FDB];
	s0 =	simm.s32 @p2 $0x1  }
0x17: {  	s4 =	simm.s32 $0x1BF5;
	[smem:$0x3FB4] =	sst s0  }
0x18: {  	s0 =	sld [smem:$0x3F97];
	_ =	swait.ge [sflag:s4], $0x0  }
0x19: {  	s7 =	sld [smem:$0x3F98]  }
0x1a: {  	s8 =	sadd.s32 $0xFFFFE003, lr  }
0x1b: {  	s9 =	sadd.s32 $0xFFFFFEF7, lr;
	s5 =	simm.s32 $0xFFFFFFFF;
	p2 =	slt.u32 s8, $0xFFFFF086  }
0x1c: {  	p1 =	slt.u32 s9, $0xF7A;
	s5 =	simm.s32 @!p2 $0x0  }
0x1d: {  	s5 =	simm.s32 @p1 $0x1;
	p0 =	seq.s32 s7, s2  }
0x1e: {  	s7 =	smul.u32 @!p0 $0xF7A, s2;
	p2 =	seq.s32 @!p0 s5, $0x0  }
0x1f: {  	s9 =	smul.u32 $0xF7A, s1;
	s8 =	simm.s32 @!p0 $0x1BF5;
	p2 =	por !p2, p0  }
0x20: {  	[sflag:s8] =	ssyncset.s32 @!p0 $0xFFFFF086;
	s6 =	sadd.s32 @!p0 s3, s7;
	s7 =	simm.s32 @!p0 $0x108  }
0x21: {  	s3 =	sadd.s32 s3, s9;
	s6 =	sadd.s32 @!p0 $0x88, s6;
	s7 =	simm.s32 @p2 $0x1082  }
0x22: {  	[simem:s7], [sflag:s8] =	dma.local @!p0 [hbm:s6], $0xF7A  }
0x23: {  	s9 =	sor.u32 $0xD0000000, s2;
	s6 =	simm.s32 $0x108;
	_ =	swait.ge @!p0 [sflag:s8], $0x0  }
0x24: {  	s3 =	sadd.s32 $0x88, s3;
	s6 =	simm.s32 @!p1 $0x1082;
	[sflag:s4] =	ssyncset.s32 $0xFFFFF086  }
0x25: {  	[simem:s6], [sflag:s4] =	dma.local [hbm:s3], $0xF7A  }
0x26: {  	[smem:$0x3F98] =	sst s1;
	(tag) =	ssettag s2;
	_ =	strace s9  }
0x27: {  	s1 =	sld [smem:$0x3FA8]  }
0x28: {  	s2 =	sld [smem:$0x3FA9]  }
0x29: {  	s4 =	sld [smem:$0x3FAB]  }
0x2a: {  	p0 =	seq.s32 s5, $0x0;
	s5 =	sld [smem:$0x3FAC]  }
0x2b: {  	s6 =	sld [smem:$0x3FAD]  }
0x2c: {  	s7 =	sld [smem:$0x3FAE]  }
0x2d: {  	s3 =	simm.s32 $0x108;
	s8 =	sld [smem:$0x3FAF]  }
0x2e: {  	s3 =	simm.s32 @!p0 $0x1082;
	s9 =	sld [smem:$0x3FB0]  }
0x2f: {  	lr =	sadd.s32 s0, s3;
	s0 =	sld [smem:$0x3FA7]  }
0x30: {  	s3 =	sld [smem:$0x3FAA]  }
0x31: {  	[smem:$0x3FB3] =	sst s10  }
0x32: {  	s10 =	sld [smem:$0x3FB1];
	_ =	sdelay $0x3  }
0x33: {  	p0 =	seq.s32 s10, $0x1;
	s10 =	sld [smem:$0x3FB3];
	_ =	sdelay $0x3  }
0x34: {  	[smem:$0x3FB3] =	sst s10  }
0x35: {  	s10 =	sld [smem:$0x3FB2];
	_ =	sdelay $0x3  }
0x36: {  	p1 =	seq.s32 s10, $0x1;
	s10 =	sld [smem:$0x3FB3];
	_ =	sdelay $0x3  }
0x37: {  	[smem:$0x3FB3] =	sst s10  }
0x38: {  	s10 =	sld [smem:$0x3FB4]  }
0x39: {  	_ = 	snop;
	(pc) =	sbr.ind lr, $3  }
0x3a: {  	_ = 	snop  }
0x3b: {  	_ = 	snop  }
0x3c: {  	p2 =	seq.s32 s10, $0x1;
	s10 =	sld [smem:$0x3FB3]  }
0x3d: {  	_ =	shalt  }
0x3e: {  	_ =	shalt  }
0x3f: {  	_ =	shalt  }
0x40: {  	_ =	shalt  }
0x41: {  	_ =	shalt  }
0x42: {  	_ =	shalt  }
0x43: {  	_ =	shalt  }
0x44: {  	_ =	shalt  }
0x45: {  	_ =	shalt  }
0x46: {  	_ =	shalt  }
0x47: {  	_ =	shalt  }
0x48: {  	_ =	shalt  }
0x49: {  	_ =	shalt  }
0x4a: {  	_ =	shalt  }
0x4b: {  	_ =	shalt  }
0x4c: {  	_ =	shalt  }
0x4d: {  	_ =	shalt  }
0x4e: {  	_ =	shalt  }
0x4f: {  	_ =	shalt  }
0x50: {  	_ =	shalt  }
0x51: {  	_ =	shalt  }
0x52: {  	_ =	shalt  }
0x53: {  	_ =	shalt  }
0x54: {  	_ =	shalt  }
0x55: {  	_ =	shalt  }
0x56: {  	_ =	shalt  }
0x57: {  	_ =	shalt  }
0x58: {  	_ =	shalt  }
0x59: {  	_ =	shalt  }
0x5a: {  	_ =	shalt  }
0x5b: {  	_ =	shalt  }
0x5c: {  	_ =	shalt  }
0x5d: {  	_ =	shalt  }
0x5e: {  	_ =	shalt  }
0x5f: {  	_ =	shalt  }
0x60: {  	_ =	shalt  }
0x61: {  	_ =	shalt  }
0x62: {  	_ =	shalt  }
0x63: {  	_ =	shalt  }
0x64: {  	_ =	shalt  }
0x65: {  	_ =	shalt  }
0x66: {  	_ =	shalt  }
0x67: {  	_ =	shalt  }
0x68: {  	_ =	shalt  }
0x69: {  	_ =	shalt  }
0x6a: {  	_ =	shalt  }
0x6b: {  	_ =	shalt  }
0x6c: {  	_ =	shalt  }
0x6d: {  	_ =	shalt  }
0x6e: {  	_ =	shalt  }
0x6f: {  	_ =	shalt  }
0x70: {  	_ =	shalt  }
0x71: {  	_ =	shalt  }
0x72: {  	_ =	shalt  }
0x73: {  	_ =	shalt  }
0x74: {  	_ =	shalt  }
0x75: {  	_ =	shalt  }
0x76: {  	_ =	shalt  }
0x77: {  	_ =	shalt  }
0x78: {  	_ =	shalt  }
0x79: {  	_ =	shalt  }
0x7a: {  	_ =	shalt  }
0x7b: {  	_ =	shalt  }
0x7c: {  	_ =	shalt  }
0x7d: {  	_ =	shalt  }
0x7e: {  	_ =	shalt  }
0x7f: {  	_ =	shalt  }
0x80: {  	_ =	shalt  }
0x81: {  	_ =	shalt  }
0x82: {  	_ =	shalt  }
0x83: {  	_ =	shalt  }
0x84: {  	_ =	shalt  }
0x85: {  	_ =	shalt  }
0x86: {  	_ =	shalt  }
0x87: {  	_ =	shalt  }
.Lfunc_end0:
.L_simem_size_0:
called_computation.1_lowered:
.L_overlay_start_0:
0x88: {  	s2 =	sld [smem:$0x3FD9]  }
0x89: {  	s3 =	sld [smem:$0x3FFE];
	_ =	sdelay $0x1  }
0x8a: {  	s1 =	srdreg.scid  }
0x8b: {  	s0 =	sand.u32 $0x1, s1  }
0x8c: {  	s14 =	sshll.u32 s0, $0xA;
	s2 =	sadd.s32 s3, s2  }
0x8d: {  	s2 =	sadd.s32 s2, s14  }
0x8e: {  	[smem:$0x3FBF] =	sst s2  }
0x8f: {  	_ = 	snop  }
0x90: {  	s2 =	sld [smem:$0x3FD0];
	_ =	sdelay $0x2  }
0x91: {  	s15 =	simm.s32 $0xA;
	s4 =	simm.s32 $0x10  }
0x92: {  	[smem:s4], [sflag:s15] =	dma.local [hbm:s2], $0x1  }
0x93: {  	_ =	swait.eq [sflag:s15], $0x1  }
0x94: {  	[sflag:s15] =	ssyncset.done $0x0  }
0x95: {  	[sflag:s15] =	ssyncadd.s32 $0xFFFFFFFF  }
0x96: {  	s16 =	sld [smem:$0x10];
	(tm) =	ssettm $0x1  }
0x97: {  	s17 =	sld [smem:$0x3FFB];
	_ =	sdelay $0x3  }
0x98: {  	_ =	strace s17  }
0x99: {  	s3 =	sld [smem:$0x3FFC];
	_ =	sdelay $0x3  }
0x9a: {  	_ =	strace s3  }
0x9b: {  	s3 =	sld [smem:$0x3FFD];
	_ =	sdelay $0x3  }
0x9c: {  	_ =	strace s3  }
0x9d: {  	_ =	strace $0x8FFFFFFF  }
0x9e: {  	s18 =	sld [smem:$0x3FDB];
	_ =	sdelay $0x1  }
0x9f: {  	s19 =	simm.s32 $_scs_section_size  }
0xa0: {  	s5 =	simm.s32 $_size__tile_overlayer_lowered;
	s6 =	simm.s32 $_tile_overlayer_lowered  }
0xa1: {  	s22 =	simm.s32 $0x1BFF;
	s21 =	sshll.u32 s6, $0x1;
	s3 =	sadd.s32 s19, s18  }
0xa2: {  	s7 =	simm.s32 $0x0;
	s20 =	sshll.u32 s5, $0x1;
	s5 =	sadd.s32 s21, s3  }
0xa3: {  	[timem:s7], [sflag:s22] =	dma.local [hbm:s5], s20  }
0xa4: {  	_ =	swait.ge [sflag:s22], s20  }
0xa5: {  	s4 =	ssub.s32 $0x0, s20;
	[sflag:s22] =	ssyncset.done $0x0  }
0xa6: {  	[sflag:s22] =	ssyncadd.s32 s4;
	_ =	sdelay $0x1  }
0xa7: {  	s23 =	simm.s32 $0x1B8B  }
0xa8: {  	_ =	swait.ge [sflag:s23], $0x1  }
0xa9: {  	[sflag:s23] =	ssyncset.done $0x0  }
0xaa: {  	s25 =	simm.s32 $0x1B8E;
	s24 =	sld [smem:$0x3FFE];
	[sflag:s23] =	ssyncadd.s32 $0xFFFFFFFF  }
0xab: {  	s26 =	simm.s32 $execute0_lowered;
	[smem:$0x3FD2] =	sst s25  }
0xac: {  	s5 =	sshll.u32 s26, $0x1;
	_ =	strace $0x80000049;
	[dreg:$0x1] =	wrdreg $0xFFFFFFFF  }
0xad: {  	s28 =	simm.s32 $_size_execute0_lowered;
	s3 =	sadd.s32 s3, s5;
	[dreg:$0x0] =	wrdreg $0x0  }
0xae: {  	s5 =	sshll.u32 s28, $0x1;
	[dreg:$0x2] =	wrdreg s3  }
0xaf: {  	[dreg:$0x3] =	wrdreg s5  }
0xb0: {  	[dreg:$0x4] =	wrdreg $0xC0  }
0xb1: {  	_ =	task [dreg:s7], $0x5FFFF  }
0xb2: {  	[dreg:$0x1] =	wrdreg $0xFFFFFFFF  }
0xb3: {  	[dreg:$0x0] =	wrdreg $0x60  }
0xb4: {  	[dreg:$0x2] =	wrdreg s24  }
0xb5: {  	[dreg:$0x3] =	wrdreg s16  }
0xb6: {  	[dreg:$0x4] =	wrdreg $0x9  }
0xb7: {  	_ =	task.clear_ibuf [dreg:s7], $0x5FFFF;
	_ =	strace $0x90000049  }
0xb8: {  	s29 =	simm.s32 $0x9;
	_ =	strace $0x8000004B  }
0xb9: {  	_ =	swait.ge [sflag:s29], $0x1  }
0xba: {  	[sflag:s29] =	ssyncadd.s32 $0xFFFFFFFF  }
0xbb: {  	_ =	strace $0x9000004B  }
0xbc: {  	_ =	sfence  }
0xbd: {  	s30 =	sld [smem:$0x0];
	_ =	sdelay $0x2  }
0xbe: {  	s31 =	sshll.u32 s1, $0xD;
	s1 =	sshrl.u32 s1, $0x2  }
0xbf: {  	s3 =	sand.u32 $0x4000, s31;
	s1 =	sadd.s32 s1, s30  }
0xc0: {  	s0 =	sor.u32 s3, s0;
	s1 =	sshll.u32 s1, $0x11  }
0xc1: {  	s0 =	sor.u32 s1, s0  }
0xc2: {  	s0 =	sadd.s32 $0x8F2B, s0  }
0xc3: {  	[sflag:s0] =	ssyncadd.remote.s32 $0x1  }
0xc4: {  	_ =	sfence.sel $0xFFFF  }
0xc5: {  	[dreg:$0x0] =	wrdreg $0xFFFFFFFF;
	(pc) =	sbr.abs _section_cstart, $3  }
0xc6: {  	[dreg:$0x1] =	wrdreg $0xFFFFFFFF  }
0xc7: {  	_ =	task.clear_ibuf [dreg:s7], $0x2FFFF;
	_ =	strace $0x9FFFFFFF  }
0xc8: {  	(tm) =	ssettm $0x7FFFFFFF  }
0xc9: {  	_ =	shalt  }
tec
execute0_lowered:
.L_overlay_start_1:
0x0: {  	(tag) =	ssettag $0x1  }
0x1: {  	s0 =	rddreg [dreg:$0x0];
	s1 =	simm.s32 $0x0;
	s30 =	srdreg.scid  }
0x2: {  	s5 =	stileid.u32;
	s12 =	simm.s32 $0x2;
	s11 =	simm.s32 $0x9900  }
0x3: {  	s13 =	simm.s32 $0xB100;
	s14 =	simm.s32 $0xB900;
	s15 =	simm.s32 $0xC100  }
0x4: {  	s16 =	simm.s32 $0xC900;
	s17 =	simm.s32 $0xD100;
	s18 =	simm.s32 $0xD900  }
0x5: {  	s19 =	simm.s32 $0xE100;
	s20 =	simm.s32 $0xE900;
	s21 =	simm.s32 $0xF100  }
0x6: {  	s22 =	simm.s32 $0xF900;
	s23 =	simm.s32 $0x1;
	s24 =	simm.s32 $0x10100  }
0x7: {  	s25 =	simm.s32 $0x0;
	[smem:$0x7FF] =	sst s1;
	s1 =	sand.u32 $0x1, s30  }
0x8: {  	s4 =	sadd.s32 $0xC2600, s0;
	s6 =	sshll.u32 s5, $0x7;
	s5 =	sadd.s32 $0x800, s0  }
0x9: {  	s7 =	sadd.s32 $0x900, s0;
	s8 =	sadd.s32 $0xC2700, s0;
	s2 =	ssub.s32 $0x2, s1  }
0xa: {  	s9 =	sadd.s32 $0xC2800, s0;
	s10 =	sadd.s32 $0xC2900, s0;
	s3 =	sshrl.u32 s2, $0x1  }
0xb: {  	v2 =	vlaneseq.u32;
	_ =	strace $0x8000004A;
	s1 =	sshll.u32 s1, $0x6;
	s2 =	ssub.s32 s2, s3  }
0xc: {  	vm0 =	vmmov $0xffff;
	v1 =	vshrl.u32 v2, $0x3;
	s6 =	sor.u32 s1, s6;
	s1 =	simm.s32 $0xA100;
	s31 =	smax.u32 s2, $0x1  }
0xd: {  	v0 =	vand.u32 $0x7, v2;
	v2 =	vor.u32 $0x8, v2;
	v1 =	vmul.u32 $0x8, v1;
	s3 =	simm.s32 $0x9100;
	s2 =	simm.s32 $0xA900;
	[dreg:$0x3] =	wrdreg s31  }
.LBB2_1:
0xe: {  	[dreg:$0x4] =	wrdreg s25;
	p1 =	por $0x1, $0x1;
	s25 =	simm.s32 $0x0  }
.LBB2_2:
0xf: {  	s25 =	sor.u32 s6, s25  }
0x10: {  	s28 =	sshrl.u32 s25, $0x3  }
0x11: {  	s26 =	simm.s32 $0x0;
	s29 =	sadd.s32 s5, s28  }
0x12: {  	[tilespmem:s26], [sflag:$0x2] =	stream.linear.gather [hbm4b:s29+s26], $0x20, $0x38;
	[tilespmem:$0x18100] =	vst v63  }
0x13: {  	_ =	swait.ge [sflag:s12], $0x20  }
0x14: {  	[sflag:s12] =	ssyncset.done $0x0  }
0x15: {  	s0 =	simm.s32 $0x80;
	s28 =	sadd.s32 s28, s7;
	[sflag:s12] =	ssyncadd.s32 $0xFFFFFFE0  }
0x16: {  	[tilespmem:s0], [sflag:$0x2] =	stream.linear.gather [hbm4b:s28+s26], $0x20, $0x38;
	[tilespmem:$0x18100] =	vst v63  }
0x17: {  	_ =	swait.ge [sflag:s12], $0x20  }
0x18: {  	[sflag:s12] =	ssyncset.done $0x0  }
0x19: {  	[sflag:s12] =	ssyncadd.s32 $0xFFFFFFE0  }
0x1a: {  	v3 =	vld [tilespmem:$0x0];
	_ =	sdelay $0x4  }
0x1b: {  	v4 =	vshll.u32 v3, $0x3  }
0x1c: {  	v3 =	vand.u32 $0x7, v3;
	v4 =	vand.u32 $0xFFFFFFC0, v4  }
0x1d: {  	v3 =	vor.u32 v3, v4  }
0x1e: {  	v4 =	vperm.xlane v3, v0;
	_ =	sdelay $0x1  }
0x1f: {  	v4 =	vadd.s32 v1, v4;
	_ =	sdelay $0x3  }
0x20: {  	s31 =	simm.s32 $0x100  }
0x21: {  	[tilespmem:s31], [sflag:$0x1] =	stream.indirect_vreg.gather [hbm4b:s4+s26], $0x80, v4, vm0, $0xb8;
	[tilespmem:$0x18100] =	vst v63  }
0x22: {  	v3 =	vperm.xlane v3, v2;
	s31 =	simm.s32 $0x900  }
0x23: {  	[tilespmem:s31], [sflag:$0x1] =	stream.indirect_vreg.gather [hbm4b:s8+s26], $0x80, v4, vm0, $0xb8;
	[tilespmem:$0x18100] =	vst v63  }
0x24: {  	v3 =	vadd.s32 v1, v3;
	s31 =	simm.s32 $0x1100  }
0x25: {  	[tilespmem:s31], [sflag:$0x1] =	stream.indirect_vreg.gather [hbm4b:s9+s26], $0x80, v4, vm0, $0xb8;
	[tilespmem:$0x18100] =	vst v63  }
0x26: {  	s31 =	simm.s32 $0x1900  }
0x27: {  	[tilespmem:s31], [sflag:$0x1] =	stream.indirect_vreg.gather [hbm4b:s10+s26], $0x80, v4, vm0, $0xb8;
	[tilespmem:$0x18100] =	vst v63  }
0x28: {  	s31 =	simm.s32 $0x2100  }
0x29: {  	[tilespmem:s31], [sflag:$0x1] =	stream.indirect_vreg.gather [hbm4b:s4+s26], $0x80, v3, vm0, $0xb8;
	[tilespmem:$0x18100] =	vst v63  }
0x2a: {  	s31 =	simm.s32 $0x2900  }
0x2b: {  	[tilespmem:s31], [sflag:$0x1] =	stream.indirect_vreg.gather [hbm4b:s8+s26], $0x80, v3, vm0, $0xb8;
	[tilespmem:$0x18100] =	vst v63  }
0x2c: {  	s31 =	simm.s32 $0x3100  }
0x2d: {  	[tilespmem:s31], [sflag:$0x1] =	stream.indirect_vreg.gather [hbm4b:s9+s26], $0x80, v3, vm0, $0xb8;
	[tilespmem:$0x18100] =	vst v63  }
0x2e: {  	s31 =	simm.s32 $0x3900  }
0x2f: {  	[tilespmem:s31], [sflag:$0x1] =	stream.indirect_vreg.gather [hbm4b:s10+s26], $0x80, v3, vm0, $0xb8;
	[tilespmem:$0x18100] =	vst v63  }
0x30: {  	v3 =	vld [tilespmem:$0x10];
	_ =	sdelay $0x4  }
0x31: {  	v61 =	vshll.u32 v3, $0x3  }
0x32: {  	v3 =	vand.u32 $0x7, v3;
	v4 =	vand.u32 $0xFFFFFFC0, v61  }
0x33: {  	v3 =	vor.u32 v3, v4  }
0x34: {  	v4 =	vperm.xlane v3, v0;
	_ =	sdelay $0x1  }
0x35: {  	v4 =	vadd.s32 v1, v4;
	_ =	sdelay $0x3  }
0x36: {  	s31 =	simm.s32 $0x4100  }
0x37: {  	[tilespmem:s31], [sflag:$0x1] =	stream.indirect_vreg.gather [hbm4b:s4+s26], $0x80, v4, vm0, $0xb8;
	[tilespmem:$0x18100] =	vst v63  }
0x38: {  	v3 =	vperm.xlane v3, v2;
	s31 =	simm.s32 $0x4900  }
0x39: {  	[tilespmem:s31], [sflag:$0x1] =	stream.indirect_vreg.gather [hbm4b:s8+s26], $0x80, v4, vm0, $0xb8;
	[tilespmem:$0x18100] =	vst v63  }
0x3a: {  	v3 =	vadd.s32 v1, v3;
	s31 =	simm.s32 $0x5100  }
0x3b: {  	[tilespmem:s31], [sflag:$0x1] =	stream.indirect_vreg.gather [hbm4b:s9+s26], $0x80, v4, vm0, $0xb8;
	[tilespmem:$0x18100] =	vst v63  }
0x3c: {  	s31 =	simm.s32 $0x5900  }
0x3d: {  	[tilespmem:s31], [sflag:$0x1] =	stream.indirect_vreg.gather [hbm4b:s10+s26], $0x80, v4, vm0, $0xb8;
	[tilespmem:$0x18100] =	vst v63  }
0x3e: {  	s31 =	simm.s32 $0x6100  }
0x3f: {  	[tilespmem:s31], [sflag:$0x1] =	stream.indirect_vreg.gather [hbm4b:s4+s26], $0x80, v3, vm0, $0xb8;
	[tilespmem:$0x18100] =	vst v63  }
0x40: {  	s31 =	simm.s32 $0x6900  }
0x41: {  	[tilespmem:s31], [sflag:$0x1] =	stream.indirect_vreg.gather [hbm4b:s8+s26], $0x80, v3, vm0, $0xb8;
	[tilespmem:$0x18100] =	vst v63  }
0x42: {  	s31 =	simm.s32 $0x7100  }
0x43: {  	[tilespmem:s31], [sflag:$0x1] =	stream.indirect_vreg.gather [hbm4b:s9+s26], $0x80, v3, vm0, $0xb8;
	[tilespmem:$0x18100] =	vst v63  }
0x44: {  	s31 =	simm.s32 $0x7900  }
0x45: {  	[tilespmem:s31], [sflag:$0x1] =	stream.indirect_vreg.gather [hbm4b:s10+s26], $0x80, v3, vm0, $0xb8;
	[tilespmem:$0x18100] =	vst v63  }
0x46: {  	v3 =	vld [tilespmem:$0x80];
	_ =	sdelay $0x4  }
0x47: {  	v62 =	vshll.u32 v3, $0x3  }
0x48: {  	v3 =	vand.u32 $0x7, v3;
	v4 =	vand.u32 $0xFFFFFFC0, v62  }
0x49: {  	v3 =	vor.u32 v3, v4  }
0x4a: {  	v4 =	vperm.xlane v3, v0;
	_ =	sdelay $0x1  }
0x4b: {  	v4 =	vadd.s32 v1, v4;
	_ =	sdelay $0x3  }
0x4c: {  	s31 =	simm.s32 $0x8100  }
0x4d: {  	[tilespmem:s31], [sflag:$0x1] =	stream.indirect_vreg.gather [hbm4b:s4+s26], $0x80, v4, vm0, $0xb8;
	[tilespmem:$0x18100] =	vst v63  }
0x4e: {  	v3 =	vperm.xlane v3, v2;
	s31 =	simm.s32 $0x8900  }
0x4f: {  	[tilespmem:s31], [sflag:$0x1] =	stream.indirect_vreg.gather [hbm4b:s8+s26], $0x80, v4, vm0, $0xb8;
	[tilespmem:$0x18100] =	vst v63  }
0x50: {  	v3 =	vadd.s32 v1, v3  }
0x51: {  	[tilespmem:s3], [sflag:$0x1] =	stream.indirect_vreg.gather [hbm4b:s9+s26], $0x80, v4, vm0, $0xb8;
	[tilespmem:$0x18100] =	vst v63  }
0x52: {  	_ = 	snop  }
0x53: {  	[tilespmem:s11], [sflag:$0x1] =	stream.indirect_vreg.gather [hbm4b:s10+s26], $0x80, v4, vm0, $0xb8;
	[tilespmem:$0x18100] =	vst v63  }
0x54: {  	_ = 	snop  }
0x55: {  	[tilespmem:s1], [sflag:$0x1] =	stream.indirect_vreg.gather [hbm4b:s4+s26], $0x80, v3, vm0, $0xb8;
	[tilespmem:$0x18100] =	vst v63  }
0x56: {  	_ = 	snop  }
0x57: {  	[tilespmem:s2], [sflag:$0x1] =	stream.indirect_vreg.gather [hbm4b:s8+s26], $0x80, v3, vm0, $0xb8;
	[tilespmem:$0x18100] =	vst v63  }
0x58: {  	_ = 	snop  }
0x59: {  	[tilespmem:s13], [sflag:$0x1] =	stream.indirect_vreg.gather [hbm4b:s9+s26], $0x80, v3, vm0, $0xb8;
	[tilespmem:$0x18100] =	vst v63  }
0x5a: {  	_ = 	snop  }
0x5b: {  	[tilespmem:s14], [sflag:$0x1] =	stream.indirect_vreg.gather [hbm4b:s10+s26], $0x80, v3, vm0, $0xb8;
	[tilespmem:$0x18100] =	vst v63  }
0x5c: {  	v3 =	vld [tilespmem:$0x90];
	_ =	sdelay $0x4  }
0x5d: {  	v63 =	vshll.u32 v3, $0x3  }
0x5e: {  	v3 =	vand.u32 $0x7, v3;
	v4 =	vand.u32 $0xFFFFFFC0, v63  }
0x5f: {  	v3 =	vor.u32 v3, v4  }
0x60: {  	v4 =	vperm.xlane v3, v0;
	_ =	sdelay $0x1  }
0x61: {  	v4 =	vadd.s32 v1, v4;
	_ =	sdelay $0x4  }
0x62: {  	[tilespmem:s15], [sflag:$0x1] =	stream.indirect_vreg.gather [hbm4b:s4+s26], $0x80, v4, vm0, $0xb8;
	[tilespmem:$0x18100] =	vst v63  }
0x63: {  	v3 =	vperm.xlane v3, v2  }
0x64: {  	[tilespmem:s16], [sflag:$0x1] =	stream.indirect_vreg.gather [hbm4b:s8+s26], $0x80, v4, vm0, $0xb8;
	[tilespmem:$0x18100] =	vst v63  }
0x65: {  	v3 =	vadd.s32 v1, v3  }
0x66: {  	[tilespmem:s17], [sflag:$0x1] =	stream.indirect_vreg.gather [hbm4b:s9+s26], $0x80, v4, vm0, $0xb8;
	[tilespmem:$0x18100] =	vst v63  }
0x67: {  	_ = 	snop  }
0x68: {  	[tilespmem:s18], [sflag:$0x1] =	stream.indirect_vreg.gather [hbm4b:s10+s26], $0x80, v4, vm0, $0xb8;
	[tilespmem:$0x18100] =	vst v63  }
0x69: {  	_ = 	snop  }
0x6a: {  	[tilespmem:s19], [sflag:$0x1] =	stream.indirect_vreg.gather [hbm4b:s4+s26], $0x80, v3, vm0, $0xb8;
	[tilespmem:$0x18100] =	vst v63  }
0x6b: {  	_ = 	snop  }
0x6c: {  	[tilespmem:s20], [sflag:$0x1] =	stream.indirect_vreg.gather [hbm4b:s8+s26], $0x80, v3, vm0, $0xb8;
	[tilespmem:$0x18100] =	vst v63  }
0x6d: {  	_ = 	snop  }
0x6e: {  	[tilespmem:s21], [sflag:$0x1] =	stream.indirect_vreg.gather [hbm4b:s9+s26], $0x80, v3, vm0, $0xb8;
	[tilespmem:$0x18100] =	vst v63  }
0x6f: {  	_ = 	snop  }
0x70: {  	[tilespmem:s22], [sflag:$0x1] =	stream.indirect_vreg.gather [hbm4b:s10+s26], $0x80, v3, vm0, $0xb8;
	[tilespmem:$0x18100] =	vst v63  }
0x71: {  	_ =	swait.ge [sflag:s23], $0x8000  }
0x72: {  	[sflag:s23] =	ssyncset.done $0x0  }
0x73: {  	[sflag:s23] =	ssyncadd.s32 $0xFFFF8000  }
0x74: {  	_ =	swait.ge [sflag:s23], $0x8000  }
0x75: {  	p0 =	por p1, p1;
	s30 =	simm.s32 $0x0;
	[sflag:s23] =	ssyncset.done $0x0  }
0x76: {  	s29 =	simm.s32 $0x0;
	s28 =	simm.s32 $0xFFFF8000;
	[sflag:s23] =	ssyncadd.s32 $0xFFFF8000  }
.LBB2_3:
0x77: {  	s31 =	sadd.s32 $0x8000, s28  }
0x78: {  	s0 =	sand.u32 $0x380, s30;
	s31 =	sand.u32 $0x6000, s31  }
0x79: {  	s31 =	sor.u32 s0, s31  }
0x7a: {  	v3 =	vld [tilespmem:s31+$0x100]  }
0x7b: {  	v4 =	vld [tilespmem:s31+$0x8100]  }
0x7c: {  	v5 =	vld [tilespmem:s31+$0x110]  }
0x7d: {  	v6 =	vld [tilespmem:s31+$0x8110]  }
0x7e: {  	v7 =	vld [tilespmem:s31+$0x120]  }
0x7f: {  	v8 =	vld [tilespmem:s31+$0x8120]  }
0x80: {  	v9 =	vld [tilespmem:s31+$0x130]  }
0x81: {  	v10 =	vld [tilespmem:s31+$0x8130]  }
0x82: {  	v11 =	vld [tilespmem:s31+$0x140]  }
0x83: {  	v12 =	vld [tilespmem:s31+$0x8140]  }
0x84: {  	v13 =	vld [tilespmem:s31+$0x150]  }
0x85: {  	v14 =	vld [tilespmem:s31+$0x8150]  }
0x86: {  	v15 =	vld [tilespmem:s31+$0x160]  }
0x87: {  	v16 =	vld [tilespmem:s31+$0x8160]  }
0x88: {  	v17 =	vld [tilespmem:s31+$0x170]  }
0x89: {  	v18 =	vld [tilespmem:s31+$0x8170]  }
0x8a: {  	v19 =	vld [tilespmem:s31+$0x500]  }
0x8b: {  	v20 =	vld [tilespmem:s31+$0x8500]  }
0x8c: {  	v21 =	vld [tilespmem:s31+$0x510]  }
0x8d: {  	v22 =	vld [tilespmem:s31+$0x8510]  }
0x8e: {  	v23 =	vld [tilespmem:s31+$0x520]  }
0x8f: {  	v24 =	vld [tilespmem:s31+$0x8520]  }
0x90: {  	v25 =	vld [tilespmem:s31+$0x530]  }
0x91: {  	v26 =	vld [tilespmem:s31+$0x8530]  }
0x92: {  	v27 =	vld [tilespmem:s31+$0x540]  }
0x93: {  	v28 =	vld [tilespmem:s31+$0x8540]  }
0x94: {  	v29 =	vld [tilespmem:s31+$0x550]  }
0x95: {  	v30 =	vld [tilespmem:s31+$0x8550]  }
0x96: {  	v31 =	vld [tilespmem:s31+$0x560]  }
0x97: {  	v32 =	vld [tilespmem:s31+$0x8560]  }
0x98: {  	v33 =	vld [tilespmem:s31+$0x570]  }
0x99: {  	v34 =	vld [tilespmem:s31+$0x8570]  }
0x9a: {  	v35 =	vld [tilespmem:s31+$0x900]  }
0x9b: {  	v36 =	vld [tilespmem:s31+$0x8900]  }
0x9c: {  	v37 =	vld [tilespmem:s31+$0x910]  }
0x9d: {  	v38 =	vld [tilespmem:s31+$0x8910]  }
0x9e: {  	v39 =	vld [tilespmem:s31+$0x920]  }
0x9f: {  	v40 =	vld [tilespmem:s31+$0x8920]  }
0xa0: {  	v41 =	vld [tilespmem:s31+$0x930]  }
0xa1: {  	v42 =	vld [tilespmem:s31+$0x8930]  }
0xa2: {  	v43 =	vld [tilespmem:s31+$0x940]  }
0xa3: {  	v44 =	vld [tilespmem:s31+$0x8940]  }
0xa4: {  	v45 =	vld [tilespmem:s31+$0x950]  }
0xa5: {  	v46 =	vld [tilespmem:s31+$0x8950]  }
0xa6: {  	v47 =	vld [tilespmem:s31+$0x960]  }
0xa7: {  	v48 =	vld [tilespmem:s31+$0x8960]  }
0xa8: {  	v49 =	vld [tilespmem:s31+$0x970]  }
0xa9: {  	v50 =	vld [tilespmem:s31+$0x8970]  }
0xaa: {  	v51 =	vld [tilespmem:s31+$0xD00]  }
0xab: {  	v52 =	vld [tilespmem:s31+$0x8D00]  }
0xac: {  	v53 =	vld [tilespmem:s31+$0xD10]  }
0xad: {  	v54 =	vld [tilespmem:s31+$0x8D10]  }
0xae: {  	v55 =	vld [tilespmem:s31+$0xD20]  }
0xaf: {  	v56 =	vld [tilespmem:s31+$0x8D20]  }
0xb0: {  	v57 =	vld [tilespmem:s31+$0xD30]  }
0xb1: {  	v58 =	vld [tilespmem:s31+$0x8D30]  }
0xb2: {  	v59 =	vld [tilespmem:s31+$0xD40]  }
0xb3: {  	v60 =	vld [tilespmem:s31+$0x8D40]  }
0xb4: {  	v61 =	vld [tilespmem:s31+$0xD50]  }
0xb5: {  	v62 =	vld [tilespmem:s31+$0x8D50]  }
0xb6: {  	v63 =	vld [tilespmem:s31+$0xD60]  }
0xb7: {  	v3 =	vadd.f32 v4, v3;
	v4 =	vld [tilespmem:s31+$0x8D60]  }
0xb8: {  	v5 =	vadd.f32 v6, v5;
	v6 =	vld [tilespmem:s31+$0xD70]  }
0xb9: {  	v14 =	vadd.f32 v14, v13;
	v13 =	vld [tilespmem:s31+$0x9120];
	[tilespmem:s31+$0x10100] =	vst v3  }
0xba: {  	v18 =	vadd.f32 v18, v17;
	v17 =	vld [tilespmem:s31+$0x9140];
	v3 =	vadd.f32 v8, v7;
	[tilespmem:s31+$0x10110] =	vst v5  }
0xbb: {  	v22 =	vadd.f32 v22, v21;
	v21 =	vld [tilespmem:s31+$0x9160];
	[tilespmem:s31+$0x10150] =	vst v14  }
0xbc: {  	v7 =	vld [tilespmem:s31+$0x8D70];
	[tilespmem:s31+$0x10120] =	vst v3;
	v3 =	vadd.f32 v12, v11  }
0xbd: {  	v8 =	vld [tilespmem:s31+$0x1100];
	[tilespmem:s31+$0x10170] =	vst v18  }
0xbe: {  	v5 =	vadd.f32 v10, v9;
	v9 =	vld [tilespmem:s31+$0x9100];
	[tilespmem:s31+$0x10140] =	vst v3;
	v3 =	vadd.f32 v16, v15  }
0xbf: {  	v26 =	vadd.f32 v26, v25;
	v10 =	vld [tilespmem:s31+$0x1110];
	[tilespmem:s31+$0x10510] =	vst v22  }
0xc0: {  	v14 =	vld [tilespmem:s31+$0x1130];
	[tilespmem:s31+$0x10160] =	vst v3;
	v3 =	vadd.f32 v20, v19  }
0xc1: {  	v30 =	vadd.f32 v30, v29;
	[tilespmem:s31+$0x10530] =	vst v26;
	v18 =	vld [tilespmem:s31+$0x1150]  }
0xc2: {  	v19 =	vld [tilespmem:s31+$0x9150];
	[tilespmem:s31+$0x10500] =	vst v3;
	v3 =	vadd.f32 v24, v23  }
0xc3: {  	v34 =	vadd.f32 v34, v33;
	[tilespmem:s31+$0x10550] =	vst v30;
	v22 =	vld [tilespmem:s31+$0x1170]  }
0xc4: {  	v11 =	vld [tilespmem:s31+$0x9110];
	[tilespmem:s31+$0x10520] =	vst v3;
	v3 =	vadd.f32 v28, v27  }
0xc5: {  	[tilespmem:s31+$0x10570] =	vst v34;
	v12 =	vld [tilespmem:s31+$0x1120]  }
0xc6: {  	v15 =	vld [tilespmem:s31+$0x9130];
	[tilespmem:s31+$0x10540] =	vst v3;
	v3 =	vadd.f32 v32, v31  }
0xc7: {  	[tilespmem:s31+$0x10130] =	vst v5;
	v16 =	vld [tilespmem:s31+$0x1140];
	v19 =	vadd.f32 v19, v18  }
0xc8: {  	v20 =	vld [tilespmem:s31+$0x1160];
	[tilespmem:s31+$0x10560] =	vst v3;
	v3 =	vadd.f32 v36, v35  }
0xc9: {  	v24 =	vld [tilespmem:s31+$0x1500];
	[tilespmem:s31+$0x11150] =	vst v19;
	v36 =	vadd.f32 v38, v37  }
0xca: {  	v37 =	vld [tilespmem:s31+$0x9170];
	[tilespmem:s31+$0x10900] =	vst v3;
	v3 =	vadd.f32 v40, v39  }
0xcb: {  	v38 =	vadd.f32 v42, v41;
	v41 =	vld [tilespmem:s31+$0x1510];
	[tilespmem:s31+$0x10910] =	vst v36  }
0xcc: {  	v42 =	vld [tilespmem:s31+$0x9510];
	[tilespmem:s31+$0x10920] =	vst v3;
	v3 =	vadd.f32 v44, v43  }
0xcd: {  	v35 =	vld [tilespmem:s31+$0x1910];
	[tilespmem:s31+$0x10930] =	vst v38;
	v40 =	vadd.f32 v46, v45  }
0xce: {  	v39 =	vld [tilespmem:s31+$0x9500];
	[tilespmem:s31+$0x10940] =	vst v3;
	v3 =	vadd.f32 v48, v47  }
0xcf: {  	v45 =	vld [tilespmem:s31+$0x9520];
	v46 =	vadd.f32 v54, v53;
	[tilespmem:s31+$0x10950] =	vst v40  }
0xd0: {  	v53 =	vld [tilespmem:s31+$0x1550];
	[tilespmem:s31+$0x10960] =	vst v3;
	v3 =	vadd.f32 v52, v51  }
0xd1: {  	v54 =	vld [tilespmem:s31+$0x9550];
	v43 =	vadd.f32 v50, v49;
	[tilespmem:s31+$0x10D10] =	vst v46  }
0xd2: {  	v36 =	vld [tilespmem:s31+$0x9910];
	[tilespmem:s31+$0x10D00] =	vst v3;
	v3 =	vadd.f32 v56, v55  }
0xd3: {  	v38 =	vld [tilespmem:s31+$0x1920];
	v49 =	vadd.f32 v58, v57;
	[tilespmem:s31+$0x10970] =	vst v43  }
0xd4: {  	v44 =	vld [tilespmem:s31+$0x1520];
	[tilespmem:s31+$0x10D20] =	vst v3;
	v3 =	vadd.f32 v60, v59  }
0xd5: {  	v50 =	vld [tilespmem:s31+$0x1540];
	v58 =	vadd.f32 v11, v10;
	[tilespmem:s31+$0x10D30] =	vst v49  }
0xd6: {  	v57 =	vld [tilespmem:s31+$0x9560];
	[tilespmem:s31+$0x10D40] =	vst v3;
	v3 =	vadd.f32 v4, v63  }
0xd7: {  	v46 =	vld [tilespmem:s31+$0x1950];
	v37 =	vadd.f32 v37, v22;
	[tilespmem:s31+$0x11110] =	vst v58  }
0xd8: {  	v40 =	vadd.f32 v42, v41;
	v41 =	vld [tilespmem:s31+$0x1930];
	[tilespmem:s31+$0x10D60] =	vst v3;
	v3 =	vadd.f32 v9, v8  }
0xd9: {  	v42 =	vld [tilespmem:s31+$0x9930];
	[tilespmem:s31+$0x11170] =	vst v37  }
0xda: {  	v47 =	vld [tilespmem:s31+$0x1530];
	[tilespmem:s31+$0x11100] =	vst v3;
	v3 =	vadd.f32 v13, v12  }
0xdb: {  	v48 =	vld [tilespmem:s31+$0x9530];
	[tilespmem:s31+$0x11510] =	vst v40;
	v52 =	vadd.f32 v62, v61  }
0xdc: {  	v49 =	vld [tilespmem:s31+$0x1960];
	[tilespmem:s31+$0x11120] =	vst v3;
	v3 =	vadd.f32 v17, v16  }
0xdd: {  	v51 =	vld [tilespmem:s31+$0x9540];
	v61 =	vadd.f32 v15, v14;
	[tilespmem:s31+$0x10D50] =	vst v52  }
0xde: {  	v62 =	vld [tilespmem:s31+$0x1900];
	[tilespmem:s31+$0x11140] =	vst v3;
	v3 =	vadd.f32 v21, v20  }
0xdf: {  	v55 =	vadd.f32 v7, v6;
	v56 =	vld [tilespmem:s31+$0x1560];
	[tilespmem:s31+$0x11130] =	vst v61  }
0xe0: {  	v52 =	vld [tilespmem:s31+$0x1970];
	[tilespmem:s31+$0x11160] =	vst v3;
	v3 =	vadd.f32 v39, v24  }
0xe1: {  	v43 =	vadd.f32 v48, v47;
	v47 =	vld [tilespmem:s31+$0x9950];
	[tilespmem:s31+$0x10D70] =	vst v55  }
0xe2: {  	v59 =	vld [tilespmem:s31+$0x1570];
	[tilespmem:s31+$0x11500] =	vst v3;
	v3 =	vadd.f32 v45, v44  }
0xe3: {  	[tilespmem:s31+$0x11530] =	vst v43;
	v63 =	vld [tilespmem:s31+$0x9900];
	v4 =	vadd.f32 v54, v53  }
0xe4: {  	v60 =	vld [tilespmem:s31+$0x9570];
	[tilespmem:s31+$0x11520] =	vst v3;
	v3 =	vadd.f32 v51, v50  }
0xe5: {  	v54 =	vadd.f32 v42, v41;
	[tilespmem:s31+$0x11550] =	vst v4;
	v39 =	vld [tilespmem:s31+$0x9920]  }
0xe6: {  	v44 =	vld [tilespmem:s31+$0x1940];
	[tilespmem:s31+$0x11540] =	vst v3;
	v3 =	vadd.f32 v57, v56  }
0xe7: {  	[tilespmem:s31+$0x11930] =	vst v54;
	v55 =	vadd.f32 v47, v46;
	v45 =	vld [tilespmem:s31+$0x9940]  }
0xe8: {  	v53 =	vld [tilespmem:s31+$0x9970];
	[tilespmem:s31+$0x11560] =	vst v3;
	v3 =	vadd.f32 v63, v62  }
0xe9: {  	v48 =	vadd.f32 v60, v59;
	[tilespmem:s31+$0x11950] =	vst v55;
	v50 =	vld [tilespmem:s31+$0x9960]  }
0xea: {  	[tilespmem:s31+$0x11900] =	vst v3;
	v3 =	vadd.f32 v39, v38  }
0xeb: {  	[tilespmem:s31+$0x11570] =	vst v48;
	v51 =	vadd.f32 v36, v35  }
0xec: {  	[tilespmem:s31+$0x11920] =	vst v3;
	v3 =	vadd.f32 v45, v44  }
0xed: {  	s0 =	sand.u32 $0x7, s26;
	[tilespmem:s31+$0x11910] =	vst v51;
	v56 =	vadd.f32 v53, v52  }
0xee: {  	s0 =	sshll.u32 s0, $0x7;
	[tilespmem:s31+$0x11940] =	vst v3;
	v3 =	vadd.f32 v50, v49  }
0xef: {  	s0 =	sadd.s32 s0, s29;
	[tilespmem:s31+$0x11970] =	vst v56  }
0xf0: {  	[tilespmem:s31+$0x11960] =	vst v3;
	s31 =	sor.u32 $0x1C00, s0  }
0xf1: {  	v3 =	vld [tilespmem:s31+$0x100]  }
0xf2: {  	v4 =	vld [tilespmem:s31+$0x8100];
	_ =	sdelay $0x4  }
0xf3: {  	v3 =	vadd.f32 v4, v3;
	_ =	sdelay $0x1  }
0xf4: {  	[tilespmem:s31+$0x10100] =	vst v3;
	s31 =	sor.u32 $0x1C10, s0  }
0xf5: {  	v3 =	vld [tilespmem:s31+$0x100]  }
0xf6: {  	v57 =	vld [tilespmem:s31+$0x8100];
	_ =	sdelay $0x4  }
0xf7: {  	v3 =	vadd.f32 v57, v3;
	_ =	sdelay $0x1  }
0xf8: {  	[tilespmem:s31+$0x10100] =	vst v3;
	s31 =	sor.u32 $0x1C20, s0  }
0xf9: {  	v3 =	vld [tilespmem:s31+$0x100]  }
0xfa: {  	v58 =	vld [tilespmem:s31+$0x8100];
	_ =	sdelay $0x4  }
0xfb: {  	v3 =	vadd.f32 v58, v3;
	_ =	sdelay $0x1  }
0xfc: {  	[tilespmem:s31+$0x10100] =	vst v3;
	s31 =	sor.u32 $0x1C30, s0  }
0xfd: {  	v3 =	vld [tilespmem:s31+$0x100]  }
0xfe: {  	v59 =	vld [tilespmem:s31+$0x8100];
	_ =	sdelay $0x4  }
0xff: {  	v3 =	vadd.f32 v59, v3;
	_ =	sdelay $0x1  }
0x100: {  	[tilespmem:s31+$0x10100] =	vst v3;
	s31 =	sor.u32 $0x1C40, s0  }
0x101: {  	v3 =	vld [tilespmem:s31+$0x100]  }
0x102: {  	v60 =	vld [tilespmem:s31+$0x8100];
	_ =	sdelay $0x4  }
0x103: {  	v3 =	vadd.f32 v60, v3;
	_ =	sdelay $0x1  }
0x104: {  	[tilespmem:s31+$0x10100] =	vst v3;
	s31 =	sor.u32 $0x1C50, s0  }
0x105: {  	v3 =	vld [tilespmem:s31+$0x100]  }
0x106: {  	v61 =	vld [tilespmem:s31+$0x8100];
	_ =	sdelay $0x4  }
0x107: {  	v3 =	vadd.f32 v61, v3;
	_ =	sdelay $0x1  }
0x108: {  	[tilespmem:s31+$0x10100] =	vst v3;
	s31 =	sor.u32 $0x1C60, s0  }
0x109: {  	v3 =	vld [tilespmem:s31+$0x100]  }
0x10a: {  	v62 =	vld [tilespmem:s31+$0x8100];
	_ =	sdelay $0x4  }
0x10b: {  	v3 =	vadd.f32 v62, v3;
	_ =	sdelay $0x1  }
0x10c: {  	s0 =	sor.u32 $0x1C70, s0;
	[tilespmem:s31+$0x10100] =	vst v3  }
0x10d: {  	v3 =	vld [tilespmem:s0+$0x100]  }
0x10e: {  	v63 =	vld [tilespmem:s0+$0x8100];
	_ =	sdelay $0x1  }
0x10f: {  	p1 =	sne.s32 s30, $0xF80  }
.Ltmp0:
0x110: {  	_ = 	snop;
	(pc) =	sbr.rel @p1 .LBB2_3-.Ltmp0, $4  }
0x111: {  	_ = 	snop  }
0x112: {  	v3 =	vadd.f32 v63, v3  }
0x113: {  	s28 =	sadd.s32 $0x400, s28  }
0x114: {  	s30 =	sadd.s32 $0x80, s30;
	s26 =	sadd.s32 $0x1, s26;
	s29 =	sadd.s32 $0x400, s29;
	[tilespmem:s0+$0x10100] =	vst v3  }
0x115: {  	s0 =	sshll.u32 s25, $0x7;
	s30 =	rddreg [dreg:$0x1]  }
.Ltmp1:
0x116: {  	s31 =	simm.s32 $0x0;
	s0 =	sadd.s32 s30, s0;
	(pc) =	sbr.rel @p0 .LBB2_2-.Ltmp1, $4  }
0x117: {  	[hbm4b:s0+s31] =	stream.linear.scatter [tilespmem:s24], [sflag:$0x2], $0x8000, $0x38;
	[tilespmem:$0x18100] =	vst v63  }
0x118: {  	_ =	swait.ge [sflag:s12], $0x8000  }
0x119: {  	[sflag:s12] =	ssyncset.done $0x0  }
0x11a: {  	s25 =	simm.s32 $0x20;
	p1 =	por $0x0, $0x0;
	[sflag:s12] =	ssyncadd.s32 $0xFFFF8000  }
0x11b: {  	s25 =	rddreg [dreg:$0x4]  }
0x11c: {  	s0 =	rddreg [dreg:$0x3];
	s25 =	sadd.s32 $0x1, s25  }
0x11d: {  	p0 =	sne.s32 s25, s0  }
.Ltmp2:
0x11e: {  	_ = 	snop;
	(pc) =	sbr.rel @p0 .LBB2_1-.Ltmp2, $1  }
0x11f: {  	_ =	sdelay $0x3  }
0x120: {  	_ =	sfence.sel $0x180000  }
0x121: {  	[bflag:$0x0] =	sbarrier.arrive $0xFFFF  }
0x122: {  	_ =	strace $0x9000004A  }
0x123: {  	s0 =	stileid.u32;
	[bflag:$0x2] =	sbarrier.arrive $0xFFFF  }
0x124: {  	p0 =	sne.s32 s0, $0x0;
	s0 =	rddreg [dreg:$0x2]  }
0x125: {  	s0 =	sadd.s32 @!p0 $0x100000, s0  }
0x126: {  	[sflag:s0] =	ssyncadd.tile.s32 @!p0 $0x1;
	_ =	shalt  }
.Lfunc_end2:
_tile_overlayer_lowered:
.L_overlay_start_2:
0x127: {  	(tag) =	ssettag $0x2  }
0x128: {  	s0 =	rddreg [dreg:$0x0];
	s2 =	stileid.u32  }
0x129: {  	s1 =	rddreg [dreg:$0x1];
	p0 =	sne.s32 s2, $0x0  }
0x12a: {  	s3 =	rddreg [dreg:$0x2];
	[bflag:$0x3] =	sbarrier.arrive $0xFFFF;
	s2 =	simm.s32 @!p0 $0x1C02  }
0x12b: {  	[timem:s3], [sflag:s2] =	dma.local @!p0 [hbm:s0], s1  }
0x12c: {  	s0 =	simm.s32 @!p0 $0x2  }
0x12d: {  	_ =	swait.ge @!p0 [sflag:s0], s1  }
0x12e: {  	s1 =	ssub.s32 @!p0 $0x0, s1;
	[sflag:s0] =	ssyncset.done @!p0 $0x0  }
0x12f: {  	[sflag:s0] =	ssyncadd.s32 @!p0 s1  }
0x130: {  	[bflag:$0x3] =	sbarrier.arrive $0xFFFF  }
0x131: {  	_ =	shalt  }

// kernel: kernel.7.cloned.1.call-start
scs
__scs_entry_jumppad:
0x0: {  	(pc) =	sbr.rel $0x88, $3  }
0x1: {  	(tag) =	ssettag $0x0;
	lr =	simm.s32 $0x1  }
0x2: {  	[smem:$0x3F98] =	sst lr;
	_ =	strace $0xD0000000  }
0x3: {  	_ = 	snop  }
0x4: {  	_ = 	snop  }
0x5: {  	_ = 	snop  }
0x6: {  	_ = 	snop  }
0x7: {  	_ = 	snop  }
__scs_overlays_trampoline_lowered:
0x8: {  	[smem:$0x3FA7] =	sst s0  }
0x9: {  	[smem:$0x3FA8] =	sst s1  }
0xa: {  	[smem:$0x3FA9] =	sst s2  }
0xb: {  	[smem:$0x3FAA] =	sst s3  }
0xc: {  	[smem:$0x3FAB] =	sst s4  }
0xd: {  	[smem:$0x3FAC] =	sst s5  }
0xe: {  	[smem:$0x3FAD] =	sst s6  }
0xf: {  	[smem:$0x3FAE] =	sst s7  }
0x10: {  	[smem:$0x3FAF] =	sst s8  }
0x11: {  	[smem:$0x3FB0] =	sst s9;
	s0 =	simm.s32 @!p0 $0x0  }
0x12: {  	s1 =	sld [smem:$0x3F96];
	s0 =	simm.s32 @p0 $0x1  }
0x13: {  	[smem:$0x3FB1] =	sst s0;
	s0 =	simm.s32 @!p1 $0x0  }
0x14: {  	s2 =	sld [smem:$0x3F95];
	s0 =	simm.s32 @p1 $0x1  }
0x15: {  	[smem:$0x3FB2] =	sst s0;
	s0 =	simm.s32 @!p2 $0x0  }
0x16: {  	s3 =	sld [smem:$0x3FDB];
	s0 =	simm.s32 @p2 $0x1  }
0x17: {  	s4 =	simm.s32 $0x1BF5;
	[smem:$0x3FB4] =	sst s0  }
0x18: {  	s0 =	sld [smem:$0x3F97];
	_ =	swait.ge [sflag:s4], $0x0  }
0x19: {  	s7 =	sld [smem:$0x3F98]  }
0x1a: {  	s8 =	sadd.s32 $0xFFFFE003, lr  }
0x1b: {  	s9 =	sadd.s32 $0xFFFFFEF7, lr;
	s5 =	simm.s32 $0xFFFFFFFF;
	p2 =	slt.u32 s8, $0xFFFFF086  }
0x1c: {  	p1 =	slt.u32 s9, $0xF7A;
	s5 =	simm.s32 @!p2 $0x0  }
0x1d: {  	s5 =	simm.s32 @p1 $0x1;
	p0 =	seq.s32 s7, s2  }
0x1e: {  	s7 =	smul.u32 @!p0 $0xF7A, s2;
	p2 =	seq.s32 @!p0 s5, $0x0  }
0x1f: {  	s9 =	smul.u32 $0xF7A, s1;
	s8 =	simm.s32 @!p0 $0x1BF5;
	p2 =	por !p2, p0  }
0x20: {  	[sflag:s8] =	ssyncset.s32 @!p0 $0xFFFFF086;
	s6 =	sadd.s32 @!p0 s3, s7;
	s7 =	simm.s32 @!p0 $0x108  }
0x21: {  	s3 =	sadd.s32 s3, s9;
	s6 =	sadd.s32 @!p0 $0x88, s6;
	s7 =	simm.s32 @p2 $0x1082  }
0x22: {  	[simem:s7], [sflag:s8] =	dma.local @!p0 [hbm:s6], $0xF7A  }
0x23: {  	s9 =	sor.u32 $0xD0000000, s2;
	s6 =	simm.s32 $0x108;
	_ =	swait.ge @!p0 [sflag:s8], $0x0  }
0x24: {  	s3 =	sadd.s32 $0x88, s3;
	s6 =	simm.s32 @!p1 $0x1082;
	[sflag:s4] =	ssyncset.s32 $0xFFFFF086  }
0x25: {  	[simem:s6], [sflag:s4] =	dma.local [hbm:s3], $0xF7A  }
0x26: {  	[smem:$0x3F98] =	sst s1;
	(tag) =	ssettag s2;
	_ =	strace s9  }
0x27: {  	s1 =	sld [smem:$0x3FA8]  }
0x28: {  	s2 =	sld [smem:$0x3FA9]  }
0x29: {  	s4 =	sld [smem:$0x3FAB]  }
0x2a: {  	p0 =	seq.s32 s5, $0x0;
	s5 =	sld [smem:$0x3FAC]  }
0x2b: {  	s6 =	sld [smem:$0x3FAD]  }
0x2c: {  	s7 =	sld [smem:$0x3FAE]  }
0x2d: {  	s3 =	simm.s32 $0x108;
	s8 =	sld [smem:$0x3FAF]  }
0x2e: {  	s3 =	simm.s32 @!p0 $0x1082;
	s9 =	sld [smem:$0x3FB0]  }
0x2f: {  	lr =	sadd.s32 s0, s3;
	s0 =	sld [smem:$0x3FA7]  }
0x30: {  	s3 =	sld [smem:$0x3FAA]  }
0x31: {  	[smem:$0x3FB3] =	sst s10  }
0x32: {  	s10 =	sld [smem:$0x3FB1];
	_ =	sdelay $0x3  }
0x33: {  	p0 =	seq.s32 s10, $0x1;
	s10 =	sld [smem:$0x3FB3];
	_ =	sdelay $0x3  }
0x34: {  	[smem:$0x3FB3] =	sst s10  }
0x35: {  	s10 =	sld [smem:$0x3FB2];
	_ =	sdelay $0x3  }
0x36: {  	p1 =	seq.s32 s10, $0x1;
	s10 =	sld [smem:$0x3FB3];
	_ =	sdelay $0x3  }
0x37: {  	[smem:$0x3FB3] =	sst s10  }
0x38: {  	s10 =	sld [smem:$0x3FB4]  }
0x39: {  	_ = 	snop;
	(pc) =	sbr.ind lr, $3  }
0x3a: {  	_ = 	snop  }
0x3b: {  	_ = 	snop  }
0x3c: {  	p2 =	seq.s32 s10, $0x1;
	s10 =	sld [smem:$0x3FB3]  }
0x3d: {  	_ =	shalt  }
0x3e: {  	_ =	shalt  }
0x3f: {  	_ =	shalt  }
0x40: {  	_ =	shalt  }
0x41: {  	_ =	shalt  }
0x42: {  	_ =	shalt  }
0x43: {  	_ =	shalt  }
0x44: {  	_ =	shalt  }
0x45: {  	_ =	shalt  }
0x46: {  	_ =	shalt  }
0x47: {  	_ =	shalt  }
0x48: {  	_ =	shalt  }
0x49: {  	_ =	shalt  }
0x4a: {  	_ =	shalt  }
0x4b: {  	_ =	shalt  }
0x4c: {  	_ =	shalt  }
0x4d: {  	_ =	shalt  }
0x4e: {  	_ =	shalt  }
0x4f: {  	_ =	shalt  }
0x50: {  	_ =	shalt  }
0x51: {  	_ =	shalt  }
0x52: {  	_ =	shalt  }
0x53: {  	_ =	shalt  }
0x54: {  	_ =	shalt  }
0x55: {  	_ =	shalt  }
0x56: {  	_ =	shalt  }
0x57: {  	_ =	shalt  }
0x58: {  	_ =	shalt  }
0x59: {  	_ =	shalt  }
0x5a: {  	_ =	shalt  }
0x5b: {  	_ =	shalt  }
0x5c: {  	_ =	shalt  }
0x5d: {  	_ =	shalt  }
0x5e: {  	_ =	shalt  }
0x5f: {  	_ =	shalt  }
0x60: {  	_ =	shalt  }
0x61: {  	_ =	shalt  }
0x62: {  	_ =	shalt  }
0x63: {  	_ =	shalt  }
0x64: {  	_ =	shalt  }
0x65: {  	_ =	shalt  }
0x66: {  	_ =	shalt  }
0x67: {  	_ =	shalt  }
0x68: {  	_ =	shalt  }
0x69: {  	_ =	shalt  }
0x6a: {  	_ =	shalt  }
0x6b: {  	_ =	shalt  }
0x6c: {  	_ =	shalt  }
0x6d: {  	_ =	shalt  }
0x6e: {  	_ =	shalt  }
0x6f: {  	_ =	shalt  }
0x70: {  	_ =	shalt  }
0x71: {  	_ =	shalt  }
0x72: {  	_ =	shalt  }
0x73: {  	_ =	shalt  }
0x74: {  	_ =	shalt  }
0x75: {  	_ =	shalt  }
0x76: {  	_ =	shalt  }
0x77: {  	_ =	shalt  }
0x78: {  	_ =	shalt  }
0x79: {  	_ =	shalt  }
0x7a: {  	_ =	shalt  }
0x7b: {  	_ =	shalt  }
0x7c: {  	_ =	shalt  }
0x7d: {  	_ =	shalt  }
0x7e: {  	_ =	shalt  }
0x7f: {  	_ =	shalt  }
0x80: {  	_ =	shalt  }
0x81: {  	_ =	shalt  }
0x82: {  	_ =	shalt  }
0x83: {  	_ =	shalt  }
0x84: {  	_ =	shalt  }
0x85: {  	_ =	shalt  }
0x86: {  	_ =	shalt  }
0x87: {  	_ =	shalt  }
.Lfunc_end0:
.L_simem_size_0:
called_computation_lowered:
.L_overlay_start_0:
0x88: {  	s2 =	sld [smem:$0x3FD9]  }
0x89: {  	s3 =	sld [smem:$0x3FFE];
	_ =	sdelay $0x1  }
0x8a: {  	s1 =	srdreg.scid  }
0x8b: {  	s0 =	sand.u32 $0x1, s1  }
0x8c: {  	s14 =	sshll.u32 s0, $0xA;
	s2 =	sadd.s32 s3, s2  }
0x8d: {  	s2 =	sadd.s32 s2, s14  }
0x8e: {  	[smem:$0x3FBF] =	sst s2  }
0x8f: {  	_ = 	snop  }
0x90: {  	s2 =	sld [smem:$0x3FD0];
	_ =	sdelay $0x2  }
0x91: {  	s4 =	simm.s32 $0xA;
	s5 =	simm.s32 $0x10;
	s15 =	sld [smem:$0x3FC9]  }
0x92: {  	[smem:s5], [sflag:s4] =	dma.local [hbm:s2], $0x1  }
0x93: {  	_ =	swait.eq [sflag:s4], $0x1  }
0x94: {  	[sflag:s4] =	ssyncset.done $0x0  }
0x95: {  	[sflag:s4] =	ssyncadd.s32 $0xFFFFFFFF  }
0x96: {  	s16 =	sld [smem:$0x12];
	(tm) =	ssettm $0x1  }
0x97: {  	s17 =	sld [smem:$0x3FFB];
	_ =	sdelay $0x3  }
0x98: {  	_ =	strace s17  }
0x99: {  	s4 =	sld [smem:$0x3FFC];
	_ =	sdelay $0x3  }
0x9a: {  	_ =	strace s4  }
0x9b: {  	s4 =	sld [smem:$0x3FFD];
	_ =	sdelay $0x3  }
0x9c: {  	_ =	strace s4  }
0x9d: {  	_ =	strace $0x8FFFFFFF  }
0x9e: {  	s18 =	sld [smem:$0x3FDB];
	_ =	sdelay $0x1  }
0x9f: {  	s19 =	simm.s32 $_scs_section_size  }
0xa0: {  	s6 =	simm.s32 $_size__tile_overlayer_lowered;
	s7 =	simm.s32 $_tile_overlayer_lowered  }
0xa1: {  	s22 =	simm.s32 $0x1BFF;
	s21 =	sshll.u32 s7, $0x1;
	s4 =	sadd.s32 s19, s18  }
0xa2: {  	s8 =	simm.s32 $0x0;
	s20 =	sshll.u32 s6, $0x1;
	s6 =	sadd.s32 s21, s4  }
0xa3: {  	[timem:s8], [sflag:s22] =	dma.local [hbm:s6], s20  }
0xa4: {  	_ =	swait.ge [sflag:s22], s20  }
0xa5: {  	s5 =	ssub.s32 $0x0, s20;
	[sflag:s22] =	ssyncset.done $0x0  }
0xa6: {  	[sflag:s22] =	ssyncadd.s32 s5;
	_ =	sdelay $0x1  }
0xa7: {  	s23 =	simm.s32 $0x1B8B  }
0xa8: {  	_ =	swait.ge [sflag:s23], $0x1  }
0xa9: {  	[sflag:s23] =	ssyncset.done $0x0  }
0xaa: {  	s25 =	simm.s32 $0x1B8E;
	s24 =	sld [smem:$0x3FFE];
	[sflag:s23] =	ssyncadd.s32 $0xFFFFFFFF  }
0xab: {  	s26 =	simm.s32 $execute0_lowered;
	[smem:$0x3FD2] =	sst s25  }
0xac: {  	s6 =	sshll.u32 s26, $0x1;
	_ =	strace $0x80000046;
	[dreg:$0x1] =	wrdreg $0xFFFFFFFF  }
0xad: {  	s28 =	simm.s32 $_size_execute0_lowered;
	s4 =	sadd.s32 s4, s6;
	[dreg:$0x0] =	wrdreg $0x0  }
0xae: {  	s6 =	sshll.u32 s28, $0x1;
	[dreg:$0x2] =	wrdreg s4  }
0xaf: {  	[dreg:$0x3] =	wrdreg s6  }
0xb0: {  	[dreg:$0x4] =	wrdreg $0xC0  }
0xb1: {  	_ =	task [dreg:s8], $0x5FFFF  }
0xb2: {  	[dreg:$0x1] =	wrdreg $0xFFFFFFFF  }
0xb3: {  	[dreg:$0x0] =	wrdreg $0x60  }
0xb4: {  	[dreg:$0x2] =	wrdreg s15  }
0xb5: {  	[dreg:$0x3] =	wrdreg s24  }
0xb6: {  	[dreg:$0x4] =	wrdreg s16  }
0xb7: {  	[dreg:$0x5] =	wrdreg $0x9  }
0xb8: {  	_ =	task.clear_ibuf [dreg:s8], $0x6FFFF;
	_ =	strace $0x90000046  }
0xb9: {  	s29 =	simm.s32 $0x9;
	_ =	strace $0x80000048  }
0xba: {  	_ =	swait.ge [sflag:s29], $0x1  }
0xbb: {  	[sflag:s29] =	ssyncadd.s32 $0xFFFFFFFF  }
0xbc: {  	_ =	strace $0x90000048  }
0xbd: {  	_ =	sfence  }
0xbe: {  	s30 =	sld [smem:$0x0];
	_ =	sdelay $0x2  }
0xbf: {  	s31 =	sshll.u32 s1, $0xD;
	s1 =	sshrl.u32 s1, $0x2  }
0xc0: {  	s3 =	sand.u32 $0x4000, s31;
	s1 =	sadd.s32 s1, s30  }
0xc1: {  	s0 =	sor.u32 s3, s0;
	s1 =	sshll.u32 s1, $0x11  }
0xc2: {  	s0 =	sor.u32 s1, s0  }
0xc3: {  	s0 =	sadd.s32 $0x8F2B, s0  }
0xc4: {  	[sflag:s0] =	ssyncadd.remote.s32 $0x1  }
0xc5: {  	_ =	sfence.sel $0xFFFF  }
0xc6: {  	[dreg:$0x0] =	wrdreg $0xFFFFFFFF;
	(pc) =	sbr.abs _section_cstart, $3  }
0xc7: {  	[dreg:$0x1] =	wrdreg $0xFFFFFFFF  }
0xc8: {  	_ =	task.clear_ibuf [dreg:s8], $0x2FFFF;
	_ =	strace $0x9FFFFFFF  }
0xc9: {  	(tm) =	ssettm $0x7FFFFFFF  }
tec
execute0_lowered:
.L_overlay_start_1:
0x0: {  	(tag) =	ssettag $0x1  }
0x1: {  	s1 =	rddreg [dreg:$0x0]  }
0x2: {  	s0 =	srdreg.scid;
	s5 =	rddreg [dreg:$0x1]  }
0x3: {  	s2 =	stileid.u32;
	s6 =	rddreg [dreg:$0x2];
	s17 =	simm.s32 $0x1  }
0x4: {  	s26 =	simm.s32 $0x220;
	s31 =	simm.s32 $0x2A0;
	s30 =	simm.s32 $0x3  }
0x5: {  	s15 =	simm.s32 $0x180;
	s28 =	simm.s32 $0x6300;
	s0 =	sand.u32 $0x1, s0  }
0x6: {  	s29 =	simm.s32 $0x6B00;
	s2 =	sshll.u32 s2, $0x7;
	s3 =	sshll.u32 s0, $0x6  }
0x7: {  	s9 =	sadd.s32 $0x800, s5;
	s0 =	ssub.s32 $0x2, s0;
	s7 =	sor.u32 s3, s2  }
0x8: {  	s2 =	simm.s32 $0x0;
	s3 =	sadd.s32 $0xE00, s5;
	s25 =	sshrl.u32 s0, $0x1  }
0x9: {  	s8 =	sshrl.u32 s7, $0x3;
	[smem:$0x7FF] =	sst s2;
	s20 =	sshll.u32 s7, $0x7  }
0xa: {  	s7 =	sor.u32 $0x20, s7;
	_ =	strace $0x80000047;
	[dreg:$0xb] =	wrdreg s26  }
0xb: {  	s0 =	ssub.s32 s0, s25;
	s11 =	sadd.s32 s6, s8;
	[dreg:$0xc] =	wrdreg s31  }
0xc: {  	s10 =	sor.u32 $0x100, s8;
	s21 =	sadd.s32 s1, s20;
	[dreg:$0x5] =	wrdreg s11  }
0xd: {  	s22 =	sshrl.u32 s7, $0x3;
	s8 =	sadd.s32 s9, s8;
	[dreg:$0x7] =	wrdreg s21  }
0xe: {  	s7 =	sshll.u32 s7, $0x7;
	s4 =	sadd.s32 s9, s10;
	[dreg:$0xd] =	wrdreg s8  }
0xf: {  	s6 =	sadd.s32 s6, s10;
	s23 =	sadd.s32 s9, s22;
	[dreg:$0x4] =	wrdreg s4  }
0x10: {  	s24 =	sadd.s32 $0x104, s8;
	s1 =	sadd.s32 s1, s7;
	[dreg:$0x6] =	wrdreg s6  }
0x11: {  	v2 =	vlaneseq.u32;
	s7 =	sadd.s32 $0x1000, s5;
	s8 =	sadd.s32 $0x1100, s5;
	[dreg:$0x8] =	wrdreg s23  }
0x12: {  	vm0 =	vmmov $0xffff;
	v1 =	vshrl.u32 v2, $0x3;
	s9 =	smax.u32 s0, $0x1;
	s10 =	simm.s32 $0x2;
	[dreg:$0x9] =	wrdreg s24  }
0x13: {  	v0 =	vand.u32 $0x7, v2;
	v2 =	vor.u32 $0x8, v2;
	v1 =	vmul.u32 $0x8, v1;
	s4 =	sadd.s32 $0xA00, s5;
	[dreg:$0xa] =	wrdreg s1;
	s6 =	sadd.s32 $0xF00, s5  }
.LBB2_1:
0x14: {  	s1 =	rddreg [dreg:$0xd]  }
0x15: {  	[tilespmem:s2], [sflag:$0x1] =	stream.linear.gather [hbm4b:s1+s2], $0x20, $0x38;
	[tilespmem:$0x10300] =	vst v63  }
0x16: {  	s31 =	rddreg [dreg:$0x4];
	s0 =	simm.s32 $0x100  }
0x17: {  	[tilespmem:s0], [sflag:$0x1] =	stream.linear.gather [hbm4b:s31+s2], $0x20, $0x38;
	[tilespmem:$0x10300] =	vst v63  }
0x18: {  	s21 =	rddreg [dreg:$0x5];
	s11 =	simm.s32 $0x200  }
0x19: {  	[tilespmem:s11], [sflag:$0x1] =	stream.linear.gather [hbm4b:s21+s2], $0x40, $0x38;
	[tilespmem:$0x10300] =	vst v63  }
0x1a: {  	s22 =	rddreg [dreg:$0x6];
	s12 =	simm.s32 $0x280  }
0x1b: {  	[tilespmem:s12], [sflag:$0x1] =	stream.linear.gather [hbm4b:s22+s2], $0x40, $0x38;
	[tilespmem:$0x10300] =	vst v63  }
0x1c: {  	s23 =	rddreg [dreg:$0x7];
	s16 =	simm.s32 $0x300  }
0x1d: {  	[tilespmem:s16], [sflag:$0x1] =	stream.linear.gather [hbm4b:s23+s2], $0x8000, $0x38;
	[tilespmem:$0x10300] =	vst v63  }
0x1e: {  	s24 =	rddreg [dreg:$0x8];
	s5 =	simm.s32 $0x80  }
0x1f: {  	[tilespmem:s5], [sflag:$0x2] =	stream.linear.gather [hbm4b:s24+s2], $0x20, $0x38;
	[tilespmem:$0x10300] =	vst v63  }
0x20: {  	s25 =	rddreg [dreg:$0x9]  }
0x21: {  	[tilespmem:s15], [sflag:$0x2] =	stream.linear.gather [hbm4b:s25+s2], $0x20, $0x38;
	[tilespmem:$0x10300] =	vst v63  }
0x22: {  	s26 =	rddreg [dreg:$0xa];
	s5 =	simm.s32 $0x8300  }
0x23: {  	[tilespmem:s5], [sflag:$0x2] =	stream.linear.gather [hbm4b:s26+s2], $0x8000, $0x38;
	[tilespmem:$0x10300] =	vst v63  }
0x24: {  	_ =	swait.ge [sflag:s17], $0x20  }
0x25: {  	[sflag:s17] =	ssyncset.done $0x0  }
0x26: {  	[sflag:s17] =	ssyncadd.s32 $0xFFFFFFE0  }
0x27: {  	_ =	swait.ge [sflag:s17], $0x20  }
0x28: {  	[sflag:s17] =	ssyncset.done $0x0  }
0x29: {  	[sflag:s17] =	ssyncadd.s32 $0xFFFFFFE0  }
0x2a: {  	_ =	swait.ge [sflag:s17], $0x40  }
0x2b: {  	[sflag:s17] =	ssyncset.done $0x0  }
0x2c: {  	[sflag:s17] =	ssyncadd.s32 $0xFFFFFFC0  }
0x2d: {  	_ =	swait.ge [sflag:s17], $0x40  }
0x2e: {  	[sflag:s17] =	ssyncset.done $0x0  }
0x2f: {  	[sflag:s17] =	ssyncadd.s32 $0xFFFFFFC0  }
0x30: {  	_ =	swait.ge [sflag:s17], $0x8000  }
0x31: {  	[sflag:s17] =	ssyncset.done $0x0  }
0x32: {  	[sflag:s17] =	ssyncadd.s32 $0xFFFF8000  }
0x33: {  	v3 =	vld [tilespmem:$0x0];
	_ =	sdelay $0x4  }
0x34: {  	v4 =	vshll.u32 v3, $0x3  }
0x35: {  	v3 =	vand.u32 $0x7, v3;
	v4 =	vand.u32 $0xFFFFFFC0, v4  }
0x36: {  	v3 =	vor.u32 v3, v4  }
0x37: {  	v4 =	vperm.xlane v3, v0;
	_ =	sdelay $0x1  }
0x38: {  	v4 =	vadd.s32 v1, v4;
	_ =	sdelay $0x4  }
0x39: {  	[hbm4b:s3+s2] =	stream.indirect_vreg.scatter [tilespmem:s16], [sflag:$0x3], $0x80, v4, vm0, $0xb8;
	[tilespmem:$0x10300] =	vst v63  }
0x3a: {  	s1 =	simm.s32 $0xB00;
	v3 =	vperm.xlane v3, v2  }
0x3b: {  	[hbm4b:s6+s2] =	stream.indirect_vreg.scatter [tilespmem:s1], [sflag:$0x3], $0x80, v4, vm0, $0xb8;
	[tilespmem:$0x10300] =	vst v63  }
0x3c: {  	s31 =	simm.s32 $0x1300;
	v3 =	vadd.s32 v1, v3  }
0x3d: {  	[hbm4b:s7+s2] =	stream.indirect_vreg.scatter [tilespmem:s31], [sflag:$0x3], $0x80, v4, vm0, $0xb8;
	[tilespmem:$0x10300] =	vst v63  }
0x3e: {  	s18 =	simm.s32 $0x1B00  }
0x3f: {  	[hbm4b:s8+s2] =	stream.indirect_vreg.scatter [tilespmem:s18], [sflag:$0x3], $0x80, v4, vm0, $0xb8;
	[tilespmem:$0x10300] =	vst v63  }
0x40: {  	s19 =	simm.s32 $0x2300  }
0x41: {  	[hbm4b:s3+s2] =	stream.indirect_vreg.scatter [tilespmem:s19], [sflag:$0x3], $0x80, v3, vm0, $0xb8;
	[tilespmem:$0x10300] =	vst v63  }
0x42: {  	s20 =	simm.s32 $0x2B00  }
0x43: {  	[hbm4b:s6+s2] =	stream.indirect_vreg.scatter [tilespmem:s20], [sflag:$0x3], $0x80, v3, vm0, $0xb8;
	[tilespmem:$0x10300] =	vst v63  }
0x44: {  	s21 =	simm.s32 $0x3300  }
0x45: {  	[hbm4b:s7+s2] =	stream.indirect_vreg.scatter [tilespmem:s21], [sflag:$0x3], $0x80, v3, vm0, $0xb8;
	[tilespmem:$0x10300] =	vst v63  }
0x46: {  	s22 =	simm.s32 $0x3B00  }
0x47: {  	[hbm4b:s8+s2] =	stream.indirect_vreg.scatter [tilespmem:s22], [sflag:$0x3], $0x80, v3, vm0, $0xb8;
	[tilespmem:$0x10300] =	vst v63  }
0x48: {  	v3 =	vld [tilespmem:$0x10];
	_ =	sdelay $0x4  }
0x49: {  	v57 =	vshll.u32 v3, $0x3  }
0x4a: {  	v3 =	vand.u32 $0x7, v3;
	v4 =	vand.u32 $0xFFFFFFC0, v57  }
0x4b: {  	v3 =	vor.u32 v3, v4  }
0x4c: {  	v4 =	vperm.xlane v3, v0;
	_ =	sdelay $0x1  }
0x4d: {  	v4 =	vadd.s32 v1, v4;
	_ =	sdelay $0x3  }
0x4e: {  	s23 =	simm.s32 $0x4300  }
0x4f: {  	[hbm4b:s3+s2] =	stream.indirect_vreg.scatter [tilespmem:s23], [sflag:$0x3], $0x80, v4, vm0, $0xb8;
	[tilespmem:$0x10300] =	vst v63  }
0x50: {  	s24 =	simm.s32 $0x4B00;
	v3 =	vperm.xlane v3, v2  }
0x51: {  	[hbm4b:s6+s2] =	stream.indirect_vreg.scatter [tilespmem:s24], [sflag:$0x3], $0x80, v4, vm0, $0xb8;
	[tilespmem:$0x10300] =	vst v63  }
0x52: {  	s25 =	simm.s32 $0x5300;
	v3 =	vadd.s32 v1, v3  }
0x53: {  	[hbm4b:s7+s2] =	stream.indirect_vreg.scatter [tilespmem:s25], [sflag:$0x3], $0x80, v4, vm0, $0xb8;
	[tilespmem:$0x10300] =	vst v63  }
0x54: {  	s26 =	simm.s32 $0x5B00  }
0x55: {  	[hbm4b:s8+s2] =	stream.indirect_vreg.scatter [tilespmem:s26], [sflag:$0x3], $0x80, v4, vm0, $0xb8;
	[tilespmem:$0x10300] =	vst v63  }
0x56: {  	_ = 	snop  }
0x57: {  	[hbm4b:s3+s2] =	stream.indirect_vreg.scatter [tilespmem:s28], [sflag:$0x3], $0x80, v3, vm0, $0xb8;
	[tilespmem:$0x10300] =	vst v63  }
0x58: {  	_ = 	snop  }
0x59: {  	[hbm4b:s6+s2] =	stream.indirect_vreg.scatter [tilespmem:s29], [sflag:$0x3], $0x80, v3, vm0, $0xb8;
	[tilespmem:$0x10300] =	vst v63  }
0x5a: {  	s13 =	simm.s32 $0x7300  }
0x5b: {  	[hbm4b:s7+s2] =	stream.indirect_vreg.scatter [tilespmem:s13], [sflag:$0x3], $0x80, v3, vm0, $0xb8;
	[tilespmem:$0x10300] =	vst v63  }
0x5c: {  	s14 =	simm.s32 $0x7B00  }
0x5d: {  	[hbm4b:s8+s2] =	stream.indirect_vreg.scatter [tilespmem:s14], [sflag:$0x3], $0x80, v3, vm0, $0xb8;
	[tilespmem:$0x10300] =	vst v63  }
0x5e: {  	v3 =	vld [tilespmem:$0x100];
	_ =	sdelay $0x4  }
0x5f: {  	v58 =	vshll.u32 v3, $0x3  }
0x60: {  	v3 =	vand.u32 $0x7, v3;
	v4 =	vand.u32 $0xFFFFFFC0, v58  }
0x61: {  	v3 =	vor.u32 v3, v4  }
0x62: {  	v4 =	vperm.xlane v3, v0;
	_ =	sdelay $0x1  }
0x63: {  	v4 =	vadd.s32 v1, v4;
	_ =	sdelay $0x4  }
0x64: {  	[hbm4b:s3+s2] =	stream.indirect_vreg.scatter [tilespmem:s16], [sflag:$0x3], $0x80, v4, vm0, $0xb8;
	[tilespmem:$0x10300] =	vst v63  }
0x65: {  	v3 =	vperm.xlane v3, v2  }
0x66: {  	[hbm4b:s6+s2] =	stream.indirect_vreg.scatter [tilespmem:s1], [sflag:$0x3], $0x80, v4, vm0, $0xb8;
	[tilespmem:$0x10300] =	vst v63  }
0x67: {  	v3 =	vadd.s32 v1, v3  }
0x68: {  	[hbm4b:s7+s2] =	stream.indirect_vreg.scatter [tilespmem:s31], [sflag:$0x3], $0x80, v4, vm0, $0xb8;
	[tilespmem:$0x10300] =	vst v63  }
0x69: {  	_ = 	snop  }
0x6a: {  	[hbm4b:s8+s2] =	stream.indirect_vreg.scatter [tilespmem:s18], [sflag:$0x3], $0x80, v4, vm0, $0xb8;
	[tilespmem:$0x10300] =	vst v63  }
0x6b: {  	_ = 	snop  }
0x6c: {  	[hbm4b:s3+s2] =	stream.indirect_vreg.scatter [tilespmem:s19], [sflag:$0x3], $0x80, v3, vm0, $0xb8;
	[tilespmem:$0x10300] =	vst v63  }
0x6d: {  	_ = 	snop  }
0x6e: {  	[hbm4b:s6+s2] =	stream.indirect_vreg.scatter [tilespmem:s20], [sflag:$0x3], $0x80, v3, vm0, $0xb8;
	[tilespmem:$0x10300] =	vst v63  }
0x6f: {  	_ = 	snop  }
0x70: {  	[hbm4b:s7+s2] =	stream.indirect_vreg.scatter [tilespmem:s21], [sflag:$0x3], $0x80, v3, vm0, $0xb8;
	[tilespmem:$0x10300] =	vst v63  }
0x71: {  	_ = 	snop  }
0x72: {  	[hbm4b:s8+s2] =	stream.indirect_vreg.scatter [tilespmem:s22], [sflag:$0x3], $0x80, v3, vm0, $0xb8;
	[tilespmem:$0x10300] =	vst v63  }
0x73: {  	v3 =	vld [tilespmem:$0x110];
	_ =	sdelay $0x4  }
0x74: {  	v59 =	vshll.u32 v3, $0x3  }
0x75: {  	v3 =	vand.u32 $0x7, v3;
	v4 =	vand.u32 $0xFFFFFFC0, v59  }
0x76: {  	v3 =	vor.u32 v3, v4  }
0x77: {  	v4 =	vperm.xlane v3, v0;
	_ =	sdelay $0x1  }
0x78: {  	v4 =	vadd.s32 v1, v4;
	_ =	sdelay $0x4  }
0x79: {  	[hbm4b:s3+s2] =	stream.indirect_vreg.scatter [tilespmem:s23], [sflag:$0x3], $0x80, v4, vm0, $0xb8;
	[tilespmem:$0x10300] =	vst v63  }
0x7a: {  	v3 =	vperm.xlane v3, v2  }
0x7b: {  	[hbm4b:s6+s2] =	stream.indirect_vreg.scatter [tilespmem:s24], [sflag:$0x3], $0x80, v4, vm0, $0xb8;
	[tilespmem:$0x10300] =	vst v63  }
0x7c: {  	v3 =	vadd.s32 v1, v3  }
0x7d: {  	[hbm4b:s7+s2] =	stream.indirect_vreg.scatter [tilespmem:s25], [sflag:$0x3], $0x80, v4, vm0, $0xb8;
	[tilespmem:$0x10300] =	vst v63  }
0x7e: {  	_ = 	snop  }
0x7f: {  	[hbm4b:s8+s2] =	stream.indirect_vreg.scatter [tilespmem:s26], [sflag:$0x3], $0x80, v4, vm0, $0xb8;
	[tilespmem:$0x10300] =	vst v63  }
0x80: {  	_ = 	snop  }
0x81: {  	[hbm4b:s3+s2] =	stream.indirect_vreg.scatter [tilespmem:s28], [sflag:$0x3], $0x80, v3, vm0, $0xb8;
	[tilespmem:$0x10300] =	vst v63  }
0x82: {  	_ = 	snop  }
0x83: {  	[hbm4b:s6+s2] =	stream.indirect_vreg.scatter [tilespmem:s29], [sflag:$0x3], $0x80, v3, vm0, $0xb8;
	[tilespmem:$0x10300] =	vst v63  }
0x84: {  	_ = 	snop  }
0x85: {  	[hbm4b:s7+s2] =	stream.indirect_vreg.scatter [tilespmem:s13], [sflag:$0x3], $0x80, v3, vm0, $0xb8;
	[tilespmem:$0x10300] =	vst v63  }
0x86: {  	_ = 	snop  }
0x87: {  	[hbm4b:s8+s2] =	stream.indirect_vreg.scatter [tilespmem:s14], [sflag:$0x3], $0x80, v3, vm0, $0xb8;
	[tilespmem:$0x10300] =	vst v63  }
0x88: {  	s13 =	simm.s32 $0x20  }
0x89: {  	[hbm4b:s4+s13] =	stream.indirect.scatter [tilespmem:s11], [sflag:$0x3], $0x1, s2, s13, $0xb8;
	[tilespmem:$0x10300] =	vst v63  }
0x8a: {  	_ = 	snop  }
0x8b: {  	[hbm4b:s4+s13] =	stream.indirect.scatter [tilespmem:s12], [sflag:$0x3], $0x1, s0, s13, $0xb8;
	[tilespmem:$0x10300] =	vst v63  }
0x8c: {  	_ =	swait.ge [sflag:s10], $0x20  }
0x8d: {  	[sflag:s10] =	ssyncset.done $0x0  }
0x8e: {  	[sflag:s10] =	ssyncadd.s32 $0xFFFFFFE0  }
0x8f: {  	_ =	swait.ge [sflag:s10], $0x20  }
0x90: {  	[sflag:s10] =	ssyncset.done $0x0  }
0x91: {  	[sflag:s10] =	ssyncadd.s32 $0xFFFFFFE0  }
0x92: {  	_ =	swait.ge [sflag:s10], $0x8000  }
0x93: {  	[sflag:s10] =	ssyncset.done $0x0  }
0x94: {  	[sflag:s10] =	ssyncadd.s32 $0xFFFF8000  }
0x95: {  	v3 =	vld [tilespmem:$0x80];
	_ =	sdelay $0x4  }
0x96: {  	v60 =	vshll.u32 v3, $0x3  }
0x97: {  	v3 =	vand.u32 $0x7, v3;
	v4 =	vand.u32 $0xFFFFFFC0, v60  }
0x98: {  	v3 =	vor.u32 v3, v4  }
0x99: {  	v4 =	vperm.xlane v3, v0;
	_ =	sdelay $0x1  }
0x9a: {  	v4 =	vadd.s32 v1, v4;
	_ =	sdelay $0x4  }
0x9b: {  	[hbm4b:s3+s2] =	stream.indirect_vreg.scatter [tilespmem:s5], [sflag:$0x3], $0x80, v4, vm0, $0xb8;
	[tilespmem:$0x10300] =	vst v63  }
0x9c: {  	s1 =	simm.s32 $0x8B00;
	v3 =	vperm.xlane v3, v2  }
0x9d: {  	[hbm4b:s6+s2] =	stream.indirect_vreg.scatter [tilespmem:s1], [sflag:$0x3], $0x80, v4, vm0, $0xb8;
	[tilespmem:$0x10300] =	vst v63  }
0x9e: {  	s11 =	simm.s32 $0x9300;
	v3 =	vadd.s32 v1, v3  }
0x9f: {  	[hbm4b:s7+s2] =	stream.indirect_vreg.scatter [tilespmem:s11], [sflag:$0x3], $0x80, v4, vm0, $0xb8;
	[tilespmem:$0x10300] =	vst v63  }
0xa0: {  	s12 =	simm.s32 $0x9B00  }
0xa1: {  	[hbm4b:s8+s2] =	stream.indirect_vreg.scatter [tilespmem:s12], [sflag:$0x3], $0x80, v4, vm0, $0xb8;
	[tilespmem:$0x10300] =	vst v63  }
0xa2: {  	s14 =	simm.s32 $0xA300  }
0xa3: {  	[hbm4b:s3+s2] =	stream.indirect_vreg.scatter [tilespmem:s14], [sflag:$0x3], $0x80, v3, vm0, $0xb8;
	[tilespmem:$0x10300] =	vst v63  }
0xa4: {  	s16 =	simm.s32 $0xAB00  }
0xa5: {  	[hbm4b:s6+s2] =	stream.indirect_vreg.scatter [tilespmem:s16], [sflag:$0x3], $0x80, v3, vm0, $0xb8;
	[tilespmem:$0x10300] =	vst v63  }
0xa6: {  	s18 =	simm.s32 $0xB300  }
0xa7: {  	[hbm4b:s7+s2] =	stream.indirect_vreg.scatter [tilespmem:s18], [sflag:$0x3], $0x80, v3, vm0, $0xb8;
	[tilespmem:$0x10300] =	vst v63  }
0xa8: {  	s19 =	simm.s32 $0xBB00  }
0xa9: {  	[hbm4b:s8+s2] =	stream.indirect_vreg.scatter [tilespmem:s19], [sflag:$0x3], $0x80, v3, vm0, $0xb8;
	[tilespmem:$0x10300] =	vst v63  }
0xaa: {  	v3 =	vld [tilespmem:$0x90];
	_ =	sdelay $0x4  }
0xab: {  	v61 =	vshll.u32 v3, $0x3  }
0xac: {  	v3 =	vand.u32 $0x7, v3;
	v4 =	vand.u32 $0xFFFFFFC0, v61  }
0xad: {  	v3 =	vor.u32 v3, v4  }
0xae: {  	v4 =	vperm.xlane v3, v0;
	_ =	sdelay $0x1  }
0xaf: {  	v4 =	vadd.s32 v1, v4;
	_ =	sdelay $0x3  }
0xb0: {  	s20 =	simm.s32 $0xC300  }
0xb1: {  	[hbm4b:s3+s2] =	stream.indirect_vreg.scatter [tilespmem:s20], [sflag:$0x3], $0x80, v4, vm0, $0xb8;
	[tilespmem:$0x10300] =	vst v63  }
0xb2: {  	s21 =	simm.s32 $0xCB00;
	v3 =	vperm.xlane v3, v2  }
0xb3: {  	[hbm4b:s6+s2] =	stream.indirect_vreg.scatter [tilespmem:s21], [sflag:$0x3], $0x80, v4, vm0, $0xb8;
	[tilespmem:$0x10300] =	vst v63  }
0xb4: {  	s22 =	simm.s32 $0xD300;
	v3 =	vadd.s32 v1, v3  }
0xb5: {  	[hbm4b:s7+s2] =	stream.indirect_vreg.scatter [tilespmem:s22], [sflag:$0x3], $0x80, v4, vm0, $0xb8;
	[tilespmem:$0x10300] =	vst v63  }
0xb6: {  	s23 =	simm.s32 $0xDB00  }
0xb7: {  	[hbm4b:s8+s2] =	stream.indirect_vreg.scatter [tilespmem:s23], [sflag:$0x3], $0x80, v4, vm0, $0xb8;
	[tilespmem:$0x10300] =	vst v63  }
0xb8: {  	s24 =	simm.s32 $0xE300  }
0xb9: {  	[hbm4b:s3+s2] =	stream.indirect_vreg.scatter [tilespmem:s24], [sflag:$0x3], $0x80, v3, vm0, $0xb8;
	[tilespmem:$0x10300] =	vst v63  }
0xba: {  	s25 =	simm.s32 $0xEB00  }
0xbb: {  	[hbm4b:s6+s2] =	stream.indirect_vreg.scatter [tilespmem:s25], [sflag:$0x3], $0x80, v3, vm0, $0xb8;
	[tilespmem:$0x10300] =	vst v63  }
0xbc: {  	s26 =	simm.s32 $0xF300  }
0xbd: {  	[hbm4b:s7+s2] =	stream.indirect_vreg.scatter [tilespmem:s26], [sflag:$0x3], $0x80, v3, vm0, $0xb8;
	[tilespmem:$0x10300] =	vst v63  }
0xbe: {  	s31 =	simm.s32 $0xFB00  }
0xbf: {  	[hbm4b:s8+s2] =	stream.indirect_vreg.scatter [tilespmem:s31], [sflag:$0x3], $0x80, v3, vm0, $0xb8;
	[tilespmem:$0x10300] =	vst v63  }
0xc0: {  	v3 =	vld [tilespmem:$0x180];
	_ =	sdelay $0x4  }
0xc1: {  	v62 =	vshll.u32 v3, $0x3  }
0xc2: {  	v3 =	vand.u32 $0x7, v3;
	v4 =	vand.u32 $0xFFFFFFC0, v62  }
0xc3: {  	v3 =	vor.u32 v3, v4  }
0xc4: {  	v4 =	vperm.xlane v3, v0;
	_ =	sdelay $0x1  }
0xc5: {  	v4 =	vadd.s32 v1, v4;
	_ =	sdelay $0x4  }
0xc6: {  	[hbm4b:s3+s2] =	stream.indirect_vreg.scatter [tilespmem:s5], [sflag:$0x3], $0x80, v4, vm0, $0xb8;
	[tilespmem:$0x10300] =	vst v63  }
0xc7: {  	v3 =	vperm.xlane v3, v2  }
0xc8: {  	[hbm4b:s6+s2] =	stream.indirect_vreg.scatter [tilespmem:s1], [sflag:$0x3], $0x80, v4, vm0, $0xb8;
	[tilespmem:$0x10300] =	vst v63  }
0xc9: {  	v3 =	vadd.s32 v1, v3  }
0xca: {  	[hbm4b:s7+s2] =	stream.indirect_vreg.scatter [tilespmem:s11], [sflag:$0x3], $0x80, v4, vm0, $0xb8;
	[tilespmem:$0x10300] =	vst v63  }
0xcb: {  	_ = 	snop  }
0xcc: {  	[hbm4b:s8+s2] =	stream.indirect_vreg.scatter [tilespmem:s12], [sflag:$0x3], $0x80, v4, vm0, $0xb8;
	[tilespmem:$0x10300] =	vst v63  }
0xcd: {  	_ = 	snop  }
0xce: {  	[hbm4b:s3+s2] =	stream.indirect_vreg.scatter [tilespmem:s14], [sflag:$0x3], $0x80, v3, vm0, $0xb8;
	[tilespmem:$0x10300] =	vst v63  }
0xcf: {  	_ = 	snop  }
0xd0: {  	[hbm4b:s6+s2] =	stream.indirect_vreg.scatter [tilespmem:s16], [sflag:$0x3], $0x80, v3, vm0, $0xb8;
	[tilespmem:$0x10300] =	vst v63  }
0xd1: {  	_ = 	snop  }
0xd2: {  	[hbm4b:s7+s2] =	stream.indirect_vreg.scatter [tilespmem:s18], [sflag:$0x3], $0x80, v3, vm0, $0xb8;
	[tilespmem:$0x10300] =	vst v63  }
0xd3: {  	_ = 	snop  }
0xd4: {  	[hbm4b:s8+s2] =	stream.indirect_vreg.scatter [tilespmem:s19], [sflag:$0x3], $0x80, v3, vm0, $0xb8;
	[tilespmem:$0x10300] =	vst v63  }
0xd5: {  	v3 =	vld [tilespmem:$0x190];
	_ =	sdelay $0x4  }
0xd6: {  	v63 =	vshll.u32 v3, $0x3  }
0xd7: {  	v3 =	vand.u32 $0x7, v3;
	v4 =	vand.u32 $0xFFFFFFC0, v63  }
0xd8: {  	v3 =	vor.u32 v3, v4  }
0xd9: {  	v4 =	vperm.xlane v3, v0;
	_ =	sdelay $0x1  }
0xda: {  	v4 =	vadd.s32 v1, v4;
	_ =	sdelay $0x4  }
0xdb: {  	[hbm4b:s3+s2] =	stream.indirect_vreg.scatter [tilespmem:s20], [sflag:$0x3], $0x80, v4, vm0, $0xb8;
	[tilespmem:$0x10300] =	vst v63  }
0xdc: {  	v3 =	vperm.xlane v3, v2  }
0xdd: {  	[hbm4b:s6+s2] =	stream.indirect_vreg.scatter [tilespmem:s21], [sflag:$0x3], $0x80, v4, vm0, $0xb8;
	[tilespmem:$0x10300] =	vst v63  }
0xde: {  	v3 =	vadd.s32 v1, v3  }
0xdf: {  	[hbm4b:s7+s2] =	stream.indirect_vreg.scatter [tilespmem:s22], [sflag:$0x3], $0x80, v4, vm0, $0xb8;
	[tilespmem:$0x10300] =	vst v63  }
0xe0: {  	_ = 	snop  }
0xe1: {  	[hbm4b:s8+s2] =	stream.indirect_vreg.scatter [tilespmem:s23], [sflag:$0x3], $0x80, v4, vm0, $0xb8;
	[tilespmem:$0x10300] =	vst v63  }
0xe2: {  	_ = 	snop  }
0xe3: {  	[hbm4b:s3+s2] =	stream.indirect_vreg.scatter [tilespmem:s24], [sflag:$0x3], $0x80, v3, vm0, $0xb8;
	[tilespmem:$0x10300] =	vst v63  }
0xe4: {  	_ = 	snop  }
0xe5: {  	[hbm4b:s6+s2] =	stream.indirect_vreg.scatter [tilespmem:s25], [sflag:$0x3], $0x80, v3, vm0, $0xb8;
	[tilespmem:$0x10300] =	vst v63  }
0xe6: {  	_ = 	snop  }
0xe7: {  	[hbm4b:s7+s2] =	stream.indirect_vreg.scatter [tilespmem:s26], [sflag:$0x3], $0x80, v3, vm0, $0xb8;
	[tilespmem:$0x10300] =	vst v63  }
0xe8: {  	_ = 	snop  }
0xe9: {  	[hbm4b:s8+s2] =	stream.indirect_vreg.scatter [tilespmem:s31], [sflag:$0x3], $0x80, v3, vm0, $0xb8;
	[tilespmem:$0x10300] =	vst v63  }
0xea: {  	s24 =	rddreg [dreg:$0xb];
	s26 =	simm.s32 $0x80  }
0xeb: {  	[hbm4b:s4+s13] =	stream.indirect.scatter [tilespmem:s24], [sflag:$0x3], $0x1, s26, s13, $0xb8;
	[tilespmem:$0x10300] =	vst v63  }
0xec: {  	s25 =	rddreg [dreg:$0xc]  }
0xed: {  	[hbm4b:s4+s13] =	stream.indirect.scatter [tilespmem:s25], [sflag:$0x3], $0x1, s15, s13, $0xb8;
	[tilespmem:$0x10300] =	vst v63  }
0xee: {  	_ =	swait.ge [sflag:s30], $0x8000  }
0xef: {  	[sflag:s30] =	ssyncset.done $0x0  }
0xf0: {  	[sflag:s30] =	ssyncadd.s32 $0xFFFF8000  }
0xf1: {  	_ =	swait.ge [sflag:s30], $0x8000  }
0xf2: {  	[sflag:s30] =	ssyncset.done $0x0  }
0xf3: {  	[sflag:s30] =	ssyncadd.s32 $0xFFFF8000  }
0xf4: {  	_ =	swait.ge [sflag:s30], $0x20  }
0xf5: {  	[sflag:s30] =	ssyncset.done $0x0  }
0xf6: {  	[sflag:s30] =	ssyncadd.s32 $0xFFFFFFE0  }
0xf7: {  	_ =	swait.ge [sflag:s30], $0x20  }
0xf8: {  	[sflag:s30] =	ssyncset.done $0x0  }
0xf9: {  	[sflag:s30] =	ssyncadd.s32 $0xFFFFFFE0  }
0xfa: {  	_ =	swait.ge [sflag:s30], $0x8000  }
0xfb: {  	[sflag:s30] =	ssyncset.done $0x0  }
0xfc: {  	[sflag:s30] =	ssyncadd.s32 $0xFFFF8000  }
0xfd: {  	_ =	swait.ge [sflag:s30], $0x8000  }
0xfe: {  	[sflag:s30] =	ssyncset.done $0x0  }
0xff: {  	[sflag:s30] =	ssyncadd.s32 $0xFFFF8000  }
0x100: {  	p0 =	sne.s32 s9, $0x1;
	_ =	swait.ge [sflag:s30], $0x20  }
.Ltmp0:
0x101: {  	[sflag:s30] =	ssyncset.done $0x0;
	(pc) =	sbr.rel @p0 .LBB2_1-.Ltmp0, $4  }
0x102: {  	[sflag:s30] =	ssyncadd.s32 $0xFFFFFFE0  }
0x103: {  	_ =	swait.ge [sflag:s30], $0x20  }
0x104: {  	[sflag:s30] =	ssyncset.done $0x0  }
0x105: {  	s9 =	sadd.s32 $0xFFFFFFFF, s9;
	[sflag:s30] =	ssyncadd.s32 $0xFFFFFFE0  }
0x106: {  	_ =	sfence.sel $0x180000  }
0x107: {  	[bflag:$0x0] =	sbarrier.arrive $0xFFFF  }
0x108: {  	_ =	strace $0x90000047  }
0x109: {  	s0 =	stileid.u32;
	[bflag:$0x2] =	sbarrier.arrive $0xFFFF  }
0x10a: {  	p0 =	sne.s32 s0, $0x0;
	s0 =	rddreg [dreg:$0x3]  }
0x10b: {  	s0 =	sadd.s32 @!p0 $0x100000, s0  }
0x10c: {  	[sflag:s0] =	ssyncadd.tile.s32 @!p0 $0x1;
	_ =	shalt  }
.Lfunc_end2:
_tile_overlayer_lowered:
.L_overlay_start_2:
0x10d: {  	(tag) =	ssettag $0x2  }
0x10e: {  	s0 =	rddreg [dreg:$0x0];
	s2 =	stileid.u32  }
0x10f: {  	s1 =	rddreg [dreg:$0x1];
	p0 =	sne.s32 s2, $0x0  }
0x110: {  	s3 =	rddreg [dreg:$0x2];
	[bflag:$0x3] =	sbarrier.arrive $0xFFFF;
	s2 =	simm.s32 @!p0 $0x1C04  }
0x111: {  	[timem:s3], [sflag:s2] =	dma.local @!p0 [hbm:s0], s1  }
0x112: {  	s0 =	simm.s32 @!p0 $0x4  }
0x113: {  	_ =	swait.ge @!p0 [sflag:s0], s1  }
0x114: {  	s1 =	ssub.s32 @!p0 $0x0, s1;
	[sflag:s0] =	ssyncset.done @!p0 $0x0  }
0x115: {  	[sflag:s0] =	ssyncadd.s32 @!p0 s1  }
0x116: {  	[bflag:$0x3] =	sbarrier.arrive $0xFFFF  }
0x117: {  	_ =	shalt  }

</sc_bundles>
